<compile_context>
chip_gen: v7x
topology: tpu7x:2x2x1
jax: 0.10.2.dev20260603
libtpu: 0.0.44.dev20260713+nightly
codegen_flags: <defaults>
</compile_context>

<pallas_src>
import functools

import jax
import jax.numpy as jnp
from jax import lax
from jax.experimental import pallas as pl
from jax.experimental.pallas import tpu as pltpu
from jax.experimental.pallas import tpu_sc as plsc

B, S, D = 2, 2048, 768
E = 64
H = D * 2
MH = D * 2
T = B * S
CAP = int(T / E * 2.0)
CHUNK = 512
NCH = T // CHUNK
NSLOT = E * CAP
RPAD = NSLOT + CAP
GREP = 128

NC, NS = 2, 16
NW = NC * NS
TPW = T // NW
HTOK = 64



def _k1_body(loss_ref, x_ref, wg_ref,
             gate_ref, cslot_ref, dslot_ref, cnt_ref, loss_out_ref,
             counts_s, psum_s):
    c = pl.program_id(0)

    @pl.when(c == 0)
    def _init():
        counts_s[...] = jnp.zeros_like(counts_s)
        psum_s[...] = jnp.zeros_like(psum_s)

    x = x_ref[...]
    logits = jnp.dot(x, wg_ref[...], preferred_element_type=jnp.float32)
    m = jnp.max(logits, axis=1, keepdims=True)
    ex = jnp.exp(logits - m)
    s = jnp.sum(ex, axis=1, keepdims=True)
    probs = ex / s
    pmax = jnp.max(probs, axis=1, keepdims=True)
    e_iota = lax.broadcasted_iota(jnp.int32, (CHUNK, E), 1)
    idx0 = jnp.min(jnp.where(probs == pmax, e_iota, E), axis=1)
    one_hot = (e_iota == idx0[:, None]).astype(jnp.float32)

    r_iota = lax.broadcasted_iota(jnp.int32, (CHUNK, CHUNK), 0)
    q_iota = lax.broadcasted_iota(jnp.int32, (CHUNK, CHUNK), 1)
    tril = (r_iota >= q_iota).astype(jnp.bfloat16)
    incl = jnp.dot(tril, one_hot.astype(jnp.bfloat16),
                   preferred_element_type=jnp.float32)

    counts_prev = counts_s[...]
    pos = jnp.sum((incl + counts_prev) * one_hot, axis=1) - 1.0
    keep = pos < float(CAP)
    pos_c = jnp.clip(pos.astype(jnp.int32), 0, CAP - 1)
    slot = idx0 * CAP + pos_c
    t_iota = lax.iota(jnp.int32, CHUNK)
    pad_row = NSLOT + (t_iota & (CAP - 1))
    dslot_ref[0, 0, :] = jnp.where(keep, slot, pad_row)
    cslot_ref[0, 0, :] = jnp.where(keep, slot, pad_row)
    gate_eff = jnp.where(keep, pmax[:, 0], 0.0)
    gate_ref[...] = jnp.broadcast_to(gate_eff[:, None], (CHUNK, GREP))

    counts_new = counts_prev + jnp.sum(one_hot, axis=0, keepdims=True)
    counts_s[...] = counts_new
    psum_s[...] = psum_s[...] + jnp.sum(probs, axis=0, keepdims=True)

    @pl.when(c == NCH - 1)
    def _fin():
        frac = counts_s[...] / float(T)
        pmean = psum_s[...] / float(T)
        aux = float(E) * jnp.sum(frac * pmean)
        loss_out_ref[0, 0] = loss_ref[0, 0] + aux
        cnt_ref[...] = jnp.minimum(counts_s[...], float(CAP)).astype(jnp.int32)


def _k1(xf, loss, wg):
    return pl.pallas_call(
        _k1_body,
        grid=(NCH,),
        in_specs=[
            pl.BlockSpec((1, 1), lambda c: (0, 0), memory_space=pltpu.SMEM),
            pl.BlockSpec((CHUNK, D), lambda c: (c, 0)),
            pl.BlockSpec((D, E), lambda c: (0, 0)),
        ],
        out_specs=[
            pl.BlockSpec((CHUNK, GREP), lambda c: (c, 0)),
            pl.BlockSpec((1, 1, CHUNK), lambda c: (c, 0, 0)),
            pl.BlockSpec((1, 1, CHUNK), lambda c: (c, 0, 0)),
            pl.BlockSpec((1, E), lambda c: (0, 0)),
            pl.BlockSpec((1, 1), lambda c: (0, 0), memory_space=pltpu.SMEM),
        ],
        out_shape=[
            jax.ShapeDtypeStruct((T, GREP), jnp.float32),
            jax.ShapeDtypeStruct((NCH, 1, CHUNK), jnp.int32),
            jax.ShapeDtypeStruct((NCH, 1, CHUNK), jnp.int32),
            jax.ShapeDtypeStruct((1, E), jnp.int32),
            jax.ShapeDtypeStruct((1, 1), jnp.float32),
        ],
        scratch_shapes=[
            pltpu.VMEM((1, E), jnp.float32),
            pltpu.VMEM((1, E), jnp.float32),
        ],
        compiler_params=pltpu.CompilerParams(
            dimension_semantics=("arbitrary",)),
    )(loss.reshape(1, 1), xf, wg)



@functools.cache
def _get_k2():
    @functools.partial(
        pl.kernel,
        out_type=[jax.ShapeDtypeStruct((RPAD, D), jnp.float32),
                  jax.ShapeDtypeStruct((RPAD, GREP), jnp.float32)],
        mesh=plsc.VectorSubcoreMesh(core_axis_name="c", subcore_axis_name="s"),
        scratch_types=[pltpu.VMEM((TPW,), jnp.int32),
                       pltpu.VMEM((TPW, D), jnp.float32),
                       pltpu.VMEM((TPW, GREP), jnp.float32),
                       pltpu.SemaphoreType.DMA,
                       pltpu.SemaphoreType.DMA],
    )
    def _k2(xf_hbm, dslot_hbm, gate_hbm, xout_hbm, gout_hbm,
            idx_v, rows_v, g_v, sem1, sem2):
        w = lax.axis_index("s") * NC + lax.axis_index("c")
        base = w * TPW
        wpc = CHUNK // TPW
        pltpu.sync_copy(
            dslot_hbm.at[w // wpc, 0, pl.ds((w % wpc) * TPW, TPW)], idx_v)
        pltpu.sync_copy(xf_hbm.at[pl.ds(base, TPW)], rows_v)
        pltpu.sync_copy(gate_hbm.at[pl.ds(base, TPW)], g_v)
        cp1 = pltpu.async_copy(rows_v, xout_hbm.at[idx_v], sem1)
        cp2 = pltpu.async_copy(g_v, gout_hbm.at[idx_v], sem2)
        cp1.wait()
        cp2.wait()

    return _k2



MTOK = T // E


def _k3_body(xin_ref, w1_ref, b1_ref, w2_ref, b2_ref, g_ref, cnt_ref,
             xm_ref, fw1_ref, fb1_ref, fw2_ref, fb2_ref,
             yo_ref, mlp_ref):
    e = pl.program_id(0)
    cnt = cnt_ref[0, jnp.minimum(e, E - 1)]
    row = lax.broadcasted_iota(jnp.int32, (CAP, 1), 0)
    mask = row < cnt
    x = jnp.where(mask, xin_ref[...], 0.0)
    g = jnp.where(row[:, 0] < cnt, g_ref[:, 0], 0.0)
    h = jax.nn.gelu(jnp.dot(x, w1_ref[0], preferred_element_type=jnp.float32)
                    + b1_ref[0])
    y = (jnp.dot(h, w2_ref[0], preferred_element_type=jnp.float32)
         + b2_ref[0]) * g[:, None]
    yo_ref[...] = jnp.where(e >= E, 0.0, y)
    xm = xm_ref[...]
    hm = jax.nn.gelu(jnp.dot(xm, fw1_ref[...],
                             preferred_element_type=jnp.float32)
                     + fb1_ref[...])
    mlp_ref[...] = (jnp.dot(hm, fw2_ref[...],
                            preferred_element_type=jnp.float32)
                    + fb2_ref[...])


def _k3(expert_in, w1, b1e, w2, b2e, gate_slot, cnt, xf, fw1, fb1, fw2, fb2):
    nsteps = RPAD // CAP
    return pl.pallas_call(
        _k3_body,
        grid=(nsteps,),
        in_specs=[
            pl.BlockSpec((CAP, D), lambda e: (e, 0)),
            pl.BlockSpec((1, D, H), lambda e: (jnp.minimum(e, E - 1), 0, 0)),
            pl.BlockSpec((1, 1, H), lambda e: (jnp.minimum(e, E - 1), 0, 0)),
            pl.BlockSpec((1, H, D), lambda e: (jnp.minimum(e, E - 1), 0, 0)),
            pl.BlockSpec((1, 1, D), lambda e: (jnp.minimum(e, E - 1), 0, 0)),
            pl.BlockSpec((CAP, GREP), lambda e: (e, 0)),
            pl.BlockSpec(memory_space=pltpu.SMEM),
            pl.BlockSpec((MTOK, D), lambda e: (jnp.minimum(e, E - 1), 0)),
            pl.BlockSpec((D, MH), lambda e: (0, 0)),
            pl.BlockSpec((1, MH), lambda e: (0, 0)),
            pl.BlockSpec((MH, D), lambda e: (0, 0)),
            pl.BlockSpec((1, D), lambda e: (0, 0)),
        ],
        out_specs=[
            pl.BlockSpec((CAP, D), lambda e: (e, 0)),
            pl.BlockSpec((MTOK, D), lambda e: (jnp.minimum(e, E - 1), 0)),
        ],
        out_shape=[
            jax.ShapeDtypeStruct((RPAD, D), jnp.float32),
            jax.ShapeDtypeStruct((T, D), jnp.float32),
        ],
        compiler_params=pltpu.CompilerParams(
            dimension_semantics=("arbitrary",)),
    )(expert_in, w1, b1e.reshape(E, 1, H), w2, b2e.reshape(E, 1, D),
      gate_slot, cnt,
      xf, fw1, fb1.reshape(1, MH), fw2, fb2.reshape(1, D))



@functools.cache
def _get_k4():
    @functools.partial(
        pl.kernel,
        out_type=jax.ShapeDtypeStruct((T, D), jnp.float32),
        mesh=plsc.VectorSubcoreMesh(core_axis_name="c", subcore_axis_name="s"),
        scratch_types=[pltpu.VMEM((TPW,), jnp.int32),
                       pltpu.VMEM((HTOK, D), jnp.float32),
                       pltpu.VMEM((HTOK, D), jnp.float32),
                       pltpu.SemaphoreType.DMA],
    )
    def _k4(yo_hbm, cslot_hbm, mlp_hbm, out_hbm, idx_v, yo_v, mlp_v, sem):
        w = lax.axis_index("s") * NC + lax.axis_index("c")
        base = w * TPW
        wpc = CHUNK // TPW
        pltpu.sync_copy(
            cslot_hbm.at[w // wpc, 0, pl.ds((w % wpc) * TPW, TPW)], idx_v)
        for half in range(2):
            hb = base + half * HTOK
            pltpu.sync_copy(mlp_hbm.at[pl.ds(hb, HTOK)], mlp_v)
            pltpu.async_copy(
                yo_hbm.at[idx_v.at[pl.ds(half * HTOK, HTOK)]], yo_v,
                sem).wait()

            def _row(i, _):
                for j in range(D // 16):
                    sl = pl.ds(j * 16, 16)
                    mlp_v[i, sl] = mlp_v[i, sl] + yo_v[i, sl]
                return 0

            lax.fori_loop(0, HTOK, _row, 0)
            pltpu.sync_copy(mlp_v, out_hbm.at[pl.ds(hb, HTOK)])

    return _k4



def kernel(x_t, loss, Wg, w1, b1e, w2, b2e, fw1, fb1, fw2, fb2):
    xf = x_t.reshape(T, D)
    gate_rep, cslot, dslot, cnt, loss_out = _k1(xf, loss, Wg)
    expert_in, gate_slot = _get_k2()(xf, dslot, gate_rep)
    yo, mlp_out = _k3(expert_in, w1, b1e, w2, b2e, gate_slot, cnt,
                      xf, fw1, fb1, fw2, fb2)
    out = _get_k4()(yo, cslot, mlp_out)
    return out.reshape(B, S, D), loss_out.reshape(())

# --- scband reference (transcript-rebuilt; emitter-appended) ---
"""Pipeline reference for scband-newffn-37623913513619 (READ-ONLY COPY).

The authoritative reference and input builder live on the scoring server;
editing this copy changes nothing except your own understanding.
"""

import jax, jax.numpy as jnp
import numpy as np

B, S, D = 2, 2048, 768
E = 64
TOPN = 1
H = D * 2          # expert hidden (expert_hidden_mult=2)
MH = D * 2         # mlp_main hidden (dim*2)
T = B * S
CAP = int(T / E * 2.0)  # capacity factor 2.0 -> 128


def setup_inputs(seed: int = 0) -> dict:
    key = jax.random.key(seed)
    ks = jax.random.split(key, 12)
    x_t = jax.random.normal(ks[0], (B, S, D), dtype=jnp.float32)
    loss = jnp.zeros((), dtype=jnp.float32)
    # MoE params
    Wg = jax.random.normal(ks[1], (D, E), dtype=jnp.float32) * 0.02
    w1 = jax.random.normal(ks[2], (E, D, H), dtype=jnp.float32) * 0.02
    b1e = jnp.zeros((E, H), dtype=jnp.float32)
    w2 = jax.random.normal(ks[3], (E, H, D), dtype=jnp.float32) * 0.02
    b2e = jnp.zeros((E, D), dtype=jnp.float32)
    # mlp_main params
    fw1 = jax.random.normal(ks[4], (D, MH), dtype=jnp.float32) * 0.02
    fb1 = jnp.zeros((MH,), dtype=jnp.float32)
    fw2 = jax.random.normal(ks[5], (MH, D), dtype=jnp.float32) * 0.02
    fb2 = jnp.zeros((D,), dtype=jnp.float32)
    return {"x_t": x_t, "loss": loss, "Wg": Wg, "w1": w1, "b1e": b1e,
            "w2": w2, "b2e": b2e, "fw1": fw1, "fb1": fb1, "fw2": fw2, "fb2": fb2}


def reference(x_t, loss, Wg, w1, b1e, w2, b2e, fw1, fb1, fw2, fb2):
    Bs, Ss, Ds = x_t.shape
    Tt = Bs * Ss
    xf = x_t.reshape(Tt, Ds)
    # ---- MoE router (top-1 gating) ----
    logits = xf @ Wg                                  # [T, E]
    probs = jax.nn.softmax(logits, axis=-1)
    gate_vals, idx = jax.lax.top_k(probs, TOPN)       # [T,1]
    idx0 = idx[:, 0]
    gate = gate_vals[:, 0]
    one_hot = jax.nn.one_hot(idx0, E, dtype=xf.dtype) # [T, E]
    # position of each token within its expert's buffer
    pos = jnp.cumsum(one_hot, axis=0) - 1.0           # [T, E]
    pos_tok = jnp.sum(pos * one_hot, axis=1)          # [T]
    keep = (pos_tok < CAP).astype(xf.dtype)
    pos_c = jnp.clip(pos_tok.astype(jnp.int32), 0, CAP - 1)
    # scatter-dispatch tokens into per-expert buffers
    xin = xf * keep[:, None]
    expert_in = jnp.zeros((E, CAP, Ds), dtype=xf.dtype).at[idx0, pos_c].add(xin)
    # per-expert FFN
    h = jax.nn.gelu(jnp.einsum('ecd,edh->ech', expert_in, w1) + b1e[:, None, :])
    yo = jnp.einsum('ech,ehd->ecd', h, w2) + b2e[:, None, :]
    # gather-combine back to tokens
    y_tok = yo[idx0, pos_c] * keep[:, None] * gate[:, None]
    moe_out = y_tok.reshape(Bs, Ss, Ds)
    # load-balancing aux loss
    frac = jnp.mean(one_hot, axis=0)
    pmean = jnp.mean(probs, axis=0)
    aux = E * jnp.sum(frac * pmean)
    # ---- mlp_main ----
    mlp = jax.nn.gelu(xf @ fw1 + fb1) @ fw2 + fb2
    out = moe_out + mlp.reshape(Bs, Ss, Ds)
    return (out, loss + aux)

if __name__ == "__main__":
    import jax
    _d = setup_inputs()
    print(jax.jit(kernel)(*tuple(_d.values())))

</pallas_src>

<mosaic_0001>
#map = affine_map<(d0, d1) -> (0, 0)>
#map1 = affine_map<(d0, d1) -> (0, 0, 0)>
module attributes {stable_mosaic.version = 14 : i64} {
  func.func @_k4(%arg0: i32, %arg1: i32, %arg2: memref<8320x768xf32, #tpu.memory_space<hbm>>, %arg3: memref<8x1x512xi32, #tpu.memory_space<hbm>>, %arg4: memref<4096x768xf32, #tpu.memory_space<hbm>>, %arg5: memref<4096x768xf32, #tpu.memory_space<hbm>>, %arg6: memref<128xi32, #tpu.memory_space<vmem>>, %arg7: memref<64x768xf32, #tpu.memory_space<vmem>>, %arg8: memref<64x768xf32, #tpu.memory_space<vmem>>, %arg9: memref<!tpu.dma_semaphore, #tpu.memory_space<semaphore_mem>>) attributes {dimension_semantics = [#tpu.dimension_semantics<core_parallel>, #tpu.dimension_semantics<subcore_parallel>], iteration_bounds = array<i64: 2, 16>, scalar_prefetch = 0 : i64, scratch_operands = 4 : i64, tpu.core_type = #tpu.core_type<sc_vector_subcore>, window_params = [{transform_indices = #map}, {transform_indices = #map1}, {transform_indices = #map}, {transform_indices = #map}]} {
    %mul3A = arith.constant 2 : i32
    %mul3A_0 = arith.muli %arg1, %mul3A : i32
    %add3A = arith.addi %mul3A_0, %arg0 : i32
    %mul3A_1 = arith.constant 128 : i32
    %mul3A_2 = arith.muli %add3A, %mul3A_1 : i32
    %jit3A = arith.constant 4 : i32
    %div3A = arith.divsi %add3A, %jit3A : i32
    %sign3A = arith.constant 0 : i32
    %sign3A_3 = arith.cmpi sgt, %add3A, %sign3A : i32
    %sign3A_4 = arith.extui %sign3A_3 : i1 to i32
    %sign3A_5 = arith.constant 0 : i32
    %sign3A_6 = arith.cmpi slt, %add3A, %sign3A_5 : i32
    %sign3A_7 = arith.extui %sign3A_6 : i1 to i32
    %sign3A_8 = arith.subi %sign3A_4, %sign3A_7 : i32
    %sign3A_9 = arith.constant 0 : i32
    %sign3A_10 = arith.cmpi sgt, %jit3A, %sign3A_9 : i32
    %sign3A_11 = arith.extui %sign3A_10 : i1 to i32
    %sign3A_12 = arith.constant 0 : i32
    %sign3A_13 = arith.cmpi slt, %jit3A, %sign3A_12 : i32
    %sign3A_14 = arith.extui %sign3A_13 : i1 to i32
    %sign3A_15 = arith.subi %sign3A_11, %sign3A_14 : i32
    %ne3A = arith.cmpi ne, %sign3A_8, %sign3A_15 : i32
    %rem3A = arith.remsi %add3A, %jit3A : i32
    %ne3A_16 = arith.constant 0 : i32
    %ne3A_17 = arith.cmpi ne, %rem3A, %ne3A_16 : i32
    %and3A = arith.andi %ne3A, %ne3A_17 : i1
    %sub3A = arith.constant 1 : i32
    %sub3A_18 = arith.subi %div3A, %sub3A : i32
    %select_n3A = arith.select %and3A, %sub3A_18, %div3A : i32
    %jit3A_19 = arith.constant 4 : i32
    %eq3A = arith.constant 0 : i32
    %eq3A_20 = arith.cmpi eq, %jit3A_19, %eq3A : i32
    %jit3A_21 = arith.constant 1 : i32
    %select_n3A_22 = arith.select %eq3A_20, %jit3A_21, %jit3A_19 : i32
    %rem3A_23 = arith.remsi %add3A, %select_n3A_22 : i32
    %ne3A_24 = arith.constant 0 : i32
    %ne3A_25 = arith.cmpi ne, %rem3A_23, %ne3A_24 : i32
    %lt3A = arith.constant 0 : i32
    %lt3A_26 = arith.cmpi slt, %rem3A_23, %lt3A : i32
    %lt3A_27 = arith.constant 0 : i32
    %lt3A_28 = arith.cmpi slt, %select_n3A_22, %lt3A_27 : i32
    %ne3A_29 = arith.xori %lt3A_26, %lt3A_28 : i1
    %and3A_30 = arith.andi %ne3A_29, %ne3A_25 : i1
    %add3A_31 = arith.addi %rem3A_23, %select_n3A_22 : i32
    %select_n3A_32 = arith.select %and3A_30, %add3A_31, %rem3A_23 : i32
    %mul3A_33 = arith.constant 128 : i32
    %mul3A_34 = arith.muli %select_n3A_32, %mul3A_33 : i32
    %run_scoped3A = arith.constant 0 : i32
    "tpu.region"() ({
      %run_scoped3A_70 = tpu.sem_alloc : memref<!tpu.dma_semaphore, #tpu.memory_space<semaphore_mem>>
      %dma_start3A_71 = tpu.memref_slice %arg3[%select_n3A, %run_scoped3A, %mul3A_34] : memref<8x1x512xi32, #tpu.memory_space<hbm>> -> memref<1x1x128xi32, #tpu.memory_space<hbm>>
      %dma_start3A_72 = tpu.memref_squeeze %dma_start3A_71 : memref<1x1x128xi32, #tpu.memory_space<hbm>> -> memref<128xi32, #tpu.memory_space<hbm>>
      %dma_start3A_73 = tpu.memref_slice %arg3[%select_n3A, %run_scoped3A, %mul3A_34] : memref<8x1x512xi32, #tpu.memory_space<hbm>> -> memref<1x1x128xi32, #tpu.memory_space<hbm>>
      %dma_start3A_74 = tpu.memref_squeeze %dma_start3A_73 : memref<1x1x128xi32, #tpu.memory_space<hbm>> -> memref<128xi32, #tpu.memory_space<hbm>>
      tpu.enqueue_dma source(%dma_start3A_74 : memref<128xi32, #tpu.memory_space<hbm>>) target(%arg6 : memref<128xi32, #tpu.memory_space<vmem>>) target_semaphore(%run_scoped3A_70 : memref<!tpu.dma_semaphore, #tpu.memory_space<semaphore_mem>>)
      %dma_wait3A_75 = tpu.memref_slice %arg3[%select_n3A, %run_scoped3A, %mul3A_34] : memref<8x1x512xi32, #tpu.memory_space<hbm>> -> memref<1x1x128xi32, #tpu.memory_space<hbm>>
      %dma_wait3A_76 = tpu.memref_squeeze %dma_wait3A_75 : memref<1x1x128xi32, #tpu.memory_space<hbm>> -> memref<128xi32, #tpu.memory_space<hbm>>
      %dma_wait3A_77 = tpu.memref_slice %arg3[%select_n3A, %run_scoped3A, %mul3A_34] : memref<8x1x512xi32, #tpu.memory_space<hbm>> -> memref<1x1x128xi32, #tpu.memory_space<hbm>>
      %dma_wait3A_78 = tpu.memref_squeeze %dma_wait3A_77 : memref<1x1x128xi32, #tpu.memory_space<hbm>> -> memref<128xi32, #tpu.memory_space<hbm>>
      tpu.wait_dma2 semaphore(%run_scoped3A_70 : memref<!tpu.dma_semaphore, #tpu.memory_space<semaphore_mem>>) src(%dma_wait3A_78 : memref<128xi32, #tpu.memory_space<hbm>>) dst(%arg6 : memref<128xi32, #tpu.memory_space<vmem>>)
      tpu.yield
    }) : () -> ()
    %add3A_35 = arith.constant 0 : i32
    %add3A_36 = arith.addi %mul3A_2, %add3A_35 : i32
    "tpu.region"() ({
      %run_scoped3A_70 = tpu.sem_alloc : memref<!tpu.dma_semaphore, #tpu.memory_space<semaphore_mem>>
      %dma_start3A_71 = arith.constant 0 : i32
      %dma_start3A_72 = tpu.memref_slice %arg4[%add3A_36, %dma_start3A_71] : memref<4096x768xf32, #tpu.memory_space<hbm>> -> memref<64x768xf32, #tpu.memory_space<hbm>>
      %dma_start3A_73 = arith.constant 0 : i32
      %dma_start3A_74 = tpu.memref_slice %arg4[%add3A_36, %dma_start3A_73] : memref<4096x768xf32, #tpu.memory_space<hbm>> -> memref<64x768xf32, #tpu.memory_space<hbm>>
      tpu.enqueue_dma source(%dma_start3A_74 : memref<64x768xf32, #tpu.memory_space<hbm>>) target(%arg8 : memref<64x768xf32, #tpu.memory_space<vmem>>) target_semaphore(%run_scoped3A_70 : memref<!tpu.dma_semaphore, #tpu.memory_space<semaphore_mem>>)
      %dma_wait3A_75 = arith.constant 0 : i32
      %dma_wait3A_76 = tpu.memref_slice %arg4[%add3A_36, %dma_wait3A_75] : memref<4096x768xf32, #tpu.memory_space<hbm>> -> memref<64x768xf32, #tpu.memory_space<hbm>>
      %dma_wait3A_77 = arith.constant 0 : i32
      %dma_wait3A_78 = tpu.memref_slice %arg4[%add3A_36, %dma_wait3A_77] : memref<4096x768xf32, #tpu.memory_space<hbm>> -> memref<64x768xf32, #tpu.memory_space<hbm>>
      tpu.wait_dma2 semaphore(%run_scoped3A_70 : memref<!tpu.dma_semaphore, #tpu.memory_space<semaphore_mem>>) src(%dma_wait3A_78 : memref<64x768xf32, #tpu.memory_space<hbm>>) dst(%arg8 : memref<64x768xf32, #tpu.memory_space<vmem>>)
      tpu.yield
    }) : () -> ()
    %dma_start3A = arith.constant 0 : i32
    %dma_start3A_37 = tpu.memref_slice %arg6[%dma_start3A] : memref<128xi32, #tpu.memory_space<vmem>> -> memref<64xi32, #tpu.memory_space<vmem>>
    %dma_start3A_38 = arith.constant 0 : i32
    %dma_start3A_39 = arith.constant 0 : i32
    %dma_start3A_40 = tpu.memref_slice %arg2[%dma_start3A_38, %dma_start3A_39] : memref<8320x768xf32, #tpu.memory_space<hbm>> -> memref<8320x768xf32, #tpu.memory_space<hbm>>
    tpu.enqueue_indirect_dma source(%dma_start3A_40 : memref<8320x768xf32, #tpu.memory_space<hbm>>) target(%arg7 : memref<64x768xf32, #tpu.memory_space<vmem>>) offsets(%dma_start3A_37 : memref<64xi32, #tpu.memory_space<vmem>>) semaphore(%arg9 : memref<!tpu.dma_semaphore, #tpu.memory_space<semaphore_mem>>)
    %dma_wait3A = arith.constant 0 : i32
    %dma_wait3A_41 = tpu.memref_slice %arg6[%dma_wait3A] : memref<128xi32, #tpu.memory_space<vmem>> -> memref<64xi32, #tpu.memory_space<vmem>>
    %dma_wait3A_42 = arith.constant 0 : i32
    %dma_wait3A_43 = arith.constant 0 : i32
    %dma_wait3A_44 = tpu.memref_slice %arg2[%dma_wait3A_42, %dma_wait3A_43] : memref<8320x768xf32, #tpu.memory_space<hbm>> -> memref<8320x768xf32, #tpu.memory_space<hbm>>
    tpu.wait_indirect_dma semaphore(%arg9 : memref<!tpu.dma_semaphore, #tpu.memory_space<semaphore_mem>>) src(%dma_wait3A_44 : memref<8320x768xf32, #tpu.memory_space<hbm>>) dst(%arg7 : memref<64x768xf32, #tpu.memory_space<vmem>>)
    %scan3A = arith.constant 0 : i32
    %scan3A_45 = arith.constant 0 : i32
    %scan3A_46 = arith.constant 64 : i32
    %scan3A_47 = arith.addi %scan3A_45, %scan3A_46 : i32
    %scan3A_48 = arith.constant 1 : i32
    %scan3A_49 = scf.for %scan3A_70 = %scan3A_45 to %scan3A_47 step %scan3A_48 iter_args(%scan3A_71 = %scan3A) -> (i32)  : i32 {
      %get3A = arith.index_cast %scan3A_70 : i32 to index
      %get3A_72 = arith.constant 0 : index
      %get3A_73 = tpu.vector_load %arg8[%get3A, %get3A_72] {strides = array<i32>} : memref<64x768xf32, #tpu.memory_space<vmem>>, vector<1x16xf32>,
      %get3A_74 = vector.shape_cast %get3A_73 : vector<1x16xf32> to vector<16xf32>
      %get3A_75 = arith.index_cast %scan3A_70 : i32 to index
      %get3A_76 = arith.constant 0 : index
      %get3A_77 = tpu.vector_load %arg7[%get3A_75, %get3A_76] {strides = array<i32>} : memref<64x768xf32, #tpu.memory_space<vmem>>, vector<1x16xf32>,
      %get3A_78 = vector.shape_cast %get3A_77 : vector<1x16xf32> to vector<16xf32>
      %add3A_79 = arith.addf %get3A_74, %get3A_78 : vector<16xf32>
      %swap3A = arith.index_cast %scan3A_70 : i32 to index
      %swap3A_80 = arith.constant 0 : index
      %swap3A_81 = tpu.vector_load %arg8[%swap3A, %swap3A_80] {strides = array<i32>} : memref<64x768xf32, #tpu.memory_space<vmem>>, vector<1x16xf32>,
      %swap3A_82 = vector.shape_cast %swap3A_81 : vector<1x16xf32> to vector<16xf32>
      %swap3A_83 = vector.shape_cast %add3A_79 : vector<16xf32> to vector<1x16xf32>
      tpu.vector_store %arg8[%swap3A, %swap3A_80], %swap3A_83 {strides = array<i32>} : memref<64x768xf32, #tpu.memory_space<vmem>>, vector<1x16xf32>,
      %get3A_84 = arith.index_cast %scan3A_70 : i32 to index
      %get3A_85 = arith.constant 16 : index
      %get3A_86 = tpu.vector_load %arg8[%get3A_84, %get3A_85] {strides = array<i32>} : memref<64x768xf32, #tpu.memory_space<vmem>>, vector<1x16xf32>,
      %get3A_87 = vector.shape_cast %get3A_86 : vector<1x16xf32> to vector<16xf32>
      %get3A_88 = arith.index_cast %scan3A_70 : i32 to index
      %get3A_89 = arith.constant 16 : index
      %get3A_90 = tpu.vector_load %arg7[%get3A_88, %get3A_89] {strides = array<i32>} : memref<64x768xf32, #tpu.memory_space<vmem>>, vector<1x16xf32>,
      %get3A_91 = vector.shape_cast %get3A_90 : vector<1x16xf32> to vector<16xf32>
      %add3A_92 = arith.addf %get3A_87, %get3A_91 : vector<16xf32>
      %swap3A_93 = arith.index_cast %scan3A_70 : i32 to index
      %swap3A_94 = arith.constant 16 : index
      %swap3A_95 = tpu.vector_load %arg8[%swap3A_93, %swap3A_94] {strides = array<i32>} : memref<64x768xf32, #tpu.memory_space<vmem>>, vector<1x16xf32>,
      %swap3A_96 = vector.shape_cast %swap3A_95 : vector<1x16xf32> to vector<16xf32>
      %swap3A_97 = vector.shape_cast %add3A_92 : vector<16xf32> to vector<1x16xf32>
      tpu.vector_store %arg8[%swap3A_93, %swap3A_94], %swap3A_97 {strides = array<i32>} : memref<64x768xf32, #tpu.memory_space<vmem>>, vector<1x16xf32>,
      %get3A_98 = arith.index_cast %scan3A_70 : i32 to index
      %get3A_99 = arith.constant 32 : index
      %get3A_100 = tpu.vector_load %arg8[%get3A_98, %get3A_99] {strides = array<i32>} : memref<64x768xf32, #tpu.memory_space<vmem>>, vector<1x16xf32>,
      %get3A_101 = vector.shape_cast %get3A_100 : vector<1x16xf32> to vector<16xf32>
      %get3A_102 = arith.index_cast %scan3A_70 : i32 to index
      %get3A_103 = arith.constant 32 : index
      %get3A_104 = tpu.vector_load %arg7[%get3A_102, %get3A_103] {strides = array<i32>} : memref<64x768xf32, #tpu.memory_space<vmem>>, vector<1x16xf32>,
      %get3A_105 = vector.shape_cast %get3A_104 : vector<1x16xf32> to vector<16xf32>
      %add3A_106 = arith.addf %get3A_101, %get3A_105 : vector<16xf32>
      %swap3A_107 = arith.index_cast %scan3A_70 : i32 to index
      %swap3A_108 = arith.constant 32 : index
      %swap3A_109 = tpu.vector_load %arg8[%swap3A_107, %swap3A_108] {strides = array<i32>} : memref<64x768xf32, #tpu.memory_space<vmem>>, vector<1x16xf32>,
      %swap3A_110 = vector.shape_cast %swap3A_109 : vector<1x16xf32> to vector<16xf32>
      %swap3A_111 = vector.shape_cast %add3A_106 : vector<16xf32> to vector<1x16xf32>
      tpu.vector_store %arg8[%swap3A_107, %swap3A_108], %swap3A_111 {strides = array<i32>} : memref<64x768xf32, #tpu.memory_space<vmem>>, vector<1x16xf32>,
      %get3A_112 = arith.index_cast %scan3A_70 : i32 to index
      %get3A_113 = arith.constant 48 : index
      %get3A_114 = tpu.vector_load %arg8[%get3A_112, %get3A_113] {strides = array<i32>} : memref<64x768xf32, #tpu.memory_space<vmem>>, vector<1x16xf32>,
      %get3A_115 = vector.shape_cast %get3A_114 : vector<1x16xf32> to vector<16xf32>
      %get3A_116 = arith.index_cast %scan3A_70 : i32 to index
      %get3A_117 = arith.constant 48 : index
      %get3A_118 = tpu.vector_load %arg7[%get3A_116, %get3A_117] {strides = array<i32>} : memref<64x768xf32, #tpu.memory_space<vmem>>, vector<1x16xf32>,
      %get3A_119 = vector.shape_cast %get3A_118 : vector<1x16xf32> to vector<16xf32>
      %add3A_120 = arith.addf %get3A_115, %get3A_119 : vector<16xf32>
      %swap3A_121 = arith.index_cast %scan3A_70 : i32 to index
      %swap3A_122 = arith.constant 48 : index
      %swap3A_123 = tpu.vector_load %arg8[%swap3A_121, %swap3A_122] {strides = array<i32>} : memref<64x768xf32, #tpu.memory_space<vmem>>, vector<1x16xf32>,
      %swap3A_124 = vector.shape_cast %swap3A_123 : vector<1x16xf32> to vector<16xf32>
      %swap3A_125 = vector.shape_cast %add3A_120 : vector<16xf32> to vector<1x16xf32>
      tpu.vector_store %arg8[%swap3A_121, %swap3A_122], %swap3A_125 {strides = array<i32>} : memref<64x768xf32, #tpu.memory_space<vmem>>, vector<1x16xf32>,
      %get3A_126 = arith.index_cast %scan3A_70 : i32 to index
      %get3A_127 = arith.constant 64 : index
      %get3A_128 = tpu.vector_load %arg8[%get3A_126, %get3A_127] {strides = array<i32>} : memref<64x768xf32, #tpu.memory_space<vmem>>, vector<1x16xf32>,
      %get3A_129 = vector.shape_cast %get3A_128 : vector<1x16xf32> to vector<16xf32>
      %get3A_130 = arith.index_cast %scan3A_70 : i32 to index
      %get3A_131 = arith.constant 64 : index
      %get3A_132 = tpu.vector_load %arg7[%get3A_130, %get3A_131] {strides = array<i32>} : memref<64x768xf32, #tpu.memory_space<vmem>>, vector<1x16xf32>,
      %get3A_133 = vector.shape_cast %get3A_132 : vector<1x16xf32> to vector<16xf32>
      %add3A_134 = arith.addf %get3A_129, %get3A_133 : vector<16xf32>
      %swap3A_135 = arith.index_cast %scan3A_70 : i32 to index
      %swap3A_136 = arith.constant 64 : index
      %swap3A_137 = tpu.vector_load %arg8[%swap3A_135, %swap3A_136] {strides = array<i32>} : memref<64x768xf32, #tpu.memory_space<vmem>>, vector<1x16xf32>,
      %swap3A_138 = vector.shape_cast %swap3A_137 : vector<1x16xf32> to vector<16xf32>
      %swap3A_139 = vector.shape_cast %add3A_134 : vector<16xf32> to vector<1x16xf32>
      tpu.vector_store %arg8[%swap3A_135, %swap3A_136], %swap3A_139 {strides = array<i32>} : memref<64x768xf32, #tpu.memory_space<vmem>>, vector<1x16xf32>,
      %get3A_140 = arith.index_cast %scan3A_70 : i32 to index
      %get3A_141 = arith.constant 80 : index
      %get3A_142 = tpu.vector_load %arg8[%get3A_140, %get3A_141] {strides = array<i32>} : memref<64x768xf32, #tpu.memory_space<vmem>>, vector<1x16xf32>,
      %get3A_143 = vector.shape_cast %get3A_142 : vector<1x16xf32> to vector<16xf32>
      %get3A_144 = arith.index_cast %scan3A_70 : i32 to index
      %get3A_145 = arith.constant 80 : index
      %get3A_146 = tpu.vector_load %arg7[%get3A_144, %get3A_145] {strides = array<i32>} : memref<64x768xf32, #tpu.memory_space<vmem>>, vector<1x16xf32>,
      %get3A_147 = vector.shape_cast %get3A_146 : vector<1x16xf32> to vector<16xf32>
      %add3A_148 = arith.addf %get3A_143, %get3A_147 : vector<16xf32>
      %swap3A_149 = arith.index_cast %scan3A_70 : i32 to index
      %swap3A_150 = arith.constant 80 : index
      %swap3A_151 = tpu.vector_load %arg8[%swap3A_149, %swap3A_150] {strides = array<i32>} : memref<64x768xf32, #tpu.memory_space<vmem>>, vector<1x16xf32>,
      %swap3A_152 = vector.shape_cast %swap3A_151 : vector<1x16xf32> to vector<16xf32>
      %swap3A_153 = vector.shape_cast %add3A_148 : vector<16xf32> to vector<1x16xf32>
      tpu.vector_store %arg8[%swap3A_149, %swap3A_150], %swap3A_153 {strides = array<i32>} : memref<64x768xf32, #tpu.memory_space<vmem>>, vector<1x16xf32>,
      %get3A_154 = arith.index_cast %scan3A_70 : i32 to index
      %get3A_155 = arith.constant 96 : index
      %get3A_156 = tpu.vector_load %arg8[%get3A_154, %get3A_155] {strides = array<i32>} : memref<64x768xf32, #tpu.memory_space<vmem>>, vector<1x16xf32>,
      %get3A_157 = vector.shape_cast %get3A_156 : vector<1x16xf32> to vector<16xf32>
      %get3A_158 = arith.index_cast %scan3A_70 : i32 to index
      %get3A_159 = arith.constant 96 : index
      %get3A_160 = tpu.vector_load %arg7[%get3A_158, %get3A_159] {strides = array<i32>} : memref<64x768xf32, #tpu.memory_space<vmem>>, vector<1x16xf32>,
      %get3A_161 = vector.shape_cast %get3A_160 : vector<1x16xf32> to vector<16xf32>
      %add3A_162 = arith.addf %get3A_157, %get3A_161 : vector<16xf32>
      %swap3A_163 = arith.index_cast %scan3A_70 : i32 to index
      %swap3A_164 = arith.constant 96 : index
      %swap3A_165 = tpu.vector_load %arg8[%swap3A_163, %swap3A_164] {strides = array<i32>} : memref<64x768xf32, #tpu.memory_space<vmem>>, vector<1x16xf32>,
      %swap3A_166 = vector.shape_cast %swap3A_165 : vector<1x16xf32> to vector<16xf32>
      %swap3A_167 = vector.shape_cast %add3A_162 : vector<16xf32> to vector<1x16xf32>
      tpu.vector_store %arg8[%swap3A_163, %swap3A_164], %swap3A_167 {strides = array<i32>} : memref<64x768xf32, #tpu.memory_space<vmem>>, vector<1x16xf32>,
      %get3A_168 = arith.index_cast %scan3A_70 : i32 to index
      %get3A_169 = arith.constant 112 : index
      %get3A_170 = tpu.vector_load %arg8[%get3A_168, %get3A_169] {strides = array<i32>} : memref<64x768xf32, #tpu.memory_space<vmem>>, vector<1x16xf32>,
      %get3A_171 = vector.shape_cast %get3A_170 : vector<1x16xf32> to vector<16xf32>
      %get3A_172 = arith.index_cast %scan3A_70 : i32 to index
      %get3A_173 = arith.constant 112 : index
      %get3A_174 = tpu.vector_load %arg7[%get3A_172, %get3A_173] {strides = array<i32>} : memref<64x768xf32, #tpu.memory_space<vmem>>, vector<1x16xf32>,
      %get3A_175 = vector.shape_cast %get3A_174 : vector<1x16xf32> to vector<16xf32>
      %add3A_176 = arith.addf %get3A_171, %get3A_175 : vector<16xf32>
      %swap3A_177 = arith.index_cast %scan3A_70 : i32 to index
      %swap3A_178 = arith.constant 112 : index
      %swap3A_179 = tpu.vector_load %arg8[%swap3A_177, %swap3A_178] {strides = array<i32>} : memref<64x768xf32, #tpu.memory_space<vmem>>, vector<1x16xf32>,
      %swap3A_180 = vector.shape_cast %swap3A_179 : vector<1x16xf32> to vector<16xf32>
      %swap3A_181 = vector.shape_cast %add3A_176 : vector<16xf32> to vector<1x16xf32>
      tpu.vector_store %arg8[%swap3A_177, %swap3A_178], %swap3A_181 {strides = array<i32>} : memref<64x768xf32, #tpu.memory_space<vmem>>, vector<1x16xf32>,
      %get3A_182 = arith.index_cast %scan3A_70 : i32 to index
      %get3A_183 = arith.constant 128 : index
      %get3A_184 = tpu.vector_load %arg8[%get3A_182, %get3A_183] {strides = array<i32>} : memref<64x768xf32, #tpu.memory_space<vmem>>, vector<1x16xf32>,
      %get3A_185 = vector.shape_cast %get3A_184 : vector<1x16xf32> to vector<16xf32>
      %get3A_186 = arith.index_cast %scan3A_70 : i32 to index
      %get3A_187 = arith.constant 128 : index
      %get3A_188 = tpu.vector_load %arg7[%get3A_186, %get3A_187] {strides = array<i32>} : memref<64x768xf32, #tpu.memory_space<vmem>>, vector<1x16xf32>,
      %get3A_189 = vector.shape_cast %get3A_188 : vector<1x16xf32> to vector<16xf32>
      %add3A_190 = arith.addf %get3A_185, %get3A_189 : vector<16xf32>
      %swap3A_191 = arith.index_cast %scan3A_70 : i32 to index
      %swap3A_192 = arith.constant 128 : index
      %swap3A_193 = tpu.vector_load %arg8[%swap3A_191, %swap3A_192] {strides = array<i32>} : memref<64x768xf32, #tpu.memory_space<vmem>>, vector<1x16xf32>,
      %swap3A_194 = vector.shape_cast %swap3A_193 : vector<1x16xf32> to vector<16xf32>
      %swap3A_195 = vector.shape_cast %add3A_190 : vector<16xf32> to vector<1x16xf32>
      tpu.vector_store %arg8[%swap3A_191, %swap3A_192], %swap3A_195 {strides = array<i32>} : memref<64x768xf32, #tpu.memory_space<vmem>>, vector<1x16xf32>,
      %get3A_196 = arith.index_cast %scan3A_70 : i32 to index
      %get3A_197 = arith.constant 144 : index
      %get3A_198 = tpu.vector_load %arg8[%get3A_196, %get3A_197] {strides = array<i32>} : memref<64x768xf32, #tpu.memory_space<vmem>>, vector<1x16xf32>,
      %get3A_199 = vector.shape_cast %get3A_198 : vector<1x16xf32> to vector<16xf32>
      %get3A_200 = arith.index_cast %scan3A_70 : i32 to index
      %get3A_201 = arith.constant 144 : index
      %get3A_202 = tpu.vector_load %arg7[%get3A_200, %get3A_201] {strides = array<i32>} : memref<64x768xf32, #tpu.memory_space<vmem>>, vector<1x16xf32>,
      %get3A_203 = vector.shape_cast %get3A_202 : vector<1x16xf32> to vector<16xf32>
      %add3A_204 = arith.addf %get3A_199, %get3A_203 : vector<16xf32>
      %swap3A_205 = arith.index_cast %scan3A_70 : i32 to index
      %swap3A_206 = arith.constant 144 : index
      %swap3A_207 = tpu.vector_load %arg8[%swap3A_205, %swap3A_206] {strides = array<i32>} : memref<64x768xf32, #tpu.memory_space<vmem>>, vector<1x16xf32>,
      %swap3A_208 = vector.shape_cast %swap3A_207 : vector<1x16xf32> to vector<16xf32>
      %swap3A_209 = vector.shape_cast %add3A_204 : vector<16xf32> to vector<1x16xf32>
      tpu.vector_store %arg8[%swap3A_205, %swap3A_206], %swap3A_209 {strides = array<i32>} : memref<64x768xf32, #tpu.memory_space<vmem>>, vector<1x16xf32>,
      %get3A_210 = arith.index_cast %scan3A_70 : i32 to index
      %get3A_211 = arith.constant 160 : index
      %get3A_212 = tpu.vector_load %arg8[%get3A_210, %get3A_211] {strides = array<i32>} : memref<64x768xf32, #tpu.memory_space<vmem>>, vector<1x16xf32>,
      %get3A_213 = vector.shape_cast %get3A_212 : vector<1x16xf32> to vector<16xf32>
      %get3A_214 = arith.index_cast %scan3A_70 : i32 to index
      %get3A_215 = arith.constant 160 : index
      %get3A_216 = tpu.vector_load %arg7[%get3A_214, %get3A_215] {strides = array<i32>} : memref<64x768xf32, #tpu.memory_space<vmem>>, vector<1x16xf32>,
      %get3A_217 = vector.shape_cast %get3A_216 : vector<1x16xf32> to vector<16xf32>
      %add3A_218 = arith.addf %get3A_213, %get3A_217 : vector<16xf32>
      %swap3A_219 = arith.index_cast %scan3A_70 : i32 to index
      %swap3A_220 = arith.constant 160 : index
      %swap3A_221 = tpu.vector_load %arg8[%swap3A_219, %swap3A_220] {strides = array<i32>} : memref<64x768xf32, #tpu.memory_space<vmem>>, vector<1x16xf32>,
      %swap3A_222 = vector.shape_cast %swap3A_221 : vector<1x16xf32> to vector<16xf32>
      %swap3A_223 = vector.shape_cast %add3A_218 : vector<16xf32> to vector<1x16xf32>
      tpu.vector_store %arg8[%swap3A_219, %swap3A_220], %swap3A_223 {strides = array<i32>} : memref<64x768xf32, #tpu.memory_space<vmem>>, vector<1x16xf32>,
      %get3A_224 = arith.index_cast %scan3A_70 : i32 to index
      %get3A_225 = arith.constant 176 : index
      %get3A_226 = tpu.vector_load %arg8[%get3A_224, %get3A_225] {strides = array<i32>} : memref<64x768xf32, #tpu.memory_space<vmem>>, vector<1x16xf32>,
      %get3A_227 = vector.shape_cast %get3A_226 : vector<1x16xf32> to vector<16xf32>
      %get3A_228 = arith.index_cast %scan3A_70 : i32 to index
      %get3A_229 = arith.constant 176 : index
      %get3A_230 = tpu.vector_load %arg7[%get3A_228, %get3A_229] {strides = array<i32>} : memref<64x768xf32, #tpu.memory_space<vmem>>, vector<1x16xf32>,
      %get3A_231 = vector.shape_cast %get3A_230 : vector<1x16xf32> to vector<16xf32>
      %add3A_232 = arith.addf %get3A_227, %get3A_231 : vector<16xf32>
      %swap3A_233 = arith.index_cast %scan3A_70 : i32 to index
      %swap3A_234 = arith.constant 176 : index
      %swap3A_235 = tpu.vector_load %arg8[%swap3A_233, %swap3A_234] {strides = array<i32>} : memref<64x768xf32, #tpu.memory_space<vmem>>, vector<1x16xf32>,
      %swap3A_236 = vector.shape_cast %swap3A_235 : vector<1x16xf32> to vector<16xf32>
      %swap3A_237 = vector.shape_cast %add3A_232 : vector<16xf32> to vector<1x16xf32>
      tpu.vector_store %arg8[%swap3A_233, %swap3A_234], %swap3A_237 {strides = array<i32>} : memref<64x768xf32, #tpu.memory_space<vmem>>, vector<1x16xf32>,
      %get3A_238 = arith.index_cast %scan3A_70 : i32 to index
      %get3A_239 = arith.constant 192 : index
      %get3A_240 = tpu.vector_load %arg8[%get3A_238, %get3A_239] {strides = array<i32>} : memref<64x768xf32, #tpu.memory_space<vmem>>, vector<1x16xf32>,
      %get3A_241 = vector.shape_cast %get3A_240 : vector<1x16xf32> to vector<16xf32>
      %get3A_242 = arith.index_cast %scan3A_70 : i32 to index
      %get3A_243 = arith.constant 192 : index
      %get3A_244 = tpu.vector_load %arg7[%get3A_242, %get3A_243] {strides = array<i32>} : memref<64x768xf32, #tpu.memory_space<vmem>>, vector<1x16xf32>,
      %get3A_245 = vector.shape_cast %get3A_244 : vector<1x16xf32> to vector<16xf32>
      %add3A_246 = arith.addf %get3A_241, %get3A_245 : vector<16xf32>
      %swap3A_247 = arith.index_cast %scan3A_70 : i32 to index
      %swap3A_248 = arith.constant 192 : index
      %swap3A_249 = tpu.vector_load %arg8[%swap3A_247, %swap3A_248] {strides = array<i32>} : memref<64x768xf32, #tpu.memory_space<vmem>>, vector<1x16xf32>,
      %swap3A_250 = vector.shape_cast %swap3A_249 : vector<1x16xf32> to vector<16xf32>
      %swap3A_251 = vector.shape_cast %add3A_246 : vector<16xf32> to vector<1x16xf32>
      tpu.vector_store %arg8[%swap3A_247, %swap3A_248], %swap3A_251 {strides = array<i32>} : memref<64x768xf32, #tpu.memory_space<vmem>>, vector<1x16xf32>,
      %get3A_252 = arith.index_cast %scan3A_70 : i32 to index
      %get3A_253 = arith.constant 208 : index
      %get3A_254 = tpu.vector_load %arg8[%get3A_252, %get3A_253] {strides = array<i32>} : memref<64x768xf32, #tpu.memory_space<vmem>>, vector<1x16xf32>,
      %get3A_255 = vector.shape_cast %get3A_254 : vector<1x16xf32> to vector<16xf32>
      %get3A_256 = arith.index_cast %scan3A_70 : i32 to index
      %get3A_257 = arith.constant 208 : index
      %get3A_258 = tpu.vector_load %arg7[%get3A_256, %get3A_257] {strides = array<i32>} : memref<64x768xf32, #tpu.memory_space<vmem>>, vector<1x16xf32>,
      %get3A_259 = vector.shape_cast %get3A_258 : vector<1x16xf32> to vector<16xf32>
      %add3A_260 = arith.addf %get3A_255, %get3A_259 : vector<16xf32>
      %swap3A_261 = arith.index_cast %scan3A_70 : i32 to index
      %swap3A_262 = arith.constant 208 : index
      %swap3A_263 = tpu.vector_load %arg8[%swap3A_261, %swap3A_262] {strides = array<i32>} : memref<64x768xf32, #tpu.memory_space<vmem>>, vector<1x16xf32>,
      %swap3A_264 = vector.shape_cast %swap3A_263 : vector<1x16xf32> to vector<16xf32>
      %swap3A_265 = vector.shape_cast %add3A_260 : vector<16xf32> to vector<1x16xf32>
      tpu.vector_store %arg8[%swap3A_261, %swap3A_262], %swap3A_265 {strides = array<i32>} : memref<64x768xf32, #tpu.memory_space<vmem>>, vector<1x16xf32>,
      %get3A_266 = arith.index_cast %scan3A_70 : i32 to index
      %get3A_267 = arith.constant 224 : index
      %get3A_268 = tpu.vector_load %arg8[%get3A_266, %get3A_267] {strides = array<i32>} : memref<64x768xf32, #tpu.memory_space<vmem>>, vector<1x16xf32>,
      %get3A_269 = vector.shape_cast %get3A_268 : vector<1x16xf32> to vector<16xf32>
      %get3A_270 = arith.index_cast %scan3A_70 : i32 to index
      %get3A_271 = arith.constant 224 : index
      %get3A_272 = tpu.vector_load %arg7[%get3A_270, %get3A_271] {strides = array<i32>} : memref<64x768xf32, #tpu.memory_space<vmem>>, vector<1x16xf32>,
      %get3A_273 = vector.shape_cast %get3A_272 : vector<1x16xf32> to vector<16xf32>
      %add3A_274 = arith.addf %get3A_269, %get3A_273 : vector<16xf32>
      %swap3A_275 = arith.index_cast %scan3A_70 : i32 to index
      %swap3A_276 = arith.constant 224 : index
      %swap3A_277 = tpu.vector_load %arg8[%swap3A_275, %swap3A_276] {strides = array<i32>} : memref<64x768xf32, #tpu.memory_space<vmem>>, vector<1x16xf32>,
      %swap3A_278 = vector.shape_cast %swap3A_277 : vector<1x16xf32> to vector<16xf32>
      %swap3A_279 = vector.shape_cast %add3A_274 : vector<16xf32> to vector<1x16xf32>
      tpu.vector_store %arg8[%swap3A_275, %swap3A_276], %swap3A_279 {strides = array<i32>} : memref<64x768xf32, #tpu.memory_space<vmem>>, vector<1x16xf32>,
      %get3A_280 = arith.index_cast %scan3A_70 : i32 to index
      %get3A_281 = arith.constant 240 : index
      %get3A_282 = tpu.vector_load %arg8[%get3A_280, %get3A_281] {strides = array<i32>} : memref<64x768xf32, #tpu.memory_space<vmem>>, vector<1x16xf32>,
      %get3A_283 = vector.shape_cast %get3A_282 : vector<1x16xf32> to vector<16xf32>
      %get3A_284 = arith.index_cast %scan3A_70 : i32 to index
      %get3A_285 = arith.constant 240 : index
      %get3A_286 = tpu.vector_load %arg7[%get3A_284, %get3A_285] {strides = array<i32>} : memref<64x768xf32, #tpu.memory_space<vmem>>, vector<1x16xf32>,
      %get3A_287 = vector.shape_cast %get3A_286 : vector<1x16xf32> to vector<16xf32>
      %add3A_288 = arith.addf %get3A_283, %get3A_287 : vector<16xf32>
      %swap3A_289 = arith.index_cast %scan3A_70 : i32 to index
      %swap3A_290 = arith.constant 240 : index
      %swap3A_291 = tpu.vector_load %arg8[%swap3A_289, %swap3A_290] {strides = array<i32>} : memref<64x768xf32, #tpu.memory_space<vmem>>, vector<1x16xf32>,
      %swap3A_292 = vector.shape_cast %swap3A_291 : vector<1x16xf32> to vector<16xf32>
      %swap3A_293 = vector.shape_cast %add3A_288 : vector<16xf32> to vector<1x16xf32>
      tpu.vector_store %arg8[%swap3A_289, %swap3A_290], %swap3A_293 {strides = array<i32>} : memref<64x768xf32, #tpu.memory_space<vmem>>, vector<1x16xf32>,
      %get3A_294 = arith.index_cast %scan3A_70 : i32 to index
      %get3A_295 = arith.constant 256 : index
      %get3A_296 = tpu.vector_load %arg8[%get3A_294, %get3A_295] {strides = array<i32>} : memref<64x768xf32, #tpu.memory_space<vmem>>, vector<1x16xf32>,
      %get3A_297 = vector.shape_cast %get3A_296 : vector<1x16xf32> to vector<16xf32>
      %get3A_298 = arith.index_cast %scan3A_70 : i32 to index
      %get3A_299 = arith.constant 256 : index
      %get3A_300 = tpu.vector_load %arg7[%get3A_298, %get3A_299] {strides = array<i32>} : memref<64x768xf32, #tpu.memory_space<vmem>>, vector<1x16xf32>,
      %get3A_301 = vector.shape_cast %get3A_300 : vector<1x16xf32> to vector<16xf32>
      %add3A_302 = arith.addf %get3A_297, %get3A_301 : vector<16xf32>
      %swap3A_303 = arith.index_cast %scan3A_70 : i32 to index
      %swap3A_304 = arith.constant 256 : index
      %swap3A_305 = tpu.vector_load %arg8[%swap3A_303, %swap3A_304] {strides = array<i32>} : memref<64x768xf32, #tpu.memory_space<vmem>>, vector<1x16xf32>,
      %swap3A_306 = vector.shape_cast %swap3A_305 : vector<1x16xf32> to vector<16xf32>
      %swap3A_307 = vector.shape_cast %add3A_302 : vector<16xf32> to vector<1x16xf32>
      tpu.vector_store %arg8[%swap3A_303, %swap3A_304], %swap3A_307 {strides = array<i32>} : memref<64x768xf32, #tpu.memory_space<vmem>>, vector<1x16xf32>,
      %get3A_308 = arith.index_cast %scan3A_70 : i32 to index
      %get3A_309 = arith.constant 272 : index
      %get3A_310 = tpu.vector_load %arg8[%get3A_308, %get3A_309] {strides = array<i32>} : memref<64x768xf32, #tpu.memory_space<vmem>>, vector<1x16xf32>,
      %get3A_311 = vector.shape_cast %get3A_310 : vector<1x16xf32> to vector<16xf32>
      %get3A_312 = arith.index_cast %scan3A_70 : i32 to index
      %get3A_313 = arith.constant 272 : index
      %get3A_314 = tpu.vector_load %arg7[%get3A_312, %get3A_313] {strides = array<i32>} : memref<64x768xf32, #tpu.memory_space<vmem>>, vector<1x16xf32>,
      %get3A_315 = vector.shape_cast %get3A_314 : vector<1x16xf32> to vector<16xf32>
      %add3A_316 = arith.addf %get3A_311, %get3A_315 : vector<16xf32>
      %swap3A_317 = arith.index_cast %scan3A_70 : i32 to index
      %swap3A_318 = arith.constant 272 : index
      %swap3A_319 = tpu.vector_load %arg8[%swap3A_317, %swap3A_318] {strides = array<i32>} : memref<64x768xf32, #tpu.memory_space<vmem>>, vector<1x16xf32>,
      %swap3A_320 = vector.shape_cast %swap3A_319 : vector<1x16xf32> to vector<16xf32>
      %swap3A_321 = vector.shape_cast %add3A_316 : vector<16xf32> to vector<1x16xf32>
      tpu.vector_store %arg8[%swap3A_317, %swap3A_318], %swap3A_321 {strides = array<i32>} : memref<64x768xf32, #tpu.memory_space<vmem>>, vector<1x16xf32>,
      %get3A_322 = arith.index_cast %scan3A_70 : i32 to index
      %get3A_323 = arith.constant 288 : index
      %get3A_324 = tpu.vector_load %arg8[%get3A_322, %get3A_323] {strides = array<i32>} : memref<64x768xf32, #tpu.memory_space<vmem>>, vector<1x16xf32>,
      %get3A_325 = vector.shape_cast %get3A_324 : vector<1x16xf32> to vector<16xf32>
      %get3A_326 = arith.index_cast %scan3A_70 : i32 to index
      %get3A_327 = arith.constant 288 : index
      %get3A_328 = tpu.vector_load %arg7[%get3A_326, %get3A_327] {strides = array<i32>} : memref<64x768xf32, #tpu.memory_space<vmem>>, vector<1x16xf32>,
      %get3A_329 = vector.shape_cast %get3A_328 : vector<1x16xf32> to vector<16xf32>
      %add3A_330 = arith.addf %get3A_325, %get3A_329 : vector<16xf32>
      %swap3A_331 = arith.index_cast %scan3A_70 : i32 to index
      %swap3A_332 = arith.constant 288 : index
      %swap3A_333 = tpu.vector_load %arg8[%swap3A_331, %swap3A_332] {strides = array<i32>} : memref<64x768xf32, #tpu.memory_space<vmem>>, vector<1x16xf32>,
      %swap3A_334 = vector.shape_cast %swap3A_333 : vector<1x16xf32> to vector<16xf32>
      %swap3A_335 = vector.shape_cast %add3A_330 : vector<16xf32> to vector<1x16xf32>
      tpu.vector_store %arg8[%swap3A_331, %swap3A_332], %swap3A_335 {strides = array<i32>} : memref<64x768xf32, #tpu.memory_space<vmem>>, vector<1x16xf32>,
      %get3A_336 = arith.index_cast %scan3A_70 : i32 to index
      %get3A_337 = arith.constant 304 : index
      %get3A_338 = tpu.vector_load %arg8[%get3A_336, %get3A_337] {strides = array<i32>} : memref<64x768xf32, #tpu.memory_space<vmem>>, vector<1x16xf32>,
      %get3A_339 = vector.shape_cast %get3A_338 : vector<1x16xf32> to vector<16xf32>
      %get3A_340 = arith.index_cast %scan3A_70 : i32 to index
      %get3A_341 = arith.constant 304 : index
      %get3A_342 = tpu.vector_load %arg7[%get3A_340, %get3A_341] {strides = array<i32>} : memref<64x768xf32, #tpu.memory_space<vmem>>, vector<1x16xf32>,
      %get3A_343 = vector.shape_cast %get3A_342 : vector<1x16xf32> to vector<16xf32>
      %add3A_344 = arith.addf %get3A_339, %get3A_343 : vector<16xf32>
      %swap3A_345 = arith.index_cast %scan3A_70 : i32 to index
      %swap3A_346 = arith.constant 304 : index
      %swap3A_347 = tpu.vector_load %arg8[%swap3A_345, %swap3A_346] {strides = array<i32>} : memref<64x768xf32, #tpu.memory_space<vmem>>, vector<1x16xf32>,
      %swap3A_348 = vector.shape_cast %swap3A_347 : vector<1x16xf32> to vector<16xf32>
      %swap3A_349 = vector.shape_cast %add3A_344 : vector<16xf32> to vector<1x16xf32>
      tpu.vector_store %arg8[%swap3A_345, %swap3A_346], %swap3A_349 {strides = array<i32>} : memref<64x768xf32, #tpu.memory_space<vmem>>, vector<1x16xf32>,
      %get3A_350 = arith.index_cast %scan3A_70 : i32 to index
      %get3A_351 = arith.constant 320 : index
      %get3A_352 = tpu.vector_load %arg8[%get3A_350, %get3A_351] {strides = array<i32>} : memref<64x768xf32, #tpu.memory_space<vmem>>, vector<1x16xf32>,
      %get3A_353 = vector.shape_cast %get3A_352 : vector<1x16xf32> to vector<16xf32>
      %get3A_354 = arith.index_cast %scan3A_70 : i32 to index
      %get3A_355 = arith.constant 320 : index
      %get3A_356 = tpu.vector_load %arg7[%get3A_354, %get3A_355] {strides = array<i32>} : memref<64x768xf32, #tpu.memory_space<vmem>>, vector<1x16xf32>,
      %get3A_357 = vector.shape_cast %get3A_356 : vector<1x16xf32> to vector<16xf32>
      %add3A_358 = arith.addf %get3A_353, %get3A_357 : vector<16xf32>
      %swap3A_359 = arith.index_cast %scan3A_70 : i32 to index
      %swap3A_360 = arith.constant 320 : index
      %swap3A_361 = tpu.vector_load %arg8[%swap3A_359, %swap3A_360] {strides = array<i32>} : memref<64x768xf32, #tpu.memory_space<vmem>>, vector<1x16xf32>,
      %swap3A_362 = vector.shape_cast %swap3A_361 : vector<1x16xf32> to vector<16xf32>
      %swap3A_363 = vector.shape_cast %add3A_358 : vector<16xf32> to vector<1x16xf32>
      tpu.vector_store %arg8[%swap3A_359, %swap3A_360], %swap3A_363 {strides = array<i32>} : memref<64x768xf32, #tpu.memory_space<vmem>>, vector<1x16xf32>,
      %get3A_364 = arith.index_cast %scan3A_70 : i32 to index
      %get3A_365 = arith.constant 336 : index
      %get3A_366 = tpu.vector_load %arg8[%get3A_364, %get3A_365] {strides = array<i32>} : memref<64x768xf32, #tpu.memory_space<vmem>>, vector<1x16xf32>,
      %get3A_367 = vector.shape_cast %get3A_366 : vector<1x16xf32> to vector<16xf32>
      %get3A_368 = arith.index_cast %scan3A_70 : i32 to index
      %get3A_369 = arith.constant 336 : index
      %get3A_370 = tpu.vector_load %arg7[%get3A_368, %get3A_369] {strides = array<i32>} : memref<64x768xf32, #tpu.memory_space<vmem>>, vector<1x16xf32>,
      %get3A_371 = vector.shape_cast %get3A_370 : vector<1x16xf32> to vector<16xf32>
      %add3A_372 = arith.addf %get3A_367, %get3A_371 : vector<16xf32>
      %swap3A_373 = arith.index_cast %scan3A_70 : i32 to index
      %swap3A_374 = arith.constant 336 : index
      %swap3A_375 = tpu.vector_load %arg8[%swap3A_373, %swap3A_374] {strides = array<i32>} : memref<64x768xf32, #tpu.memory_space<vmem>>, vector<1x16xf32>,
      %swap3A_376 = vector.shape_cast %swap3A_375 : vector<1x16xf32> to vector<16xf32>
      %swap3A_377 = vector.shape_cast %add3A_372 : vector<16xf32> to vector<1x16xf32>
      tpu.vector_store %arg8[%swap3A_373, %swap3A_374], %swap3A_377 {strides = array<i32>} : memref<64x768xf32, #tpu.memory_space<vmem>>, vector<1x16xf32>,
      %get3A_378 = arith.index_cast %scan3A_70 : i32 to index
      %get3A_379 = arith.constant 352 : index
      %get3A_380 = tpu.vector_load %arg8[%get3A_378, %get3A_379] {strides = array<i32>} : memref<64x768xf32, #tpu.memory_space<vmem>>, vector<1x16xf32>,
      %get3A_381 = vector.shape_cast %get3A_380 : vector<1x16xf32> to vector<16xf32>
      %get3A_382 = arith.index_cast %scan3A_70 : i32 to index
      %get3A_383 = arith.constant 352 : index
      %get3A_384 = tpu.vector_load %arg7[%get3A_382, %get3A_383] {strides = array<i32>} : memref<64x768xf32, #tpu.memory_space<vmem>>, vector<1x16xf32>,
      %get3A_385 = vector.shape_cast %get3A_384 : vector<1x16xf32> to vector<16xf32>
      %add3A_386 = arith.addf %get3A_381, %get3A_385 : vector<16xf32>
      %swap3A_387 = arith.index_cast %scan3A_70 : i32 to index
      %swap3A_388 = arith.constant 352 : index
      %swap3A_389 = tpu.vector_load %arg8[%swap3A_387, %swap3A_388] {strides = array<i32>} : memref<64x768xf32, #tpu.memory_space<vmem>>, vector<1x16xf32>,
      %swap3A_390 = vector.shape_cast %swap3A_389 : vector<1x16xf32> to vector<16xf32>
      %swap3A_391 = vector.shape_cast %add3A_386 : vector<16xf32> to vector<1x16xf32>
      tpu.vector_store %arg8[%swap3A_387, %swap3A_388], %swap3A_391 {strides = array<i32>} : memref<64x768xf32, #tpu.memory_space<vmem>>, vector<1x16xf32>,
      %get3A_392 = arith.index_cast %scan3A_70 : i32 to index
      %get3A_393 = arith.constant 368 : index
      %get3A_394 = tpu.vector_load %arg8[%get3A_392, %get3A_393] {strides = array<i32>} : memref<64x768xf32, #tpu.memory_space<vmem>>, vector<1x16xf32>,
      %get3A_395 = vector.shape_cast %get3A_394 : vector<1x16xf32> to vector<16xf32>
      %get3A_396 = arith.index_cast %scan3A_70 : i32 to index
      %get3A_397 = arith.constant 368 : index
      %get3A_398 = tpu.vector_load %arg7[%get3A_396, %get3A_397] {strides = array<i32>} : memref<64x768xf32, #tpu.memory_space<vmem>>, vector<1x16xf32>,
      %get3A_399 = vector.shape_cast %get3A_398 : vector<1x16xf32> to vector<16xf32>
      %add3A_400 = arith.addf %get3A_395, %get3A_399 : vector<16xf32>
      %swap3A_401 = arith.index_cast %scan3A_70 : i32 to index
      %swap3A_402 = arith.constant 368 : index
      %swap3A_403 = tpu.vector_load %arg8[%swap3A_401, %swap3A_402] {strides = array<i32>} : memref<64x768xf32, #tpu.memory_space<vmem>>, vector<1x16xf32>,
      %swap3A_404 = vector.shape_cast %swap3A_403 : vector<1x16xf32> to vector<16xf32>
      %swap3A_405 = vector.shape_cast %add3A_400 : vector<16xf32> to vector<1x16xf32>
      tpu.vector_store %arg8[%swap3A_401, %swap3A_402], %swap3A_405 {strides = array<i32>} : memref<64x768xf32, #tpu.memory_space<vmem>>, vector<1x16xf32>,
      %get3A_406 = arith.index_cast %scan3A_70 : i32 to index
      %get3A_407 = arith.constant 384 : index
      %get3A_408 = tpu.vector_load %arg8[%get3A_406, %get3A_407] {strides = array<i32>} : memref<64x768xf32, #tpu.memory_space<vmem>>, vector<1x16xf32>,
      %get3A_409 = vector.shape_cast %get3A_408 : vector<1x16xf32> to vector<16xf32>
      %get3A_410 = arith.index_cast %scan3A_70 : i32 to index
      %get3A_411 = arith.constant 384 : index
      %get3A_412 = tpu.vector_load %arg7[%get3A_410, %get3A_411] {strides = array<i32>} : memref<64x768xf32, #tpu.memory_space<vmem>>, vector<1x16xf32>,
      %get3A_413 = vector.shape_cast %get3A_412 : vector<1x16xf32> to vector<16xf32>
      %add3A_414 = arith.addf %get3A_409, %get3A_413 : vector<16xf32>
      %swap3A_415 = arith.index_cast %scan3A_70 : i32 to index
      %swap3A_416 = arith.constant 384 : index
      %swap3A_417 = tpu.vector_load %arg8[%swap3A_415, %swap3A_416] {strides = array<i32>} : memref<64x768xf32, #tpu.memory_space<vmem>>, vector<1x16xf32>,
      %swap3A_418 = vector.shape_cast %swap3A_417 : vector<1x16xf32> to vector<16xf32>
      %swap3A_419 = vector.shape_cast %add3A_414 : vector<16xf32> to vector<1x16xf32>
      tpu.vector_store %arg8[%swap3A_415, %swap3A_416], %swap3A_419 {strides = array<i32>} : memref<64x768xf32, #tpu.memory_space<vmem>>, vector<1x16xf32>,
      %get3A_420 = arith.index_cast %scan3A_70 : i32 to index
      %get3A_421 = arith.constant 400 : index
      %get3A_422 = tpu.vector_load %arg8[%get3A_420, %get3A_421] {strides = array<i32>} : memref<64x768xf32, #tpu.memory_space<vmem>>, vector<1x16xf32>,
      %get3A_423 = vector.shape_cast %get3A_422 : vector<1x16xf32> to vector<16xf32>
      %get3A_424 = arith.index_cast %scan3A_70 : i32 to index
      %get3A_425 = arith.constant 400 : index
      %get3A_426 = tpu.vector_load %arg7[%get3A_424, %get3A_425] {strides = array<i32>} : memref<64x768xf32, #tpu.memory_space<vmem>>, vector<1x16xf32>,
      %get3A_427 = vector.shape_cast %get3A_426 : vector<1x16xf32> to vector<16xf32>
      %add3A_428 = arith.addf %get3A_423, %get3A_427 : vector<16xf32>
      %swap3A_429 = arith.index_cast %scan3A_70 : i32 to index
      %swap3A_430 = arith.constant 400 : index
      %swap3A_431 = tpu.vector_load %arg8[%swap3A_429, %swap3A_430] {strides = array<i32>} : memref<64x768xf32, #tpu.memory_space<vmem>>, vector<1x16xf32>,
      %swap3A_432 = vector.shape_cast %swap3A_431 : vector<1x16xf32> to vector<16xf32>
      %swap3A_433 = vector.shape_cast %add3A_428 : vector<16xf32> to vector<1x16xf32>
      tpu.vector_store %arg8[%swap3A_429, %swap3A_430], %swap3A_433 {strides = array<i32>} : memref<64x768xf32, #tpu.memory_space<vmem>>, vector<1x16xf32>,
      %get3A_434 = arith.index_cast %scan3A_70 : i32 to index
      %get3A_435 = arith.constant 416 : index
      %get3A_436 = tpu.vector_load %arg8[%get3A_434, %get3A_435] {strides = array<i32>} : memref<64x768xf32, #tpu.memory_space<vmem>>, vector<1x16xf32>,
      %get3A_437 = vector.shape_cast %get3A_436 : vector<1x16xf32> to vector<16xf32>
      %get3A_438 = arith.index_cast %scan3A_70 : i32 to index
      %get3A_439 = arith.constant 416 : index
      %get3A_440 = tpu.vector_load %arg7[%get3A_438, %get3A_439] {strides = array<i32>} : memref<64x768xf32, #tpu.memory_space<vmem>>, vector<1x16xf32>,
      %get3A_441 = vector.shape_cast %get3A_440 : vector<1x16xf32> to vector<16xf32>
      %add3A_442 = arith.addf %get3A_437, %get3A_441 : vector<16xf32>
      %swap3A_443 = arith.index_cast %scan3A_70 : i32 to index
      %swap3A_444 = arith.constant 416 : index
      %swap3A_445 = tpu.vector_load %arg8[%swap3A_443, %swap3A_444] {strides = array<i32>} : memref<64x768xf32, #tpu.memory_space<vmem>>, vector<1x16xf32>,
      %swap3A_446 = vector.shape_cast %swap3A_445 : vector<1x16xf32> to vector<16xf32>
      %swap3A_447 = vector.shape_cast %add3A_442 : vector<16xf32> to vector<1x16xf32>
      tpu.vector_store %arg8[%swap3A_443, %swap3A_444], %swap3A_447 {strides = array<i32>} : memref<64x768xf32, #tpu.memory_space<vmem>>, vector<1x16xf32>,
      %get3A_448 = arith.index_cast %scan3A_70 : i32 to index
      %get3A_449 = arith.constant 432 : index
      %get3A_450 = tpu.vector_load %arg8[%get3A_448, %get3A_449] {strides = array<i32>} : memref<64x768xf32, #tpu.memory_space<vmem>>, vector<1x16xf32>,
      %get3A_451 = vector.shape_cast %get3A_450 : vector<1x16xf32> to vector<16xf32>
      %get3A_452 = arith.index_cast %scan3A_70 : i32 to index
      %get3A_453 = arith.constant 432 : index
      %get3A_454 = tpu.vector_load %arg7[%get3A_452, %get3A_453] {strides = array<i32>} : memref<64x768xf32, #tpu.memory_space<vmem>>, vector<1x16xf32>,
      %get3A_455 = vector.shape_cast %get3A_454 : vector<1x16xf32> to vector<16xf32>
      %add3A_456 = arith.addf %get3A_451, %get3A_455 : vector<16xf32>
      %swap3A_457 = arith.index_cast %scan3A_70 : i32 to index
      %swap3A_458 = arith.constant 432 : index
      %swap3A_459 = tpu.vector_load %arg8[%swap3A_457, %swap3A_458] {strides = array<i32>} : memref<64x768xf32, #tpu.memory_space<vmem>>, vector<1x16xf32>,
      %swap3A_460 = vector.shape_cast %swap3A_459 : vector<1x16xf32> to vector<16xf32>
      %swap3A_461 = vector.shape_cast %add3A_456 : vector<16xf32> to vector<1x16xf32>
      tpu.vector_store %arg8[%swap3A_457, %swap3A_458], %swap3A_461 {strides = array<i32>} : memref<64x768xf32, #tpu.memory_space<vmem>>, vector<1x16xf32>,
      %get3A_462 = arith.index_cast %scan3A_70 : i32 to index
      %get3A_463 = arith.constant 448 : index
      %get3A_464 = tpu.vector_load %arg8[%get3A_462, %get3A_463] {strides = array<i32>} : memref<64x768xf32, #tpu.memory_space<vmem>>, vector<1x16xf32>,
      %get3A_465 = vector.shape_cast %get3A_464 : vector<1x16xf32> to vector<16xf32>
      %get3A_466 = arith.index_cast %scan3A_70 : i32 to index
      %get3A_467 = arith.constant 448 : index
      %get3A_468 = tpu.vector_load %arg7[%get3A_466, %get3A_467] {strides = array<i32>} : memref<64x768xf32, #tpu.memory_space<vmem>>, vector<1x16xf32>,
      %get3A_469 = vector.shape_cast %get3A_468 : vector<1x16xf32> to vector<16xf32>
      %add3A_470 = arith.addf %get3A_465, %get3A_469 : vector<16xf32>
      %swap3A_471 = arith.index_cast %scan3A_70 : i32 to index
      %swap3A_472 = arith.constant 448 : index
      %swap3A_473 = tpu.vector_load %arg8[%swap3A_471, %swap3A_472] {strides = array<i32>} : memref<64x768xf32, #tpu.memory_space<vmem>>, vector<1x16xf32>,
      %swap3A_474 = vector.shape_cast %swap3A_473 : vector<1x16xf32> to vector<16xf32>
      %swap3A_475 = vector.shape_cast %add3A_470 : vector<16xf32> to vector<1x16xf32>
      tpu.vector_store %arg8[%swap3A_471, %swap3A_472], %swap3A_475 {strides = array<i32>} : memref<64x768xf32, #tpu.memory_space<vmem>>, vector<1x16xf32>,
      %get3A_476 = arith.index_cast %scan3A_70 : i32 to index
      %get3A_477 = arith.constant 464 : index
      %get3A_478 = tpu.vector_load %arg8[%get3A_476, %get3A_477] {strides = array<i32>} : memref<64x768xf32, #tpu.memory_space<vmem>>, vector<1x16xf32>,
      %get3A_479 = vector.shape_cast %get3A_478 : vector<1x16xf32> to vector<16xf32>
      %get3A_480 = arith.index_cast %scan3A_70 : i32 to index
      %get3A_481 = arith.constant 464 : index
      %get3A_482 = tpu.vector_load %arg7[%get3A_480, %get3A_481] {strides = array<i32>} : memref<64x768xf32, #tpu.memory_space<vmem>>, vector<1x16xf32>,
      %get3A_483 = vector.shape_cast %get3A_482 : vector<1x16xf32> to vector<16xf32>
      %add3A_484 = arith.addf %get3A_479, %get3A_483 : vector<16xf32>
      %swap3A_485 = arith.index_cast %scan3A_70 : i32 to index
      %swap3A_486 = arith.constant 464 : index
      %swap3A_487 = tpu.vector_load %arg8[%swap3A_485, %swap3A_486] {strides = array<i32>} : memref<64x768xf32, #tpu.memory_space<vmem>>, vector<1x16xf32>,
      %swap3A_488 = vector.shape_cast %swap3A_487 : vector<1x16xf32> to vector<16xf32>
      %swap3A_489 = vector.shape_cast %add3A_484 : vector<16xf32> to vector<1x16xf32>
      tpu.vector_store %arg8[%swap3A_485, %swap3A_486], %swap3A_489 {strides = array<i32>} : memref<64x768xf32, #tpu.memory_space<vmem>>, vector<1x16xf32>,
      %get3A_490 = arith.index_cast %scan3A_70 : i32 to index
      %get3A_491 = arith.constant 480 : index
      %get3A_492 = tpu.vector_load %arg8[%get3A_490, %get3A_491] {strides = array<i32>} : memref<64x768xf32, #tpu.memory_space<vmem>>, vector<1x16xf32>,
      %get3A_493 = vector.shape_cast %get3A_492 : vector<1x16xf32> to vector<16xf32>
      %get3A_494 = arith.index_cast %scan3A_70 : i32 to index
      %get3A_495 = arith.constant 480 : index
      %get3A_496 = tpu.vector_load %arg7[%get3A_494, %get3A_495] {strides = array<i32>} : memref<64x768xf32, #tpu.memory_space<vmem>>, vector<1x16xf32>,
      %get3A_497 = vector.shape_cast %get3A_496 : vector<1x16xf32> to vector<16xf32>
      %add3A_498 = arith.addf %get3A_493, %get3A_497 : vector<16xf32>
      %swap3A_499 = arith.index_cast %scan3A_70 : i32 to index
      %swap3A_500 = arith.constant 480 : index
      %swap3A_501 = tpu.vector_load %arg8[%swap3A_499, %swap3A_500] {strides = array<i32>} : memref<64x768xf32, #tpu.memory_space<vmem>>, vector<1x16xf32>,
      %swap3A_502 = vector.shape_cast %swap3A_501 : vector<1x16xf32> to vector<16xf32>
      %swap3A_503 = vector.shape_cast %add3A_498 : vector<16xf32> to vector<1x16xf32>
      tpu.vector_store %arg8[%swap3A_499, %swap3A_500], %swap3A_503 {strides = array<i32>} : memref<64x768xf32, #tpu.memory_space<vmem>>, vector<1x16xf32>,
      %get3A_504 = arith.index_cast %scan3A_70 : i32 to index
      %get3A_505 = arith.constant 496 : index
      %get3A_506 = tpu.vector_load %arg8[%get3A_504, %get3A_505] {strides = array<i32>} : memref<64x768xf32, #tpu.memory_space<vmem>>, vector<1x16xf32>,
      %get3A_507 = vector.shape_cast %get3A_506 : vector<1x16xf32> to vector<16xf32>
      %get3A_508 = arith.index_cast %scan3A_70 : i32 to index
      %get3A_509 = arith.constant 496 : index
      %get3A_510 = tpu.vector_load %arg7[%get3A_508, %get3A_509] {strides = array<i32>} : memref<64x768xf32, #tpu.memory_space<vmem>>, vector<1x16xf32>,
      %get3A_511 = vector.shape_cast %get3A_510 : vector<1x16xf32> to vector<16xf32>
      %add3A_512 = arith.addf %get3A_507, %get3A_511 : vector<16xf32>
      %swap3A_513 = arith.index_cast %scan3A_70 : i32 to index
      %swap3A_514 = arith.constant 496 : index
      %swap3A_515 = tpu.vector_load %arg8[%swap3A_513, %swap3A_514] {strides = array<i32>} : memref<64x768xf32, #tpu.memory_space<vmem>>, vector<1x16xf32>,
      %swap3A_516 = vector.shape_cast %swap3A_515 : vector<1x16xf32> to vector<16xf32>
      %swap3A_517 = vector.shape_cast %add3A_512 : vector<16xf32> to vector<1x16xf32>
      tpu.vector_store %arg8[%swap3A_513, %swap3A_514], %swap3A_517 {strides = array<i32>} : memref<64x768xf32, #tpu.memory_space<vmem>>, vector<1x16xf32>,
      %get3A_518 = arith.index_cast %scan3A_70 : i32 to index
      %get3A_519 = arith.constant 512 : index
      %get3A_520 = tpu.vector_load %arg8[%get3A_518, %get3A_519] {strides = array<i32>} : memref<64x768xf32, #tpu.memory_space<vmem>>, vector<1x16xf32>,
      %get3A_521 = vector.shape_cast %get3A_520 : vector<1x16xf32> to vector<16xf32>
      %get3A_522 = arith.index_cast %scan3A_70 : i32 to index
      %get3A_523 = arith.constant 512 : index
      %get3A_524 = tpu.vector_load %arg7[%get3A_522, %get3A_523] {strides = array<i32>} : memref<64x768xf32, #tpu.memory_space<vmem>>, vector<1x16xf32>,
      %get3A_525 = vector.shape_cast %get3A_524 : vector<1x16xf32> to vector<16xf32>
      %add3A_526 = arith.addf %get3A_521, %get3A_525 : vector<16xf32>
      %swap3A_527 = arith.index_cast %scan3A_70 : i32 to index
      %swap3A_528 = arith.constant 512 : index
      %swap3A_529 = tpu.vector_load %arg8[%swap3A_527, %swap3A_528] {strides = array<i32>} : memref<64x768xf32, #tpu.memory_space<vmem>>, vector<1x16xf32>,
      %swap3A_530 = vector.shape_cast %swap3A_529 : vector<1x16xf32> to vector<16xf32>
      %swap3A_531 = vector.shape_cast %add3A_526 : vector<16xf32> to vector<1x16xf32>
      tpu.vector_store %arg8[%swap3A_527, %swap3A_528], %swap3A_531 {strides = array<i32>} : memref<64x768xf32, #tpu.memory_space<vmem>>, vector<1x16xf32>,
      %get3A_532 = arith.index_cast %scan3A_70 : i32 to index
      %get3A_533 = arith.constant 528 : index
      %get3A_534 = tpu.vector_load %arg8[%get3A_532, %get3A_533] {strides = array<i32>} : memref<64x768xf32, #tpu.memory_space<vmem>>, vector<1x16xf32>,
      %get3A_535 = vector.shape_cast %get3A_534 : vector<1x16xf32> to vector<16xf32>
      %get3A_536 = arith.index_cast %scan3A_70 : i32 to index
      %get3A_537 = arith.constant 528 : index
      %get3A_538 = tpu.vector_load %arg7[%get3A_536, %get3A_537] {strides = array<i32>} : memref<64x768xf32, #tpu.memory_space<vmem>>, vector<1x16xf32>,
      %get3A_539 = vector.shape_cast %get3A_538 : vector<1x16xf32> to vector<16xf32>
      %add3A_540 = arith.addf %get3A_535, %get3A_539 : vector<16xf32>
      %swap3A_541 = arith.index_cast %scan3A_70 : i32 to index
      %swap3A_542 = arith.constant 528 : index
      %swap3A_543 = tpu.vector_load %arg8[%swap3A_541, %swap3A_542] {strides = array<i32>} : memref<64x768xf32, #tpu.memory_space<vmem>>, vector<1x16xf32>,
      %swap3A_544 = vector.shape_cast %swap3A_543 : vector<1x16xf32> to vector<16xf32>
      %swap3A_545 = vector.shape_cast %add3A_540 : vector<16xf32> to vector<1x16xf32>
      tpu.vector_store %arg8[%swap3A_541, %swap3A_542], %swap3A_545 {strides = array<i32>} : memref<64x768xf32, #tpu.memory_space<vmem>>, vector<1x16xf32>,
      %get3A_546 = arith.index_cast %scan3A_70 : i32 to index
      %get3A_547 = arith.constant 544 : index
      %get3A_548 = tpu.vector_load %arg8[%get3A_546, %get3A_547] {strides = array<i32>} : memref<64x768xf32, #tpu.memory_space<vmem>>, vector<1x16xf32>,
      %get3A_549 = vector.shape_cast %get3A_548 : vector<1x16xf32> to vector<16xf32>
      %get3A_550 = arith.index_cast %scan3A_70 : i32 to index
      %get3A_551 = arith.constant 544 : index
      %get3A_552 = tpu.vector_load %arg7[%get3A_550, %get3A_551] {strides = array<i32>} : memref<64x768xf32, #tpu.memory_space<vmem>>, vector<1x16xf32>,
      %get3A_553 = vector.shape_cast %get3A_552 : vector<1x16xf32> to vector<16xf32>
      %add3A_554 = arith.addf %get3A_549, %get3A_553 : vector<16xf32>
      %swap3A_555 = arith.index_cast %scan3A_70 : i32 to index
      %swap3A_556 = arith.constant 544 : index
      %swap3A_557 = tpu.vector_load %arg8[%swap3A_555, %swap3A_556] {strides = array<i32>} : memref<64x768xf32, #tpu.memory_space<vmem>>, vector<1x16xf32>,
      %swap3A_558 = vector.shape_cast %swap3A_557 : vector<1x16xf32> to vector<16xf32>
      %swap3A_559 = vector.shape_cast %add3A_554 : vector<16xf32> to vector<1x16xf32>
      tpu.vector_store %arg8[%swap3A_555, %swap3A_556], %swap3A_559 {strides = array<i32>} : memref<64x768xf32, #tpu.memory_space<vmem>>, vector<1x16xf32>,
      %get3A_560 = arith.index_cast %scan3A_70 : i32 to index
      %get3A_561 = arith.constant 560 : index
      %get3A_562 = tpu.vector_load %arg8[%get3A_560, %get3A_561] {strides = array<i32>} : memref<64x768xf32, #tpu.memory_space<vmem>>, vector<1x16xf32>,
      %get3A_563 = vector.shape_cast %get3A_562 : vector<1x16xf32> to vector<16xf32>
      %get3A_564 = arith.index_cast %scan3A_70 : i32 to index
      %get3A_565 = arith.constant 560 : index
      %get3A_566 = tpu.vector_load %arg7[%get3A_564, %get3A_565] {strides = array<i32>} : memref<64x768xf32, #tpu.memory_space<vmem>>, vector<1x16xf32>,
      %get3A_567 = vector.shape_cast %get3A_566 : vector<1x16xf32> to vector<16xf32>
      %add3A_568 = arith.addf %get3A_563, %get3A_567 : vector<16xf32>
      %swap3A_569 = arith.index_cast %scan3A_70 : i32 to index
      %swap3A_570 = arith.constant 560 : index
      %swap3A_571 = tpu.vector_load %arg8[%swap3A_569, %swap3A_570] {strides = array<i32>} : memref<64x768xf32, #tpu.memory_space<vmem>>, vector<1x16xf32>,
      %swap3A_572 = vector.shape_cast %swap3A_571 : vector<1x16xf32> to vector<16xf32>
      %swap3A_573 = vector.shape_cast %add3A_568 : vector<16xf32> to vector<1x16xf32>
      tpu.vector_store %arg8[%swap3A_569, %swap3A_570], %swap3A_573 {strides = array<i32>} : memref<64x768xf32, #tpu.memory_space<vmem>>, vector<1x16xf32>,
      %get3A_574 = arith.index_cast %scan3A_70 : i32 to index
      %get3A_575 = arith.constant 576 : index
      %get3A_576 = tpu.vector_load %arg8[%get3A_574, %get3A_575] {strides = array<i32>} : memref<64x768xf32, #tpu.memory_space<vmem>>, vector<1x16xf32>,
      %get3A_577 = vector.shape_cast %get3A_576 : vector<1x16xf32> to vector<16xf32>
      %get3A_578 = arith.index_cast %scan3A_70 : i32 to index
      %get3A_579 = arith.constant 576 : index
      %get3A_580 = tpu.vector_load %arg7[%get3A_578, %get3A_579] {strides = array<i32>} : memref<64x768xf32, #tpu.memory_space<vmem>>, vector<1x16xf32>,
      %get3A_581 = vector.shape_cast %get3A_580 : vector<1x16xf32> to vector<16xf32>
      %add3A_582 = arith.addf %get3A_577, %get3A_581 : vector<16xf32>
      %swap3A_583 = arith.index_cast %scan3A_70 : i32 to index
      %swap3A_584 = arith.constant 576 : index
      %swap3A_585 = tpu.vector_load %arg8[%swap3A_583, %swap3A_584] {strides = array<i32>} : memref<64x768xf32, #tpu.memory_space<vmem>>, vector<1x16xf32>,
      %swap3A_586 = vector.shape_cast %swap3A_585 : vector<1x16xf32> to vector<16xf32>
      %swap3A_587 = vector.shape_cast %add3A_582 : vector<16xf32> to vector<1x16xf32>
      tpu.vector_store %arg8[%swap3A_583, %swap3A_584], %swap3A_587 {strides = array<i32>} : memref<64x768xf32, #tpu.memory_space<vmem>>, vector<1x16xf32>,
      %get3A_588 = arith.index_cast %scan3A_70 : i32 to index
      %get3A_589 = arith.constant 592 : index
      %get3A_590 = tpu.vector_load %arg8[%get3A_588, %get3A_589] {strides = array<i32>} : memref<64x768xf32, #tpu.memory_space<vmem>>, vector<1x16xf32>,
      %get3A_591 = vector.shape_cast %get3A_590 : vector<1x16xf32> to vector<16xf32>
      %get3A_592 = arith.index_cast %scan3A_70 : i32 to index
      %get3A_593 = arith.constant 592 : index
      %get3A_594 = tpu.vector_load %arg7[%get3A_592, %get3A_593] {strides = array<i32>} : memref<64x768xf32, #tpu.memory_space<vmem>>, vector<1x16xf32>,
      %get3A_595 = vector.shape_cast %get3A_594 : vector<1x16xf32> to vector<16xf32>
      %add3A_596 = arith.addf %get3A_591, %get3A_595 : vector<16xf32>
      %swap3A_597 = arith.index_cast %scan3A_70 : i32 to index
      %swap3A_598 = arith.constant 592 : index
      %swap3A_599 = tpu.vector_load %arg8[%swap3A_597, %swap3A_598] {strides = array<i32>} : memref<64x768xf32, #tpu.memory_space<vmem>>, vector<1x16xf32>,
      %swap3A_600 = vector.shape_cast %swap3A_599 : vector<1x16xf32> to vector<16xf32>
      %swap3A_601 = vector.shape_cast %add3A_596 : vector<16xf32> to vector<1x16xf32>
      tpu.vector_store %arg8[%swap3A_597, %swap3A_598], %swap3A_601 {strides = array<i32>} : memref<64x768xf32, #tpu.memory_space<vmem>>, vector<1x16xf32>,
      %get3A_602 = arith.index_cast %scan3A_70 : i32 to index
      %get3A_603 = arith.constant 608 : index
      %get3A_604 = tpu.vector_load %arg8[%get3A_602, %get3A_603] {strides = array<i32>} : memref<64x768xf32, #tpu.memory_space<vmem>>, vector<1x16xf32>,
      %get3A_605 = vector.shape_cast %get3A_604 : vector<1x16xf32> to vector<16xf32>
      %get3A_606 = arith.index_cast %scan3A_70 : i32 to index
      %get3A_607 = arith.constant 608 : index
      %get3A_608 = tpu.vector_load %arg7[%get3A_606, %get3A_607] {strides = array<i32>} : memref<64x768xf32, #tpu.memory_space<vmem>>, vector<1x16xf32>,
      %get3A_609 = vector.shape_cast %get3A_608 : vector<1x16xf32> to vector<16xf32>
      %add3A_610 = arith.addf %get3A_605, %get3A_609 : vector<16xf32>
      %swap3A_611 = arith.index_cast %scan3A_70 : i32 to index
      %swap3A_612 = arith.constant 608 : index
      %swap3A_613 = tpu.vector_load %arg8[%swap3A_611, %swap3A_612] {strides = array<i32>} : memref<64x768xf32, #tpu.memory_space<vmem>>, vector<1x16xf32>,
      %swap3A_614 = vector.shape_cast %swap3A_613 : vector<1x16xf32> to vector<16xf32>
      %swap3A_615 = vector.shape_cast %add3A_610 : vector<16xf32> to vector<1x16xf32>
      tpu.vector_store %arg8[%swap3A_611, %swap3A_612], %swap3A_615 {strides = array<i32>} : memref<64x768xf32, #tpu.memory_space<vmem>>, vector<1x16xf32>,
      %get3A_616 = arith.index_cast %scan3A_70 : i32 to index
      %get3A_617 = arith.constant 624 : index
      %get3A_618 = tpu.vector_load %arg8[%get3A_616, %get3A_617] {strides = array<i32>} : memref<64x768xf32, #tpu.memory_space<vmem>>, vector<1x16xf32>,
      %get3A_619 = vector.shape_cast %get3A_618 : vector<1x16xf32> to vector<16xf32>
      %get3A_620 = arith.index_cast %scan3A_70 : i32 to index
      %get3A_621 = arith.constant 624 : index
      %get3A_622 = tpu.vector_load %arg7[%get3A_620, %get3A_621] {strides = array<i32>} : memref<64x768xf32, #tpu.memory_space<vmem>>, vector<1x16xf32>,
      %get3A_623 = vector.shape_cast %get3A_622 : vector<1x16xf32> to vector<16xf32>
      %add3A_624 = arith.addf %get3A_619, %get3A_623 : vector<16xf32>
      %swap3A_625 = arith.index_cast %scan3A_70 : i32 to index
      %swap3A_626 = arith.constant 624 : index
      %swap3A_627 = tpu.vector_load %arg8[%swap3A_625, %swap3A_626] {strides = array<i32>} : memref<64x768xf32, #tpu.memory_space<vmem>>, vector<1x16xf32>,
      %swap3A_628 = vector.shape_cast %swap3A_627 : vector<1x16xf32> to vector<16xf32>
      %swap3A_629 = vector.shape_cast %add3A_624 : vector<16xf32> to vector<1x16xf32>
      tpu.vector_store %arg8[%swap3A_625, %swap3A_626], %swap3A_629 {strides = array<i32>} : memref<64x768xf32, #tpu.memory_space<vmem>>, vector<1x16xf32>,
      %get3A_630 = arith.index_cast %scan3A_70 : i32 to index
      %get3A_631 = arith.constant 640 : index
      %get3A_632 = tpu.vector_load %arg8[%get3A_630, %get3A_631] {strides = array<i32>} : memref<64x768xf32, #tpu.memory_space<vmem>>, vector<1x16xf32>,
      %get3A_633 = vector.shape_cast %get3A_632 : vector<1x16xf32> to vector<16xf32>
      %get3A_634 = arith.index_cast %scan3A_70 : i32 to index
      %get3A_635 = arith.constant 640 : index
      %get3A_636 = tpu.vector_load %arg7[%get3A_634, %get3A_635] {strides = array<i32>} : memref<64x768xf32, #tpu.memory_space<vmem>>, vector<1x16xf32>,
      %get3A_637 = vector.shape_cast %get3A_636 : vector<1x16xf32> to vector<16xf32>
      %add3A_638 = arith.addf %get3A_633, %get3A_637 : vector<16xf32>
      %swap3A_639 = arith.index_cast %scan3A_70 : i32 to index
      %swap3A_640 = arith.constant 640 : index
      %swap3A_641 = tpu.vector_load %arg8[%swap3A_639, %swap3A_640] {strides = array<i32>} : memref<64x768xf32, #tpu.memory_space<vmem>>, vector<1x16xf32>,
      %swap3A_642 = vector.shape_cast %swap3A_641 : vector<1x16xf32> to vector<16xf32>
      %swap3A_643 = vector.shape_cast %add3A_638 : vector<16xf32> to vector<1x16xf32>
      tpu.vector_store %arg8[%swap3A_639, %swap3A_640], %swap3A_643 {strides = array<i32>} : memref<64x768xf32, #tpu.memory_space<vmem>>, vector<1x16xf32>,
      %get3A_644 = arith.index_cast %scan3A_70 : i32 to index
      %get3A_645 = arith.constant 656 : index
      %get3A_646 = tpu.vector_load %arg8[%get3A_644, %get3A_645] {strides = array<i32>} : memref<64x768xf32, #tpu.memory_space<vmem>>, vector<1x16xf32>,
      %get3A_647 = vector.shape_cast %get3A_646 : vector<1x16xf32> to vector<16xf32>
      %get3A_648 = arith.index_cast %scan3A_70 : i32 to index
      %get3A_649 = arith.constant 656 : index
      %get3A_650 = tpu.vector_load %arg7[%get3A_648, %get3A_649] {strides = array<i32>} : memref<64x768xf32, #tpu.memory_space<vmem>>, vector<1x16xf32>,
      %get3A_651 = vector.shape_cast %get3A_650 : vector<1x16xf32> to vector<16xf32>
      %add3A_652 = arith.addf %get3A_647, %get3A_651 : vector<16xf32>
      %swap3A_653 = arith.index_cast %scan3A_70 : i32 to index
      %swap3A_654 = arith.constant 656 : index
      %swap3A_655 = tpu.vector_load %arg8[%swap3A_653, %swap3A_654] {strides = array<i32>} : memref<64x768xf32, #tpu.memory_space<vmem>>, vector<1x16xf32>,
      %swap3A_656 = vector.shape_cast %swap3A_655 : vector<1x16xf32> to vector<16xf32>
      %swap3A_657 = vector.shape_cast %add3A_652 : vector<16xf32> to vector<1x16xf32>
      tpu.vector_store %arg8[%swap3A_653, %swap3A_654], %swap3A_657 {strides = array<i32>} : memref<64x768xf32, #tpu.memory_space<vmem>>, vector<1x16xf32>,
      %get3A_658 = arith.index_cast %scan3A_70 : i32 to index
      %get3A_659 = arith.constant 672 : index
      %get3A_660 = tpu.vector_load %arg8[%get3A_658, %get3A_659] {strides = array<i32>} : memref<64x768xf32, #tpu.memory_space<vmem>>, vector<1x16xf32>,
      %get3A_661 = vector.shape_cast %get3A_660 : vector<1x16xf32> to vector<16xf32>
      %get3A_662 = arith.index_cast %scan3A_70 : i32 to index
      %get3A_663 = arith.constant 672 : index
      %get3A_664 = tpu.vector_load %arg7[%get3A_662, %get3A_663] {strides = array<i32>} : memref<64x768xf32, #tpu.memory_space<vmem>>, vector<1x16xf32>,
      %get3A_665 = vector.shape_cast %get3A_664 : vector<1x16xf32> to vector<16xf32>
      %add3A_666 = arith.addf %get3A_661, %get3A_665 : vector<16xf32>
      %swap3A_667 = arith.index_cast %scan3A_70 : i32 to index
      %swap3A_668 = arith.constant 672 : index
      %swap3A_669 = tpu.vector_load %arg8[%swap3A_667, %swap3A_668] {strides = array<i32>} : memref<64x768xf32, #tpu.memory_space<vmem>>, vector<1x16xf32>,
      %swap3A_670 = vector.shape_cast %swap3A_669 : vector<1x16xf32> to vector<16xf32>
      %swap3A_671 = vector.shape_cast %add3A_666 : vector<16xf32> to vector<1x16xf32>
      tpu.vector_store %arg8[%swap3A_667, %swap3A_668], %swap3A_671 {strides = array<i32>} : memref<64x768xf32, #tpu.memory_space<vmem>>, vector<1x16xf32>,
      %get3A_672 = arith.index_cast %scan3A_70 : i32 to index
      %get3A_673 = arith.constant 688 : index
      %get3A_674 = tpu.vector_load %arg8[%get3A_672, %get3A_673] {strides = array<i32>} : memref<64x768xf32, #tpu.memory_space<vmem>>, vector<1x16xf32>,
      %get3A_675 = vector.shape_cast %get3A_674 : vector<1x16xf32> to vector<16xf32>
      %get3A_676 = arith.index_cast %scan3A_70 : i32 to index
      %get3A_677 = arith.constant 688 : index
      %get3A_678 = tpu.vector_load %arg7[%get3A_676, %get3A_677] {strides = array<i32>} : memref<64x768xf32, #tpu.memory_space<vmem>>, vector<1x16xf32>,
      %get3A_679 = vector.shape_cast %get3A_678 : vector<1x16xf32> to vector<16xf32>
      %add3A_680 = arith.addf %get3A_675, %get3A_679 : vector<16xf32>
      %swap3A_681 = arith.index_cast %scan3A_70 : i32 to index
      %swap3A_682 = arith.constant 688 : index
      %swap3A_683 = tpu.vector_load %arg8[%swap3A_681, %swap3A_682] {strides = array<i32>} : memref<64x768xf32, #tpu.memory_space<vmem>>, vector<1x16xf32>,
      %swap3A_684 = vector.shape_cast %swap3A_683 : vector<1x16xf32> to vector<16xf32>
      %swap3A_685 = vector.shape_cast %add3A_680 : vector<16xf32> to vector<1x16xf32>
      tpu.vector_store %arg8[%swap3A_681, %swap3A_682], %swap3A_685 {strides = array<i32>} : memref<64x768xf32, #tpu.memory_space<vmem>>, vector<1x16xf32>,
      %get3A_686 = arith.index_cast %scan3A_70 : i32 to index
      %get3A_687 = arith.constant 704 : index
      %get3A_688 = tpu.vector_load %arg8[%get3A_686, %get3A_687] {strides = array<i32>} : memref<64x768xf32, #tpu.memory_space<vmem>>, vector<1x16xf32>,
      %get3A_689 = vector.shape_cast %get3A_688 : vector<1x16xf32> to vector<16xf32>
      %get3A_690 = arith.index_cast %scan3A_70 : i32 to index
      %get3A_691 = arith.constant 704 : index
      %get3A_692 = tpu.vector_load %arg7[%get3A_690, %get3A_691] {strides = array<i32>} : memref<64x768xf32, #tpu.memory_space<vmem>>, vector<1x16xf32>,
      %get3A_693 = vector.shape_cast %get3A_692 : vector<1x16xf32> to vector<16xf32>
      %add3A_694 = arith.addf %get3A_689, %get3A_693 : vector<16xf32>
      %swap3A_695 = arith.index_cast %scan3A_70 : i32 to index
      %swap3A_696 = arith.constant 704 : index
      %swap3A_697 = tpu.vector_load %arg8[%swap3A_695, %swap3A_696] {strides = array<i32>} : memref<64x768xf32, #tpu.memory_space<vmem>>, vector<1x16xf32>,
      %swap3A_698 = vector.shape_cast %swap3A_697 : vector<1x16xf32> to vector<16xf32>
      %swap3A_699 = vector.shape_cast %add3A_694 : vector<16xf32> to vector<1x16xf32>
      tpu.vector_store %arg8[%swap3A_695, %swap3A_696], %swap3A_699 {strides = array<i32>} : memref<64x768xf32, #tpu.memory_space<vmem>>, vector<1x16xf32>,
      %get3A_700 = arith.index_cast %scan3A_70 : i32 to index
      %get3A_701 = arith.constant 720 : index
      %get3A_702 = tpu.vector_load %arg8[%get3A_700, %get3A_701] {strides = array<i32>} : memref<64x768xf32, #tpu.memory_space<vmem>>, vector<1x16xf32>,
      %get3A_703 = vector.shape_cast %get3A_702 : vector<1x16xf32> to vector<16xf32>
      %get3A_704 = arith.index_cast %scan3A_70 : i32 to index
      %get3A_705 = arith.constant 720 : index
      %get3A_706 = tpu.vector_load %arg7[%get3A_704, %get3A_705] {strides = array<i32>} : memref<64x768xf32, #tpu.memory_space<vmem>>, vector<1x16xf32>,
      %get3A_707 = vector.shape_cast %get3A_706 : vector<1x16xf32> to vector<16xf32>
      %add3A_708 = arith.addf %get3A_703, %get3A_707 : vector<16xf32>
      %swap3A_709 = arith.index_cast %scan3A_70 : i32 to index
      %swap3A_710 = arith.constant 720 : index
      %swap3A_711 = tpu.vector_load %arg8[%swap3A_709, %swap3A_710] {strides = array<i32>} : memref<64x768xf32, #tpu.memory_space<vmem>>, vector<1x16xf32>,
      %swap3A_712 = vector.shape_cast %swap3A_711 : vector<1x16xf32> to vector<16xf32>
      %swap3A_713 = vector.shape_cast %add3A_708 : vector<16xf32> to vector<1x16xf32>
      tpu.vector_store %arg8[%swap3A_709, %swap3A_710], %swap3A_713 {strides = array<i32>} : memref<64x768xf32, #tpu.memory_space<vmem>>, vector<1x16xf32>,
      %get3A_714 = arith.index_cast %scan3A_70 : i32 to index
      %get3A_715 = arith.constant 736 : index
      %get3A_716 = tpu.vector_load %arg8[%get3A_714, %get3A_715] {strides = array<i32>} : memref<64x768xf32, #tpu.memory_space<vmem>>, vector<1x16xf32>,
      %get3A_717 = vector.shape_cast %get3A_716 : vector<1x16xf32> to vector<16xf32>
      %get3A_718 = arith.index_cast %scan3A_70 : i32 to index
      %get3A_719 = arith.constant 736 : index
      %get3A_720 = tpu.vector_load %arg7[%get3A_718, %get3A_719] {strides = array<i32>} : memref<64x768xf32, #tpu.memory_space<vmem>>, vector<1x16xf32>,
      %get3A_721 = vector.shape_cast %get3A_720 : vector<1x16xf32> to vector<16xf32>
      %add3A_722 = arith.addf %get3A_717, %get3A_721 : vector<16xf32>
      %swap3A_723 = arith.index_cast %scan3A_70 : i32 to index
      %swap3A_724 = arith.constant 736 : index
      %swap3A_725 = tpu.vector_load %arg8[%swap3A_723, %swap3A_724] {strides = array<i32>} : memref<64x768xf32, #tpu.memory_space<vmem>>, vector<1x16xf32>,
      %swap3A_726 = vector.shape_cast %swap3A_725 : vector<1x16xf32> to vector<16xf32>
      %swap3A_727 = vector.shape_cast %add3A_722 : vector<16xf32> to vector<1x16xf32>
      tpu.vector_store %arg8[%swap3A_723, %swap3A_724], %swap3A_727 {strides = array<i32>} : memref<64x768xf32, #tpu.memory_space<vmem>>, vector<1x16xf32>,
      %get3A_728 = arith.index_cast %scan3A_70 : i32 to index
      %get3A_729 = arith.constant 752 : index
      %get3A_730 = tpu.vector_load %arg8[%get3A_728, %get3A_729] {strides = array<i32>} : memref<64x768xf32, #tpu.memory_space<vmem>>, vector<1x16xf32>,
      %get3A_731 = vector.shape_cast %get3A_730 : vector<1x16xf32> to vector<16xf32>
      %get3A_732 = arith.index_cast %scan3A_70 : i32 to index
      %get3A_733 = arith.constant 752 : index
      %get3A_734 = tpu.vector_load %arg7[%get3A_732, %get3A_733] {strides = array<i32>} : memref<64x768xf32, #tpu.memory_space<vmem>>, vector<1x16xf32>,
      %get3A_735 = vector.shape_cast %get3A_734 : vector<1x16xf32> to vector<16xf32>
      %add3A_736 = arith.addf %get3A_731, %get3A_735 : vector<16xf32>
      %swap3A_737 = arith.index_cast %scan3A_70 : i32 to index
      %swap3A_738 = arith.constant 752 : index
      %swap3A_739 = tpu.vector_load %arg8[%swap3A_737, %swap3A_738] {strides = array<i32>} : memref<64x768xf32, #tpu.memory_space<vmem>>, vector<1x16xf32>,
      %swap3A_740 = vector.shape_cast %swap3A_739 : vector<1x16xf32> to vector<16xf32>
      %swap3A_741 = vector.shape_cast %add3A_736 : vector<16xf32> to vector<1x16xf32>
      tpu.vector_store %arg8[%swap3A_737, %swap3A_738], %swap3A_741 {strides = array<i32>} : memref<64x768xf32, #tpu.memory_space<vmem>>, vector<1x16xf32>,
      %scan3A_742 = arith.constant 0 : i32
      scf.yield %scan3A_742 : i32
    }
    %scan3A_50 = arith.constant 64 : i32
    "tpu.region"() ({
      %run_scoped3A_70 = tpu.sem_alloc : memref<!tpu.dma_semaphore, #tpu.memory_space<semaphore_mem>>
      %dma_start3A_71 = arith.constant 0 : i32
      %dma_start3A_72 = tpu.memref_slice %arg5[%add3A_36, %dma_start3A_71] : memref<4096x768xf32, #tpu.memory_space<hbm>> -> memref<64x768xf32, #tpu.memory_space<hbm>>
      %dma_start3A_73 = arith.constant 0 : i32
      %dma_start3A_74 = tpu.memref_slice %arg5[%add3A_36, %dma_start3A_73] : memref<4096x768xf32, #tpu.memory_space<hbm>> -> memref<64x768xf32, #tpu.memory_space<hbm>>
      tpu.enqueue_dma source(%arg8 : memref<64x768xf32, #tpu.memory_space<vmem>>) target(%dma_start3A_74 : memref<64x768xf32, #tpu.memory_space<hbm>>) target_semaphore(%run_scoped3A_70 : memref<!tpu.dma_semaphore, #tpu.memory_space<semaphore_mem>>)
      %dma_wait3A_75 = arith.constant 0 : i32
      %dma_wait3A_76 = tpu.memref_slice %arg5[%add3A_36, %dma_wait3A_75] : memref<4096x768xf32, #tpu.memory_space<hbm>> -> memref<64x768xf32, #tpu.memory_space<hbm>>
      %dma_wait3A_77 = arith.constant 0 : i32
      %dma_wait3A_78 = tpu.memref_slice %arg5[%add3A_36, %dma_wait3A_77] : memref<4096x768xf32, #tpu.memory_space<hbm>> -> memref<64x768xf32, #tpu.memory_space<hbm>>
      tpu.wait_dma2 semaphore(%run_scoped3A_70 : memref<!tpu.dma_semaphore, #tpu.memory_space<semaphore_mem>>) src(%arg8 : memref<64x768xf32, #tpu.memory_space<vmem>>) dst(%dma_wait3A_78 : memref<64x768xf32, #tpu.memory_space<hbm>>)
      tpu.yield
    }) : () -> ()
    %add3A_51 = arith.constant 64 : i32
    %add3A_52 = arith.addi %mul3A_2, %add3A_51 : i32
    "tpu.region"() ({
      %run_scoped3A_70 = tpu.sem_alloc : memref<!tpu.dma_semaphore, #tpu.memory_space<semaphore_mem>>
      %dma_start3A_71 = arith.constant 0 : i32
      %dma_start3A_72 = tpu.memref_slice %arg4[%add3A_52, %dma_start3A_71] : memref<4096x768xf32, #tpu.memory_space<hbm>> -> memref<64x768xf32, #tpu.memory_space<hbm>>
      %dma_start3A_73 = arith.constant 0 : i32
      %dma_start3A_74 = tpu.memref_slice %arg4[%add3A_52, %dma_start3A_73] : memref<4096x768xf32, #tpu.memory_space<hbm>> -> memref<64x768xf32, #tpu.memory_space<hbm>>
      tpu.enqueue_dma source(%dma_start3A_74 : memref<64x768xf32, #tpu.memory_space<hbm>>) target(%arg8 : memref<64x768xf32, #tpu.memory_space<vmem>>) target_semaphore(%run_scoped3A_70 : memref<!tpu.dma_semaphore, #tpu.memory_space<semaphore_mem>>)
      %dma_wait3A_75 = arith.constant 0 : i32
      %dma_wait3A_76 = tpu.memref_slice %arg4[%add3A_52, %dma_wait3A_75] : memref<4096x768xf32, #tpu.memory_space<hbm>> -> memref<64x768xf32, #tpu.memory_space<hbm>>
      %dma_wait3A_77 = arith.constant 0 : i32
      %dma_wait3A_78 = tpu.memref_slice %arg4[%add3A_52, %dma_wait3A_77] : memref<4096x768xf32, #tpu.memory_space<hbm>> -> memref<64x768xf32, #tpu.memory_space<hbm>>
      tpu.wait_dma2 semaphore(%run_scoped3A_70 : memref<!tpu.dma_semaphore, #tpu.memory_space<semaphore_mem>>) src(%dma_wait3A_78 : memref<64x768xf32, #tpu.memory_space<hbm>>) dst(%arg8 : memref<64x768xf32, #tpu.memory_space<vmem>>)
      tpu.yield
    }) : () -> ()
    %dma_start3A_53 = arith.constant 64 : i32
    %dma_start3A_54 = tpu.memref_slice %arg6[%dma_start3A_53] : memref<128xi32, #tpu.memory_space<vmem>> -> memref<64xi32, #tpu.memory_space<vmem>>
    %dma_start3A_55 = arith.constant 0 : i32
    %dma_start3A_56 = arith.constant 0 : i32
    %dma_start3A_57 = tpu.memref_slice %arg2[%dma_start3A_55, %dma_start3A_56] : memref<8320x768xf32, #tpu.memory_space<hbm>> -> memref<8320x768xf32, #tpu.memory_space<hbm>>
    tpu.enqueue_indirect_dma source(%dma_start3A_57 : memref<8320x768xf32, #tpu.memory_space<hbm>>) target(%arg7 : memref<64x768xf32, #tpu.memory_space<vmem>>) offsets(%dma_start3A_54 : memref<64xi32, #tpu.memory_space<vmem>>) semaphore(%arg9 : memref<!tpu.dma_semaphore, #tpu.memory_space<semaphore_mem>>)
    %dma_wait3A_58 = arith.constant 64 : i32
    %dma_wait3A_59 = tpu.memref_slice %arg6[%dma_wait3A_58] : memref<128xi32, #tpu.memory_space<vmem>> -> memref<64xi32, #tpu.memory_space<vmem>>
    %dma_wait3A_60 = arith.constant 0 : i32
    %dma_wait3A_61 = arith.constant 0 : i32
    %dma_wait3A_62 = tpu.memref_slice %arg2[%dma_wait3A_60, %dma_wait3A_61] : memref<8320x768xf32, #tpu.memory_space<hbm>> -> memref<8320x768xf32, #tpu.memory_space<hbm>>
    tpu.wait_indirect_dma semaphore(%arg9 : memref<!tpu.dma_semaphore, #tpu.memory_space<semaphore_mem>>) src(%dma_wait3A_62 : memref<8320x768xf32, #tpu.memory_space<hbm>>) dst(%arg7 : memref<64x768xf32, #tpu.memory_space<vmem>>)
    %scan3A_63 = arith.constant 0 : i32
    %scan3A_64 = arith.constant 0 : i32
    %scan3A_65 = arith.constant 64 : i32
    %scan3A_66 = arith.addi %scan3A_64, %scan3A_65 : i32
    %scan3A_67 = arith.constant 1 : i32
    %scan3A_68 = scf.for %scan3A_70 = %scan3A_64 to %scan3A_66 step %scan3A_67 iter_args(%scan3A_71 = %scan3A_63) -> (i32)  : i32 {
      %get3A = arith.index_cast %scan3A_70 : i32 to index
      %get3A_72 = arith.constant 0 : index
      %get3A_73 = tpu.vector_load %arg8[%get3A, %get3A_72] {strides = array<i32>} : memref<64x768xf32, #tpu.memory_space<vmem>>, vector<1x16xf32>,
      %get3A_74 = vector.shape_cast %get3A_73 : vector<1x16xf32> to vector<16xf32>
      %get3A_75 = arith.index_cast %scan3A_70 : i32 to index
      %get3A_76 = arith.constant 0 : index
      %get3A_77 = tpu.vector_load %arg7[%get3A_75, %get3A_76] {strides = array<i32>} : memref<64x768xf32, #tpu.memory_space<vmem>>, vector<1x16xf32>,
      %get3A_78 = vector.shape_cast %get3A_77 : vector<1x16xf32> to vector<16xf32>
      %add3A_79 = arith.addf %get3A_74, %get3A_78 : vector<16xf32>
      %swap3A = arith.index_cast %scan3A_70 : i32 to index
      %swap3A_80 = arith.constant 0 : index
      %swap3A_81 = tpu.vector_load %arg8[%swap3A, %swap3A_80] {strides = array<i32>} : memref<64x768xf32, #tpu.memory_space<vmem>>, vector<1x16xf32>,
      %swap3A_82 = vector.shape_cast %swap3A_81 : vector<1x16xf32> to vector<16xf32>
      %swap3A_83 = vector.shape_cast %add3A_79 : vector<16xf32> to vector<1x16xf32>
      tpu.vector_store %arg8[%swap3A, %swap3A_80], %swap3A_83 {strides = array<i32>} : memref<64x768xf32, #tpu.memory_space<vmem>>, vector<1x16xf32>,
      %get3A_84 = arith.index_cast %scan3A_70 : i32 to index
      %get3A_85 = arith.constant 16 : index
      %get3A_86 = tpu.vector_load %arg8[%get3A_84, %get3A_85] {strides = array<i32>} : memref<64x768xf32, #tpu.memory_space<vmem>>, vector<1x16xf32>,
      %get3A_87 = vector.shape_cast %get3A_86 : vector<1x16xf32> to vector<16xf32>
      %get3A_88 = arith.index_cast %scan3A_70 : i32 to index
      %get3A_89 = arith.constant 16 : index
      %get3A_90 = tpu.vector_load %arg7[%get3A_88, %get3A_89] {strides = array<i32>} : memref<64x768xf32, #tpu.memory_space<vmem>>, vector<1x16xf32>,
      %get3A_91 = vector.shape_cast %get3A_90 : vector<1x16xf32> to vector<16xf32>
      %add3A_92 = arith.addf %get3A_87, %get3A_91 : vector<16xf32>
      %swap3A_93 = arith.index_cast %scan3A_70 : i32 to index
      %swap3A_94 = arith.constant 16 : index
      %swap3A_95 = tpu.vector_load %arg8[%swap3A_93, %swap3A_94] {strides = array<i32>} : memref<64x768xf32, #tpu.memory_space<vmem>>, vector<1x16xf32>,
      %swap3A_96 = vector.shape_cast %swap3A_95 : vector<1x16xf32> to vector<16xf32>
      %swap3A_97 = vector.shape_cast %add3A_92 : vector<16xf32> to vector<1x16xf32>
      tpu.vector_store %arg8[%swap3A_93, %swap3A_94], %swap3A_97 {strides = array<i32>} : memref<64x768xf32, #tpu.memory_space<vmem>>, vector<1x16xf32>,
      %get3A_98 = arith.index_cast %scan3A_70 : i32 to index
      %get3A_99 = arith.constant 32 : index
      %get3A_100 = tpu.vector_load %arg8[%get3A_98, %get3A_99] {strides = array<i32>} : memref<64x768xf32, #tpu.memory_space<vmem>>, vector<1x16xf32>,
      %get3A_101 = vector.shape_cast %get3A_100 : vector<1x16xf32> to vector<16xf32>
      %get3A_102 = arith.index_cast %scan3A_70 : i32 to index
      %get3A_103 = arith.constant 32 : index
      %get3A_104 = tpu.vector_load %arg7[%get3A_102, %get3A_103] {strides = array<i32>} : memref<64x768xf32, #tpu.memory_space<vmem>>, vector<1x16xf32>,
      %get3A_105 = vector.shape_cast %get3A_104 : vector<1x16xf32> to vector<16xf32>
      %add3A_106 = arith.addf %get3A_101, %get3A_105 : vector<16xf32>
      %swap3A_107 = arith.index_cast %scan3A_70 : i32 to index
      %swap3A_108 = arith.constant 32 : index
      %swap3A_109 = tpu.vector_load %arg8[%swap3A_107, %swap3A_108] {strides = array<i32>} : memref<64x768xf32, #tpu.memory_space<vmem>>, vector<1x16xf32>,
      %swap3A_110 = vector.shape_cast %swap3A_109 : vector<1x16xf32> to vector<16xf32>
      %swap3A_111 = vector.shape_cast %add3A_106 : vector<16xf32> to vector<1x16xf32>
      tpu.vector_store %arg8[%swap3A_107, %swap3A_108], %swap3A_111 {strides = array<i32>} : memref<64x768xf32, #tpu.memory_space<vmem>>, vector<1x16xf32>,
      %get3A_112 = arith.index_cast %scan3A_70 : i32 to index
      %get3A_113 = arith.constant 48 : index
      %get3A_114 = tpu.vector_load %arg8[%get3A_112, %get3A_113] {strides = array<i32>} : memref<64x768xf32, #tpu.memory_space<vmem>>, vector<1x16xf32>,
      %get3A_115 = vector.shape_cast %get3A_114 : vector<1x16xf32> to vector<16xf32>
      %get3A_116 = arith.index_cast %scan3A_70 : i32 to index
      %get3A_117 = arith.constant 48 : index
      %get3A_118 = tpu.vector_load %arg7[%get3A_116, %get3A_117] {strides = array<i32>} : memref<64x768xf32, #tpu.memory_space<vmem>>, vector<1x16xf32>,
      %get3A_119 = vector.shape_cast %get3A_118 : vector<1x16xf32> to vector<16xf32>
      %add3A_120 = arith.addf %get3A_115, %get3A_119 : vector<16xf32>
      %swap3A_121 = arith.index_cast %scan3A_70 : i32 to index
      %swap3A_122 = arith.constant 48 : index
      %swap3A_123 = tpu.vector_load %arg8[%swap3A_121, %swap3A_122] {strides = array<i32>} : memref<64x768xf32, #tpu.memory_space<vmem>>, vector<1x16xf32>,
      %swap3A_124 = vector.shape_cast %swap3A_123 : vector<1x16xf32> to vector<16xf32>
      %swap3A_125 = vector.shape_cast %add3A_120 : vector<16xf32> to vector<1x16xf32>
      tpu.vector_store %arg8[%swap3A_121, %swap3A_122], %swap3A_125 {strides = array<i32>} : memref<64x768xf32, #tpu.memory_space<vmem>>, vector<1x16xf32>,
      %get3A_126 = arith.index_cast %scan3A_70 : i32 to index
      %get3A_127 = arith.constant 64 : index
      %get3A_128 = tpu.vector_load %arg8[%get3A_126, %get3A_127] {strides = array<i32>} : memref<64x768xf32, #tpu.memory_space<vmem>>, vector<1x16xf32>,
      %get3A_129 = vector.shape_cast %get3A_128 : vector<1x16xf32> to vector<16xf32>
      %get3A_130 = arith.index_cast %scan3A_70 : i32 to index
      %get3A_131 = arith.constant 64 : index
      %get3A_132 = tpu.vector_load %arg7[%get3A_130, %get3A_131] {strides = array<i32>} : memref<64x768xf32, #tpu.memory_space<vmem>>, vector<1x16xf32>,
      %get3A_133 = vector.shape_cast %get3A_132 : vector<1x16xf32> to vector<16xf32>
      %add3A_134 = arith.addf %get3A_129, %get3A_133 : vector<16xf32>
      %swap3A_135 = arith.index_cast %scan3A_70 : i32 to index
      %swap3A_136 = arith.constant 64 : index
      %swap3A_137 = tpu.vector_load %arg8[%swap3A_135, %swap3A_136] {strides = array<i32>} : memref<64x768xf32, #tpu.memory_space<vmem>>, vector<1x16xf32>,
      %swap3A_138 = vector.shape_cast %swap3A_137 : vector<1x16xf32> to vector<16xf32>
      %swap3A_139 = vector.shape_cast %add3A_134 : vector<16xf32> to vector<1x16xf32>
      tpu.vector_store %arg8[%swap3A_135, %swap3A_136], %swap3A_139 {strides = array<i32>} : memref<64x768xf32, #tpu.memory_space<vmem>>, vector<1x16xf32>,
      %get3A_140 = arith.index_cast %scan3A_70 : i32 to index
      %get3A_141 = arith.constant 80 : index
      %get3A_142 = tpu.vector_load %arg8[%get3A_140, %get3A_141] {strides = array<i32>} : memref<64x768xf32, #tpu.memory_space<vmem>>, vector<1x16xf32>,
      %get3A_143 = vector.shape_cast %get3A_142 : vector<1x16xf32> to vector<16xf32>
      %get3A_144 = arith.index_cast %scan3A_70 : i32 to index
      %get3A_145 = arith.constant 80 : index
      %get3A_146 = tpu.vector_load %arg7[%get3A_144, %get3A_145] {strides = array<i32>} : memref<64x768xf32, #tpu.memory_space<vmem>>, vector<1x16xf32>,
      %get3A_147 = vector.shape_cast %get3A_146 : vector<1x16xf32> to vector<16xf32>
      %add3A_148 = arith.addf %get3A_143, %get3A_147 : vector<16xf32>
      %swap3A_149 = arith.index_cast %scan3A_70 : i32 to index
      %swap3A_150 = arith.constant 80 : index
      %swap3A_151 = tpu.vector_load %arg8[%swap3A_149, %swap3A_150] {strides = array<i32>} : memref<64x768xf32, #tpu.memory_space<vmem>>, vector<1x16xf32>,
      %swap3A_152 = vector.shape_cast %swap3A_151 : vector<1x16xf32> to vector<16xf32>
      %swap3A_153 = vector.shape_cast %add3A_148 : vector<16xf32> to vector<1x16xf32>
      tpu.vector_store %arg8[%swap3A_149, %swap3A_150], %swap3A_153 {strides = array<i32>} : memref<64x768xf32, #tpu.memory_space<vmem>>, vector<1x16xf32>,
      %get3A_154 = arith.index_cast %scan3A_70 : i32 to index
      %get3A_155 = arith.constant 96 : index
      %get3A_156 = tpu.vector_load %arg8[%get3A_154, %get3A_155] {strides = array<i32>} : memref<64x768xf32, #tpu.memory_space<vmem>>, vector<1x16xf32>,
      %get3A_157 = vector.shape_cast %get3A_156 : vector<1x16xf32> to vector<16xf32>
      %get3A_158 = arith.index_cast %scan3A_70 : i32 to index
      %get3A_159 = arith.constant 96 : index
      %get3A_160 = tpu.vector_load %arg7[%get3A_158, %get3A_159] {strides = array<i32>} : memref<64x768xf32, #tpu.memory_space<vmem>>, vector<1x16xf32>,
      %get3A_161 = vector.shape_cast %get3A_160 : vector<1x16xf32> to vector<16xf32>
      %add3A_162 = arith.addf %get3A_157, %get3A_161 : vector<16xf32>
      %swap3A_163 = arith.index_cast %scan3A_70 : i32 to index
      %swap3A_164 = arith.constant 96 : index
      %swap3A_165 = tpu.vector_load %arg8[%swap3A_163, %swap3A_164] {strides = array<i32>} : memref<64x768xf32, #tpu.memory_space<vmem>>, vector<1x16xf32>,
      %swap3A_166 = vector.shape_cast %swap3A_165 : vector<1x16xf32> to vector<16xf32>
      %swap3A_167 = vector.shape_cast %add3A_162 : vector<16xf32> to vector<1x16xf32>
      tpu.vector_store %arg8[%swap3A_163, %swap3A_164], %swap3A_167 {strides = array<i32>} : memref<64x768xf32, #tpu.memory_space<vmem>>, vector<1x16xf32>,
      %get3A_168 = arith.index_cast %scan3A_70 : i32 to index
      %get3A_169 = arith.constant 112 : index
      %get3A_170 = tpu.vector_load %arg8[%get3A_168, %get3A_169] {strides = array<i32>} : memref<64x768xf32, #tpu.memory_space<vmem>>, vector<1x16xf32>,
      %get3A_171 = vector.shape_cast %get3A_170 : vector<1x16xf32> to vector<16xf32>
      %get3A_172 = arith.index_cast %scan3A_70 : i32 to index
      %get3A_173 = arith.constant 112 : index
      %get3A_174 = tpu.vector_load %arg7[%get3A_172, %get3A_173] {strides = array<i32>} : memref<64x768xf32, #tpu.memory_space<vmem>>, vector<1x16xf32>,
      %get3A_175 = vector.shape_cast %get3A_174 : vector<1x16xf32> to vector<16xf32>
      %add3A_176 = arith.addf %get3A_171, %get3A_175 : vector<16xf32>
      %swap3A_177 = arith.index_cast %scan3A_70 : i32 to index
      %swap3A_178 = arith.constant 112 : index
      %swap3A_179 = tpu.vector_load %arg8[%swap3A_177, %swap3A_178] {strides = array<i32>} : memref<64x768xf32, #tpu.memory_space<vmem>>, vector<1x16xf32>,
      %swap3A_180 = vector.shape_cast %swap3A_179 : vector<1x16xf32> to vector<16xf32>
      %swap3A_181 = vector.shape_cast %add3A_176 : vector<16xf32> to vector<1x16xf32>
      tpu.vector_store %arg8[%swap3A_177, %swap3A_178], %swap3A_181 {strides = array<i32>} : memref<64x768xf32, #tpu.memory_space<vmem>>, vector<1x16xf32>,
      %get3A_182 = arith.index_cast %scan3A_70 : i32 to index
      %get3A_183 = arith.constant 128 : index
      %get3A_184 = tpu.vector_load %arg8[%get3A_182, %get3A_183] {strides = array<i32>} : memref<64x768xf32, #tpu.memory_space<vmem>>, vector<1x16xf32>,
      %get3A_185 = vector.shape_cast %get3A_184 : vector<1x16xf32> to vector<16xf32>
      %get3A_186 = arith.index_cast %scan3A_70 : i32 to index
      %get3A_187 = arith.constant 128 : index
      %get3A_188 = tpu.vector_load %arg7[%get3A_186, %get3A_187] {strides = array<i32>} : memref<64x768xf32, #tpu.memory_space<vmem>>, vector<1x16xf32>,
      %get3A_189 = vector.shape_cast %get3A_188 : vector<1x16xf32> to vector<16xf32>
      %add3A_190 = arith.addf %get3A_185, %get3A_189 : vector<16xf32>
      %swap3A_191 = arith.index_cast %scan3A_70 : i32 to index
      %swap3A_192 = arith.constant 128 : index
      %swap3A_193 = tpu.vector_load %arg8[%swap3A_191, %swap3A_192] {strides = array<i32>} : memref<64x768xf32, #tpu.memory_space<vmem>>, vector<1x16xf32>,
      %swap3A_194 = vector.shape_cast %swap3A_193 : vector<1x16xf32> to vector<16xf32>
      %swap3A_195 = vector.shape_cast %add3A_190 : vector<16xf32> to vector<1x16xf32>
      tpu.vector_store %arg8[%swap3A_191, %swap3A_192], %swap3A_195 {strides = array<i32>} : memref<64x768xf32, #tpu.memory_space<vmem>>, vector<1x16xf32>,
      %get3A_196 = arith.index_cast %scan3A_70 : i32 to index
      %get3A_197 = arith.constant 144 : index
      %get3A_198 = tpu.vector_load %arg8[%get3A_196, %get3A_197] {strides = array<i32>} : memref<64x768xf32, #tpu.memory_space<vmem>>, vector<1x16xf32>,
      %get3A_199 = vector.shape_cast %get3A_198 : vector<1x16xf32> to vector<16xf32>
      %get3A_200 = arith.index_cast %scan3A_70 : i32 to index
      %get3A_201 = arith.constant 144 : index
      %get3A_202 = tpu.vector_load %arg7[%get3A_200, %get3A_201] {strides = array<i32>} : memref<64x768xf32, #tpu.memory_space<vmem>>, vector<1x16xf32>,
      %get3A_203 = vector.shape_cast %get3A_202 : vector<1x16xf32> to vector<16xf32>
      %add3A_204 = arith.addf %get3A_199, %get3A_203 : vector<16xf32>
      %swap3A_205 = arith.index_cast %scan3A_70 : i32 to index
      %swap3A_206 = arith.constant 144 : index
      %swap3A_207 = tpu.vector_load %arg8[%swap3A_205, %swap3A_206] {strides = array<i32>} : memref<64x768xf32, #tpu.memory_space<vmem>>, vector<1x16xf32>,
      %swap3A_208 = vector.shape_cast %swap3A_207 : vector<1x16xf32> to vector<16xf32>
      %swap3A_209 = vector.shape_cast %add3A_204 : vector<16xf32> to vector<1x16xf32>
      tpu.vector_store %arg8[%swap3A_205, %swap3A_206], %swap3A_209 {strides = array<i32>} : memref<64x768xf32, #tpu.memory_space<vmem>>, vector<1x16xf32>,
      %get3A_210 = arith.index_cast %scan3A_70 : i32 to index
      %get3A_211 = arith.constant 160 : index
      %get3A_212 = tpu.vector_load %arg8[%get3A_210, %get3A_211] {strides = array<i32>} : memref<64x768xf32, #tpu.memory_space<vmem>>, vector<1x16xf32>,
      %get3A_213 = vector.shape_cast %get3A_212 : vector<1x16xf32> to vector<16xf32>
      %get3A_214 = arith.index_cast %scan3A_70 : i32 to index
      %get3A_215 = arith.constant 160 : index
      %get3A_216 = tpu.vector_load %arg7[%get3A_214, %get3A_215] {strides = array<i32>} : memref<64x768xf32, #tpu.memory_space<vmem>>, vector<1x16xf32>,
      %get3A_217 = vector.shape_cast %get3A_216 : vector<1x16xf32> to vector<16xf32>
      %add3A_218 = arith.addf %get3A_213, %get3A_217 : vector<16xf32>
      %swap3A_219 = arith.index_cast %scan3A_70 : i32 to index
      %swap3A_220 = arith.constant 160 : index
      %swap3A_221 = tpu.vector_load %arg8[%swap3A_219, %swap3A_220] {strides = array<i32>} : memref<64x768xf32, #tpu.memory_space<vmem>>, vector<1x16xf32>,
      %swap3A_222 = vector.shape_cast %swap3A_221 : vector<1x16xf32> to vector<16xf32>
      %swap3A_223 = vector.shape_cast %add3A_218 : vector<16xf32> to vector<1x16xf32>
      tpu.vector_store %arg8[%swap3A_219, %swap3A_220], %swap3A_223 {strides = array<i32>} : memref<64x768xf32, #tpu.memory_space<vmem>>, vector<1x16xf32>,
      %get3A_224 = arith.index_cast %scan3A_70 : i32 to index
      %get3A_225 = arith.constant 176 : index
      %get3A_226 = tpu.vector_load %arg8[%get3A_224, %get3A_225] {strides = array<i32>} : memref<64x768xf32, #tpu.memory_space<vmem>>, vector<1x16xf32>,
      %get3A_227 = vector.shape_cast %get3A_226 : vector<1x16xf32> to vector<16xf32>
      %get3A_228 = arith.index_cast %scan3A_70 : i32 to index
      %get3A_229 = arith.constant 176 : index
      %get3A_230 = tpu.vector_load %arg7[%get3A_228, %get3A_229] {strides = array<i32>} : memref<64x768xf32, #tpu.memory_space<vmem>>, vector<1x16xf32>,
      %get3A_231 = vector.shape_cast %get3A_230 : vector<1x16xf32> to vector<16xf32>
      %add3A_232 = arith.addf %get3A_227, %get3A_231 : vector<16xf32>
      %swap3A_233 = arith.index_cast %scan3A_70 : i32 to index
      %swap3A_234 = arith.constant 176 : index
      %swap3A_235 = tpu.vector_load %arg8[%swap3A_233, %swap3A_234] {strides = array<i32>} : memref<64x768xf32, #tpu.memory_space<vmem>>, vector<1x16xf32>,
      %swap3A_236 = vector.shape_cast %swap3A_235 : vector<1x16xf32> to vector<16xf32>
      %swap3A_237 = vector.shape_cast %add3A_232 : vector<16xf32> to vector<1x16xf32>
      tpu.vector_store %arg8[%swap3A_233, %swap3A_234], %swap3A_237 {strides = array<i32>} : memref<64x768xf32, #tpu.memory_space<vmem>>, vector<1x16xf32>,
      %get3A_238 = arith.index_cast %scan3A_70 : i32 to index
      %get3A_239 = arith.constant 192 : index
      %get3A_240 = tpu.vector_load %arg8[%get3A_238, %get3A_239] {strides = array<i32>} : memref<64x768xf32, #tpu.memory_space<vmem>>, vector<1x16xf32>,
      %get3A_241 = vector.shape_cast %get3A_240 : vector<1x16xf32> to vector<16xf32>
      %get3A_242 = arith.index_cast %scan3A_70 : i32 to index
      %get3A_243 = arith.constant 192 : index
      %get3A_244 = tpu.vector_load %arg7[%get3A_242, %get3A_243] {strides = array<i32>} : memref<64x768xf32, #tpu.memory_space<vmem>>, vector<1x16xf32>,
      %get3A_245 = vector.shape_cast %get3A_244 : vector<1x16xf32> to vector<16xf32>
      %add3A_246 = arith.addf %get3A_241, %get3A_245 : vector<16xf32>
      %swap3A_247 = arith.index_cast %scan3A_70 : i32 to index
      %swap3A_248 = arith.constant 192 : index
      %swap3A_249 = tpu.vector_load %arg8[%swap3A_247, %swap3A_248] {strides = array<i32>} : memref<64x768xf32, #tpu.memory_space<vmem>>, vector<1x16xf32>,
      %swap3A_250 = vector.shape_cast %swap3A_249 : vector<1x16xf32> to vector<16xf32>
      %swap3A_251 = vector.shape_cast %add3A_246 : vector<16xf32> to vector<1x16xf32>
      tpu.vector_store %arg8[%swap3A_247, %swap3A_248], %swap3A_251 {strides = array<i32>} : memref<64x768xf32, #tpu.memory_space<vmem>>, vector<1x16xf32>,
      %get3A_252 = arith.index_cast %scan3A_70 : i32 to index
      %get3A_253 = arith.constant 208 : index
      %get3A_254 = tpu.vector_load %arg8[%get3A_252, %get3A_253] {strides = array<i32>} : memref<64x768xf32, #tpu.memory_space<vmem>>, vector<1x16xf32>,
      %get3A_255 = vector.shape_cast %get3A_254 : vector<1x16xf32> to vector<16xf32>
      %get3A_256 = arith.index_cast %scan3A_70 : i32 to index
      %get3A_257 = arith.constant 208 : index
      %get3A_258 = tpu.vector_load %arg7[%get3A_256, %get3A_257] {strides = array<i32>} : memref<64x768xf32, #tpu.memory_space<vmem>>, vector<1x16xf32>,
      %get3A_259 = vector.shape_cast %get3A_258 : vector<1x16xf32> to vector<16xf32>
      %add3A_260 = arith.addf %get3A_255, %get3A_259 : vector<16xf32>
      %swap3A_261 = arith.index_cast %scan3A_70 : i32 to index
      %swap3A_262 = arith.constant 208 : index
      %swap3A_263 = tpu.vector_load %arg8[%swap3A_261, %swap3A_262] {strides = array<i32>} : memref<64x768xf32, #tpu.memory_space<vmem>>, vector<1x16xf32>,
      %swap3A_264 = vector.shape_cast %swap3A_263 : vector<1x16xf32> to vector<16xf32>
      %swap3A_265 = vector.shape_cast %add3A_260 : vector<16xf32> to vector<1x16xf32>
      tpu.vector_store %arg8[%swap3A_261, %swap3A_262], %swap3A_265 {strides = array<i32>} : memref<64x768xf32, #tpu.memory_space<vmem>>, vector<1x16xf32>,
      %get3A_266 = arith.index_cast %scan3A_70 : i32 to index
      %get3A_267 = arith.constant 224 : index
      %get3A_268 = tpu.vector_load %arg8[%get3A_266, %get3A_267] {strides = array<i32>} : memref<64x768xf32, #tpu.memory_space<vmem>>, vector<1x16xf32>,
      %get3A_269 = vector.shape_cast %get3A_268 : vector<1x16xf32> to vector<16xf32>
      %get3A_270 = arith.index_cast %scan3A_70 : i32 to index
      %get3A_271 = arith.constant 224 : index
      %get3A_272 = tpu.vector_load %arg7[%get3A_270, %get3A_271] {strides = array<i32>} : memref<64x768xf32, #tpu.memory_space<vmem>>, vector<1x16xf32>,
      %get3A_273 = vector.shape_cast %get3A_272 : vector<1x16xf32> to vector<16xf32>
      %add3A_274 = arith.addf %get3A_269, %get3A_273 : vector<16xf32>
      %swap3A_275 = arith.index_cast %scan3A_70 : i32 to index
      %swap3A_276 = arith.constant 224 : index
      %swap3A_277 = tpu.vector_load %arg8[%swap3A_275, %swap3A_276] {strides = array<i32>} : memref<64x768xf32, #tpu.memory_space<vmem>>, vector<1x16xf32>,
      %swap3A_278 = vector.shape_cast %swap3A_277 : vector<1x16xf32> to vector<16xf32>
      %swap3A_279 = vector.shape_cast %add3A_274 : vector<16xf32> to vector<1x16xf32>
      tpu.vector_store %arg8[%swap3A_275, %swap3A_276], %swap3A_279 {strides = array<i32>} : memref<64x768xf32, #tpu.memory_space<vmem>>, vector<1x16xf32>,
      %get3A_280 = arith.index_cast %scan3A_70 : i32 to index
      %get3A_281 = arith.constant 240 : index
      %get3A_282 = tpu.vector_load %arg8[%get3A_280, %get3A_281] {strides = array<i32>} : memref<64x768xf32, #tpu.memory_space<vmem>>, vector<1x16xf32>,
      %get3A_283 = vector.shape_cast %get3A_282 : vector<1x16xf32> to vector<16xf32>
      %get3A_284 = arith.index_cast %scan3A_70 : i32 to index
      %get3A_285 = arith.constant 240 : index
      %get3A_286 = tpu.vector_load %arg7[%get3A_284, %get3A_285] {strides = array<i32>} : memref<64x768xf32, #tpu.memory_space<vmem>>, vector<1x16xf32>,
      %get3A_287 = vector.shape_cast %get3A_286 : vector<1x16xf32> to vector<16xf32>
      %add3A_288 = arith.addf %get3A_283, %get3A_287 : vector<16xf32>
      %swap3A_289 = arith.index_cast %scan3A_70 : i32 to index
      %swap3A_290 = arith.constant 240 : index
      %swap3A_291 = tpu.vector_load %arg8[%swap3A_289, %swap3A_290] {strides = array<i32>} : memref<64x768xf32, #tpu.memory_space<vmem>>, vector<1x16xf32>,
      %swap3A_292 = vector.shape_cast %swap3A_291 : vector<1x16xf32> to vector<16xf32>
      %swap3A_293 = vector.shape_cast %add3A_288 : vector<16xf32> to vector<1x16xf32>
      tpu.vector_store %arg8[%swap3A_289, %swap3A_290], %swap3A_293 {strides = array<i32>} : memref<64x768xf32, #tpu.memory_space<vmem>>, vector<1x16xf32>,
      %get3A_294 = arith.index_cast %scan3A_70 : i32 to index
      %get3A_295 = arith.constant 256 : index
      %get3A_296 = tpu.vector_load %arg8[%get3A_294, %get3A_295] {strides = array<i32>} : memref<64x768xf32, #tpu.memory_space<vmem>>, vector<1x16xf32>,
      %get3A_297 = vector.shape_cast %get3A_296 : vector<1x16xf32> to vector<16xf32>
      %get3A_298 = arith.index_cast %scan3A_70 : i32 to index
      %get3A_299 = arith.constant 256 : index
      %get3A_300 = tpu.vector_load %arg7[%get3A_298, %get3A_299] {strides = array<i32>} : memref<64x768xf32, #tpu.memory_space<vmem>>, vector<1x16xf32>,
      %get3A_301 = vector.shape_cast %get3A_300 : vector<1x16xf32> to vector<16xf32>
      %add3A_302 = arith.addf %get3A_297, %get3A_301 : vector<16xf32>
      %swap3A_303 = arith.index_cast %scan3A_70 : i32 to index
      %swap3A_304 = arith.constant 256 : index
      %swap3A_305 = tpu.vector_load %arg8[%swap3A_303, %swap3A_304] {strides = array<i32>} : memref<64x768xf32, #tpu.memory_space<vmem>>, vector<1x16xf32>,
      %swap3A_306 = vector.shape_cast %swap3A_305 : vector<1x16xf32> to vector<16xf32>
      %swap3A_307 = vector.shape_cast %add3A_302 : vector<16xf32> to vector<1x16xf32>
      tpu.vector_store %arg8[%swap3A_303, %swap3A_304], %swap3A_307 {strides = array<i32>} : memref<64x768xf32, #tpu.memory_space<vmem>>, vector<1x16xf32>,
      %get3A_308 = arith.index_cast %scan3A_70 : i32 to index
      %get3A_309 = arith.constant 272 : index
      %get3A_310 = tpu.vector_load %arg8[%get3A_308, %get3A_309] {strides = array<i32>} : memref<64x768xf32, #tpu.memory_space<vmem>>, vector<1x16xf32>,
      %get3A_311 = vector.shape_cast %get3A_310 : vector<1x16xf32> to vector<16xf32>
      %get3A_312 = arith.index_cast %scan3A_70 : i32 to index
      %get3A_313 = arith.constant 272 : index
      %get3A_314 = tpu.vector_load %arg7[%get3A_312, %get3A_313] {strides = array<i32>} : memref<64x768xf32, #tpu.memory_space<vmem>>, vector<1x16xf32>,
      %get3A_315 = vector.shape_cast %get3A_314 : vector<1x16xf32> to vector<16xf32>
      %add3A_316 = arith.addf %get3A_311, %get3A_315 : vector<16xf32>
      %swap3A_317 = arith.index_cast %scan3A_70 : i32 to index
      %swap3A_318 = arith.constant 272 : index
      %swap3A_319 = tpu.vector_load %arg8[%swap3A_317, %swap3A_318] {strides = array<i32>} : memref<64x768xf32, #tpu.memory_space<vmem>>, vector<1x16xf32>,
      %swap3A_320 = vector.shape_cast %swap3A_319 : vector<1x16xf32> to vector<16xf32>
      %swap3A_321 = vector.shape_cast %add3A_316 : vector<16xf32> to vector<1x16xf32>
      tpu.vector_store %arg8[%swap3A_317, %swap3A_318], %swap3A_321 {strides = array<i32>} : memref<64x768xf32, #tpu.memory_space<vmem>>, vector<1x16xf32>,
      %get3A_322 = arith.index_cast %scan3A_70 : i32 to index
      %get3A_323 = arith.constant 288 : index
      %get3A_324 = tpu.vector_load %arg8[%get3A_322, %get3A_323] {strides = array<i32>} : memref<64x768xf32, #tpu.memory_space<vmem>>, vector<1x16xf32>,
      %get3A_325 = vector.shape_cast %get3A_324 : vector<1x16xf32> to vector<16xf32>
      %get3A_326 = arith.index_cast %scan3A_70 : i32 to index
      %get3A_327 = arith.constant 288 : index
      %get3A_328 = tpu.vector_load %arg7[%get3A_326, %get3A_327] {strides = array<i32>} : memref<64x768xf32, #tpu.memory_space<vmem>>, vector<1x16xf32>,
      %get3A_329 = vector.shape_cast %get3A_328 : vector<1x16xf32> to vector<16xf32>
      %add3A_330 = arith.addf %get3A_325, %get3A_329 : vector<16xf32>
      %swap3A_331 = arith.index_cast %scan3A_70 : i32 to index
      %swap3A_332 = arith.constant 288 : index
      %swap3A_333 = tpu.vector_load %arg8[%swap3A_331, %swap3A_332] {strides = array<i32>} : memref<64x768xf32, #tpu.memory_space<vmem>>, vector<1x16xf32>,
      %swap3A_334 = vector.shape_cast %swap3A_333 : vector<1x16xf32> to vector<16xf32>
      %swap3A_335 = vector.shape_cast %add3A_330 : vector<16xf32> to vector<1x16xf32>
      tpu.vector_store %arg8[%swap3A_331, %swap3A_332], %swap3A_335 {strides = array<i32>} : memref<64x768xf32, #tpu.memory_space<vmem>>, vector<1x16xf32>,
      %get3A_336 = arith.index_cast %scan3A_70 : i32 to index
      %get3A_337 = arith.constant 304 : index
      %get3A_338 = tpu.vector_load %arg8[%get3A_336, %get3A_337] {strides = array<i32>} : memref<64x768xf32, #tpu.memory_space<vmem>>, vector<1x16xf32>,
      %get3A_339 = vector.shape_cast %get3A_338 : vector<1x16xf32> to vector<16xf32>
      %get3A_340 = arith.index_cast %scan3A_70 : i32 to index
      %get3A_341 = arith.constant 304 : index
      %get3A_342 = tpu.vector_load %arg7[%get3A_340, %get3A_341] {strides = array<i32>} : memref<64x768xf32, #tpu.memory_space<vmem>>, vector<1x16xf32>,
      %get3A_343 = vector.shape_cast %get3A_342 : vector<1x16xf32> to vector<16xf32>
      %add3A_344 = arith.addf %get3A_339, %get3A_343 : vector<16xf32>
      %swap3A_345 = arith.index_cast %scan3A_70 : i32 to index
      %swap3A_346 = arith.constant 304 : index
      %swap3A_347 = tpu.vector_load %arg8[%swap3A_345, %swap3A_346] {strides = array<i32>} : memref<64x768xf32, #tpu.memory_space<vmem>>, vector<1x16xf32>,
      %swap3A_348 = vector.shape_cast %swap3A_347 : vector<1x16xf32> to vector<16xf32>
      %swap3A_349 = vector.shape_cast %add3A_344 : vector<16xf32> to vector<1x16xf32>
      tpu.vector_store %arg8[%swap3A_345, %swap3A_346], %swap3A_349 {strides = array<i32>} : memref<64x768xf32, #tpu.memory_space<vmem>>, vector<1x16xf32>,
      %get3A_350 = arith.index_cast %scan3A_70 : i32 to index
      %get3A_351 = arith.constant 320 : index
      %get3A_352 = tpu.vector_load %arg8[%get3A_350, %get3A_351] {strides = array<i32>} : memref<64x768xf32, #tpu.memory_space<vmem>>, vector<1x16xf32>,
      %get3A_353 = vector.shape_cast %get3A_352 : vector<1x16xf32> to vector<16xf32>
      %get3A_354 = arith.index_cast %scan3A_70 : i32 to index
      %get3A_355 = arith.constant 320 : index
      %get3A_356 = tpu.vector_load %arg7[%get3A_354, %get3A_355] {strides = array<i32>} : memref<64x768xf32, #tpu.memory_space<vmem>>, vector<1x16xf32>,
      %get3A_357 = vector.shape_cast %get3A_356 : vector<1x16xf32> to vector<16xf32>
      %add3A_358 = arith.addf %get3A_353, %get3A_357 : vector<16xf32>
      %swap3A_359 = arith.index_cast %scan3A_70 : i32 to index
      %swap3A_360 = arith.constant 320 : index
      %swap3A_361 = tpu.vector_load %arg8[%swap3A_359, %swap3A_360] {strides = array<i32>} : memref<64x768xf32, #tpu.memory_space<vmem>>, vector<1x16xf32>,
      %swap3A_362 = vector.shape_cast %swap3A_361 : vector<1x16xf32> to vector<16xf32>
      %swap3A_363 = vector.shape_cast %add3A_358 : vector<16xf32> to vector<1x16xf32>
      tpu.vector_store %arg8[%swap3A_359, %swap3A_360], %swap3A_363 {strides = array<i32>} : memref<64x768xf32, #tpu.memory_space<vmem>>, vector<1x16xf32>,
      %get3A_364 = arith.index_cast %scan3A_70 : i32 to index
      %get3A_365 = arith.constant 336 : index
      %get3A_366 = tpu.vector_load %arg8[%get3A_364, %get3A_365] {strides = array<i32>} : memref<64x768xf32, #tpu.memory_space<vmem>>, vector<1x16xf32>,
      %get3A_367 = vector.shape_cast %get3A_366 : vector<1x16xf32> to vector<16xf32>
      %get3A_368 = arith.index_cast %scan3A_70 : i32 to index
      %get3A_369 = arith.constant 336 : index
      %get3A_370 = tpu.vector_load %arg7[%get3A_368, %get3A_369] {strides = array<i32>} : memref<64x768xf32, #tpu.memory_space<vmem>>, vector<1x16xf32>,
      %get3A_371 = vector.shape_cast %get3A_370 : vector<1x16xf32> to vector<16xf32>
      %add3A_372 = arith.addf %get3A_367, %get3A_371 : vector<16xf32>
      %swap3A_373 = arith.index_cast %scan3A_70 : i32 to index
      %swap3A_374 = arith.constant 336 : index
      %swap3A_375 = tpu.vector_load %arg8[%swap3A_373, %swap3A_374] {strides = array<i32>} : memref<64x768xf32, #tpu.memory_space<vmem>>, vector<1x16xf32>,
      %swap3A_376 = vector.shape_cast %swap3A_375 : vector<1x16xf32> to vector<16xf32>
      %swap3A_377 = vector.shape_cast %add3A_372 : vector<16xf32> to vector<1x16xf32>
      tpu.vector_store %arg8[%swap3A_373, %swap3A_374], %swap3A_377 {strides = array<i32>} : memref<64x768xf32, #tpu.memory_space<vmem>>, vector<1x16xf32>,
      %get3A_378 = arith.index_cast %scan3A_70 : i32 to index
      %get3A_379 = arith.constant 352 : index
      %get3A_380 = tpu.vector_load %arg8[%get3A_378, %get3A_379] {strides = array<i32>} : memref<64x768xf32, #tpu.memory_space<vmem>>, vector<1x16xf32>,
      %get3A_381 = vector.shape_cast %get3A_380 : vector<1x16xf32> to vector<16xf32>
      %get3A_382 = arith.index_cast %scan3A_70 : i32 to index
      %get3A_383 = arith.constant 352 : index
      %get3A_384 = tpu.vector_load %arg7[%get3A_382, %get3A_383] {strides = array<i32>} : memref<64x768xf32, #tpu.memory_space<vmem>>, vector<1x16xf32>,
      %get3A_385 = vector.shape_cast %get3A_384 : vector<1x16xf32> to vector<16xf32>
      %add3A_386 = arith.addf %get3A_381, %get3A_385 : vector<16xf32>
      %swap3A_387 = arith.index_cast %scan3A_70 : i32 to index
      %swap3A_388 = arith.constant 352 : index
      %swap3A_389 = tpu.vector_load %arg8[%swap3A_387, %swap3A_388] {strides = array<i32>} : memref<64x768xf32, #tpu.memory_space<vmem>>, vector<1x16xf32>,
      %swap3A_390 = vector.shape_cast %swap3A_389 : vector<1x16xf32> to vector<16xf32>
      %swap3A_391 = vector.shape_cast %add3A_386 : vector<16xf32> to vector<1x16xf32>
      tpu.vector_store %arg8[%swap3A_387, %swap3A_388], %swap3A_391 {strides = array<i32>} : memref<64x768xf32, #tpu.memory_space<vmem>>, vector<1x16xf32>,
      %get3A_392 = arith.index_cast %scan3A_70 : i32 to index
      %get3A_393 = arith.constant 368 : index
      %get3A_394 = tpu.vector_load %arg8[%get3A_392, %get3A_393] {strides = array<i32>} : memref<64x768xf32, #tpu.memory_space<vmem>>, vector<1x16xf32>,
      %get3A_395 = vector.shape_cast %get3A_394 : vector<1x16xf32> to vector<16xf32>
      %get3A_396 = arith.index_cast %scan3A_70 : i32 to index
      %get3A_397 = arith.constant 368 : index
      %get3A_398 = tpu.vector_load %arg7[%get3A_396, %get3A_397] {strides = array<i32>} : memref<64x768xf32, #tpu.memory_space<vmem>>, vector<1x16xf32>,
      %get3A_399 = vector.shape_cast %get3A_398 : vector<1x16xf32> to vector<16xf32>
      %add3A_400 = arith.addf %get3A_395, %get3A_399 : vector<16xf32>
      %swap3A_401 = arith.index_cast %scan3A_70 : i32 to index
      %swap3A_402 = arith.constant 368 : index
      %swap3A_403 = tpu.vector_load %arg8[%swap3A_401, %swap3A_402] {strides = array<i32>} : memref<64x768xf32, #tpu.memory_space<vmem>>, vector<1x16xf32>,
      %swap3A_404 = vector.shape_cast %swap3A_403 : vector<1x16xf32> to vector<16xf32>
      %swap3A_405 = vector.shape_cast %add3A_400 : vector<16xf32> to vector<1x16xf32>
      tpu.vector_store %arg8[%swap3A_401, %swap3A_402], %swap3A_405 {strides = array<i32>} : memref<64x768xf32, #tpu.memory_space<vmem>>, vector<1x16xf32>,
      %get3A_406 = arith.index_cast %scan3A_70 : i32 to index
      %get3A_407 = arith.constant 384 : index
      %get3A_408 = tpu.vector_load %arg8[%get3A_406, %get3A_407] {strides = array<i32>} : memref<64x768xf32, #tpu.memory_space<vmem>>, vector<1x16xf32>,
      %get3A_409 = vector.shape_cast %get3A_408 : vector<1x16xf32> to vector<16xf32>
      %get3A_410 = arith.index_cast %scan3A_70 : i32 to index
      %get3A_411 = arith.constant 384 : index
      %get3A_412 = tpu.vector_load %arg7[%get3A_410, %get3A_411] {strides = array<i32>} : memref<64x768xf32, #tpu.memory_space<vmem>>, vector<1x16xf32>,
      %get3A_413 = vector.shape_cast %get3A_412 : vector<1x16xf32> to vector<16xf32>
      %add3A_414 = arith.addf %get3A_409, %get3A_413 : vector<16xf32>
      %swap3A_415 = arith.index_cast %scan3A_70 : i32 to index
      %swap3A_416 = arith.constant 384 : index
      %swap3A_417 = tpu.vector_load %arg8[%swap3A_415, %swap3A_416] {strides = array<i32>} : memref<64x768xf32, #tpu.memory_space<vmem>>, vector<1x16xf32>,
      %swap3A_418 = vector.shape_cast %swap3A_417 : vector<1x16xf32> to vector<16xf32>
      %swap3A_419 = vector.shape_cast %add3A_414 : vector<16xf32> to vector<1x16xf32>
      tpu.vector_store %arg8[%swap3A_415, %swap3A_416], %swap3A_419 {strides = array<i32>} : memref<64x768xf32, #tpu.memory_space<vmem>>, vector<1x16xf32>,
      %get3A_420 = arith.index_cast %scan3A_70 : i32 to index
      %get3A_421 = arith.constant 400 : index
      %get3A_422 = tpu.vector_load %arg8[%get3A_420, %get3A_421] {strides = array<i32>} : memref<64x768xf32, #tpu.memory_space<vmem>>, vector<1x16xf32>,
      %get3A_423 = vector.shape_cast %get3A_422 : vector<1x16xf32> to vector<16xf32>
      %get3A_424 = arith.index_cast %scan3A_70 : i32 to index
      %get3A_425 = arith.constant 400 : index
      %get3A_426 = tpu.vector_load %arg7[%get3A_424, %get3A_425] {strides = array<i32>} : memref<64x768xf32, #tpu.memory_space<vmem>>, vector<1x16xf32>,
      %get3A_427 = vector.shape_cast %get3A_426 : vector<1x16xf32> to vector<16xf32>
      %add3A_428 = arith.addf %get3A_423, %get3A_427 : vector<16xf32>
      %swap3A_429 = arith.index_cast %scan3A_70 : i32 to index
      %swap3A_430 = arith.constant 400 : index
      %swap3A_431 = tpu.vector_load %arg8[%swap3A_429, %swap3A_430] {strides = array<i32>} : memref<64x768xf32, #tpu.memory_space<vmem>>, vector<1x16xf32>,
      %swap3A_432 = vector.shape_cast %swap3A_431 : vector<1x16xf32> to vector<16xf32>
      %swap3A_433 = vector.shape_cast %add3A_428 : vector<16xf32> to vector<1x16xf32>
      tpu.vector_store %arg8[%swap3A_429, %swap3A_430], %swap3A_433 {strides = array<i32>} : memref<64x768xf32, #tpu.memory_space<vmem>>, vector<1x16xf32>,
      %get3A_434 = arith.index_cast %scan3A_70 : i32 to index
      %get3A_435 = arith.constant 416 : index
      %get3A_436 = tpu.vector_load %arg8[%get3A_434, %get3A_435] {strides = array<i32>} : memref<64x768xf32, #tpu.memory_space<vmem>>, vector<1x16xf32>,
      %get3A_437 = vector.shape_cast %get3A_436 : vector<1x16xf32> to vector<16xf32>
      %get3A_438 = arith.index_cast %scan3A_70 : i32 to index
      %get3A_439 = arith.constant 416 : index
      %get3A_440 = tpu.vector_load %arg7[%get3A_438, %get3A_439] {strides = array<i32>} : memref<64x768xf32, #tpu.memory_space<vmem>>, vector<1x16xf32>,
      %get3A_441 = vector.shape_cast %get3A_440 : vector<1x16xf32> to vector<16xf32>
      %add3A_442 = arith.addf %get3A_437, %get3A_441 : vector<16xf32>
      %swap3A_443 = arith.index_cast %scan3A_70 : i32 to index
      %swap3A_444 = arith.constant 416 : index
      %swap3A_445 = tpu.vector_load %arg8[%swap3A_443, %swap3A_444] {strides = array<i32>} : memref<64x768xf32, #tpu.memory_space<vmem>>, vector<1x16xf32>,
      %swap3A_446 = vector.shape_cast %swap3A_445 : vector<1x16xf32> to vector<16xf32>
      %swap3A_447 = vector.shape_cast %add3A_442 : vector<16xf32> to vector<1x16xf32>
      tpu.vector_store %arg8[%swap3A_443, %swap3A_444], %swap3A_447 {strides = array<i32>} : memref<64x768xf32, #tpu.memory_space<vmem>>, vector<1x16xf32>,
      %get3A_448 = arith.index_cast %scan3A_70 : i32 to index
      %get3A_449 = arith.constant 432 : index
      %get3A_450 = tpu.vector_load %arg8[%get3A_448, %get3A_449] {strides = array<i32>} : memref<64x768xf32, #tpu.memory_space<vmem>>, vector<1x16xf32>,
      %get3A_451 = vector.shape_cast %get3A_450 : vector<1x16xf32> to vector<16xf32>
      %get3A_452 = arith.index_cast %scan3A_70 : i32 to index
      %get3A_453 = arith.constant 432 : index
      %get3A_454 = tpu.vector_load %arg7[%get3A_452, %get3A_453] {strides = array<i32>} : memref<64x768xf32, #tpu.memory_space<vmem>>, vector<1x16xf32>,
      %get3A_455 = vector.shape_cast %get3A_454 : vector<1x16xf32> to vector<16xf32>
      %add3A_456 = arith.addf %get3A_451, %get3A_455 : vector<16xf32>
      %swap3A_457 = arith.index_cast %scan3A_70 : i32 to index
      %swap3A_458 = arith.constant 432 : index
      %swap3A_459 = tpu.vector_load %arg8[%swap3A_457, %swap3A_458] {strides = array<i32>} : memref<64x768xf32, #tpu.memory_space<vmem>>, vector<1x16xf32>,
      %swap3A_460 = vector.shape_cast %swap3A_459 : vector<1x16xf32> to vector<16xf32>
      %swap3A_461 = vector.shape_cast %add3A_456 : vector<16xf32> to vector<1x16xf32>
      tpu.vector_store %arg8[%swap3A_457, %swap3A_458], %swap3A_461 {strides = array<i32>} : memref<64x768xf32, #tpu.memory_space<vmem>>, vector<1x16xf32>,
      %get3A_462 = arith.index_cast %scan3A_70 : i32 to index
      %get3A_463 = arith.constant 448 : index
      %get3A_464 = tpu.vector_load %arg8[%get3A_462, %get3A_463] {strides = array<i32>} : memref<64x768xf32, #tpu.memory_space<vmem>>, vector<1x16xf32>,
      %get3A_465 = vector.shape_cast %get3A_464 : vector<1x16xf32> to vector<16xf32>
      %get3A_466 = arith.index_cast %scan3A_70 : i32 to index
      %get3A_467 = arith.constant 448 : index
      %get3A_468 = tpu.vector_load %arg7[%get3A_466, %get3A_467] {strides = array<i32>} : memref<64x768xf32, #tpu.memory_space<vmem>>, vector<1x16xf32>,
      %get3A_469 = vector.shape_cast %get3A_468 : vector<1x16xf32> to vector<16xf32>
      %add3A_470 = arith.addf %get3A_465, %get3A_469 : vector<16xf32>
      %swap3A_471 = arith.index_cast %scan3A_70 : i32 to index
      %swap3A_472 = arith.constant 448 : index
      %swap3A_473 = tpu.vector_load %arg8[%swap3A_471, %swap3A_472] {strides = array<i32>} : memref<64x768xf32, #tpu.memory_space<vmem>>, vector<1x16xf32>,
      %swap3A_474 = vector.shape_cast %swap3A_473 : vector<1x16xf32> to vector<16xf32>
      %swap3A_475 = vector.shape_cast %add3A_470 : vector<16xf32> to vector<1x16xf32>
      tpu.vector_store %arg8[%swap3A_471, %swap3A_472], %swap3A_475 {strides = array<i32>} : memref<64x768xf32, #tpu.memory_space<vmem>>, vector<1x16xf32>,
      %get3A_476 = arith.index_cast %scan3A_70 : i32 to index
      %get3A_477 = arith.constant 464 : index
      %get3A_478 = tpu.vector_load %arg8[%get3A_476, %get3A_477] {strides = array<i32>} : memref<64x768xf32, #tpu.memory_space<vmem>>, vector<1x16xf32>,
      %get3A_479 = vector.shape_cast %get3A_478 : vector<1x16xf32> to vector<16xf32>
      %get3A_480 = arith.index_cast %scan3A_70 : i32 to index
      %get3A_481 = arith.constant 464 : index
      %get3A_482 = tpu.vector_load %arg7[%get3A_480, %get3A_481] {strides = array<i32>} : memref<64x768xf32, #tpu.memory_space<vmem>>, vector<1x16xf32>,
      %get3A_483 = vector.shape_cast %get3A_482 : vector<1x16xf32> to vector<16xf32>
      %add3A_484 = arith.addf %get3A_479, %get3A_483 : vector<16xf32>
      %swap3A_485 = arith.index_cast %scan3A_70 : i32 to index
      %swap3A_486 = arith.constant 464 : index
      %swap3A_487 = tpu.vector_load %arg8[%swap3A_485, %swap3A_486] {strides = array<i32>} : memref<64x768xf32, #tpu.memory_space<vmem>>, vector<1x16xf32>,
      %swap3A_488 = vector.shape_cast %swap3A_487 : vector<1x16xf32> to vector<16xf32>
      %swap3A_489 = vector.shape_cast %add3A_484 : vector<16xf32> to vector<1x16xf32>
      tpu.vector_store %arg8[%swap3A_485, %swap3A_486], %swap3A_489 {strides = array<i32>} : memref<64x768xf32, #tpu.memory_space<vmem>>, vector<1x16xf32>,
      %get3A_490 = arith.index_cast %scan3A_70 : i32 to index
      %get3A_491 = arith.constant 480 : index
      %get3A_492 = tpu.vector_load %arg8[%get3A_490, %get3A_491] {strides = array<i32>} : memref<64x768xf32, #tpu.memory_space<vmem>>, vector<1x16xf32>,
      %get3A_493 = vector.shape_cast %get3A_492 : vector<1x16xf32> to vector<16xf32>
      %get3A_494 = arith.index_cast %scan3A_70 : i32 to index
      %get3A_495 = arith.constant 480 : index
      %get3A_496 = tpu.vector_load %arg7[%get3A_494, %get3A_495] {strides = array<i32>} : memref<64x768xf32, #tpu.memory_space<vmem>>, vector<1x16xf32>,
      %get3A_497 = vector.shape_cast %get3A_496 : vector<1x16xf32> to vector<16xf32>
      %add3A_498 = arith.addf %get3A_493, %get3A_497 : vector<16xf32>
      %swap3A_499 = arith.index_cast %scan3A_70 : i32 to index
      %swap3A_500 = arith.constant 480 : index
      %swap3A_501 = tpu.vector_load %arg8[%swap3A_499, %swap3A_500] {strides = array<i32>} : memref<64x768xf32, #tpu.memory_space<vmem>>, vector<1x16xf32>,
      %swap3A_502 = vector.shape_cast %swap3A_501 : vector<1x16xf32> to vector<16xf32>
      %swap3A_503 = vector.shape_cast %add3A_498 : vector<16xf32> to vector<1x16xf32>
      tpu.vector_store %arg8[%swap3A_499, %swap3A_500], %swap3A_503 {strides = array<i32>} : memref<64x768xf32, #tpu.memory_space<vmem>>, vector<1x16xf32>,
      %get3A_504 = arith.index_cast %scan3A_70 : i32 to index
      %get3A_505 = arith.constant 496 : index
      %get3A_506 = tpu.vector_load %arg8[%get3A_504, %get3A_505] {strides = array<i32>} : memref<64x768xf32, #tpu.memory_space<vmem>>, vector<1x16xf32>,
      %get3A_507 = vector.shape_cast %get3A_506 : vector<1x16xf32> to vector<16xf32>
      %get3A_508 = arith.index_cast %scan3A_70 : i32 to index
      %get3A_509 = arith.constant 496 : index
      %get3A_510 = tpu.vector_load %arg7[%get3A_508, %get3A_509] {strides = array<i32>} : memref<64x768xf32, #tpu.memory_space<vmem>>, vector<1x16xf32>,
      %get3A_511 = vector.shape_cast %get3A_510 : vector<1x16xf32> to vector<16xf32>
      %add3A_512 = arith.addf %get3A_507, %get3A_511 : vector<16xf32>
      %swap3A_513 = arith.index_cast %scan3A_70 : i32 to index
      %swap3A_514 = arith.constant 496 : index
      %swap3A_515 = tpu.vector_load %arg8[%swap3A_513, %swap3A_514] {strides = array<i32>} : memref<64x768xf32, #tpu.memory_space<vmem>>, vector<1x16xf32>,
      %swap3A_516 = vector.shape_cast %swap3A_515 : vector<1x16xf32> to vector<16xf32>
      %swap3A_517 = vector.shape_cast %add3A_512 : vector<16xf32> to vector<1x16xf32>
      tpu.vector_store %arg8[%swap3A_513, %swap3A_514], %swap3A_517 {strides = array<i32>} : memref<64x768xf32, #tpu.memory_space<vmem>>, vector<1x16xf32>,
      %get3A_518 = arith.index_cast %scan3A_70 : i32 to index
      %get3A_519 = arith.constant 512 : index
      %get3A_520 = tpu.vector_load %arg8[%get3A_518, %get3A_519] {strides = array<i32>} : memref<64x768xf32, #tpu.memory_space<vmem>>, vector<1x16xf32>,
      %get3A_521 = vector.shape_cast %get3A_520 : vector<1x16xf32> to vector<16xf32>
      %get3A_522 = arith.index_cast %scan3A_70 : i32 to index
      %get3A_523 = arith.constant 512 : index
      %get3A_524 = tpu.vector_load %arg7[%get3A_522, %get3A_523] {strides = array<i32>} : memref<64x768xf32, #tpu.memory_space<vmem>>, vector<1x16xf32>,
      %get3A_525 = vector.shape_cast %get3A_524 : vector<1x16xf32> to vector<16xf32>
      %add3A_526 = arith.addf %get3A_521, %get3A_525 : vector<16xf32>
      %swap3A_527 = arith.index_cast %scan3A_70 : i32 to index
      %swap3A_528 = arith.constant 512 : index
      %swap3A_529 = tpu.vector_load %arg8[%swap3A_527, %swap3A_528] {strides = array<i32>} : memref<64x768xf32, #tpu.memory_space<vmem>>, vector<1x16xf32>,
      %swap3A_530 = vector.shape_cast %swap3A_529 : vector<1x16xf32> to vector<16xf32>
      %swap3A_531 = vector.shape_cast %add3A_526 : vector<16xf32> to vector<1x16xf32>
      tpu.vector_store %arg8[%swap3A_527, %swap3A_528], %swap3A_531 {strides = array<i32>} : memref<64x768xf32, #tpu.memory_space<vmem>>, vector<1x16xf32>,
      %get3A_532 = arith.index_cast %scan3A_70 : i32 to index
      %get3A_533 = arith.constant 528 : index
      %get3A_534 = tpu.vector_load %arg8[%get3A_532, %get3A_533] {strides = array<i32>} : memref<64x768xf32, #tpu.memory_space<vmem>>, vector<1x16xf32>,
      %get3A_535 = vector.shape_cast %get3A_534 : vector<1x16xf32> to vector<16xf32>
      %get3A_536 = arith.index_cast %scan3A_70 : i32 to index
      %get3A_537 = arith.constant 528 : index
      %get3A_538 = tpu.vector_load %arg7[%get3A_536, %get3A_537] {strides = array<i32>} : memref<64x768xf32, #tpu.memory_space<vmem>>, vector<1x16xf32>,
      %get3A_539 = vector.shape_cast %get3A_538 : vector<1x16xf32> to vector<16xf32>
      %add3A_540 = arith.addf %get3A_535, %get3A_539 : vector<16xf32>
      %swap3A_541 = arith.index_cast %scan3A_70 : i32 to index
      %swap3A_542 = arith.constant 528 : index
      %swap3A_543 = tpu.vector_load %arg8[%swap3A_541, %swap3A_542] {strides = array<i32>} : memref<64x768xf32, #tpu.memory_space<vmem>>, vector<1x16xf32>,
      %swap3A_544 = vector.shape_cast %swap3A_543 : vector<1x16xf32> to vector<16xf32>
      %swap3A_545 = vector.shape_cast %add3A_540 : vector<16xf32> to vector<1x16xf32>
      tpu.vector_store %arg8[%swap3A_541, %swap3A_542], %swap3A_545 {strides = array<i32>} : memref<64x768xf32, #tpu.memory_space<vmem>>, vector<1x16xf32>,
      %get3A_546 = arith.index_cast %scan3A_70 : i32 to index
      %get3A_547 = arith.constant 544 : index
      %get3A_548 = tpu.vector_load %arg8[%get3A_546, %get3A_547] {strides = array<i32>} : memref<64x768xf32, #tpu.memory_space<vmem>>, vector<1x16xf32>,
      %get3A_549 = vector.shape_cast %get3A_548 : vector<1x16xf32> to vector<16xf32>
      %get3A_550 = arith.index_cast %scan3A_70 : i32 to index
      %get3A_551 = arith.constant 544 : index
      %get3A_552 = tpu.vector_load %arg7[%get3A_550, %get3A_551] {strides = array<i32>} : memref<64x768xf32, #tpu.memory_space<vmem>>, vector<1x16xf32>,
      %get3A_553 = vector.shape_cast %get3A_552 : vector<1x16xf32> to vector<16xf32>
      %add3A_554 = arith.addf %get3A_549, %get3A_553 : vector<16xf32>
      %swap3A_555 = arith.index_cast %scan3A_70 : i32 to index
      %swap3A_556 = arith.constant 544 : index
      %swap3A_557 = tpu.vector_load %arg8[%swap3A_555, %swap3A_556] {strides = array<i32>} : memref<64x768xf32, #tpu.memory_space<vmem>>, vector<1x16xf32>,
      %swap3A_558 = vector.shape_cast %swap3A_557 : vector<1x16xf32> to vector<16xf32>
      %swap3A_559 = vector.shape_cast %add3A_554 : vector<16xf32> to vector<1x16xf32>
      tpu.vector_store %arg8[%swap3A_555, %swap3A_556], %swap3A_559 {strides = array<i32>} : memref<64x768xf32, #tpu.memory_space<vmem>>, vector<1x16xf32>,
      %get3A_560 = arith.index_cast %scan3A_70 : i32 to index
      %get3A_561 = arith.constant 560 : index
      %get3A_562 = tpu.vector_load %arg8[%get3A_560, %get3A_561] {strides = array<i32>} : memref<64x768xf32, #tpu.memory_space<vmem>>, vector<1x16xf32>,
      %get3A_563 = vector.shape_cast %get3A_562 : vector<1x16xf32> to vector<16xf32>
      %get3A_564 = arith.index_cast %scan3A_70 : i32 to index
      %get3A_565 = arith.constant 560 : index
      %get3A_566 = tpu.vector_load %arg7[%get3A_564, %get3A_565] {strides = array<i32>} : memref<64x768xf32, #tpu.memory_space<vmem>>, vector<1x16xf32>,
      %get3A_567 = vector.shape_cast %get3A_566 : vector<1x16xf32> to vector<16xf32>
      %add3A_568 = arith.addf %get3A_563, %get3A_567 : vector<16xf32>
      %swap3A_569 = arith.index_cast %scan3A_70 : i32 to index
      %swap3A_570 = arith.constant 560 : index
      %swap3A_571 = tpu.vector_load %arg8[%swap3A_569, %swap3A_570] {strides = array<i32>} : memref<64x768xf32, #tpu.memory_space<vmem>>, vector<1x16xf32>,
      %swap3A_572 = vector.shape_cast %swap3A_571 : vector<1x16xf32> to vector<16xf32>
      %swap3A_573 = vector.shape_cast %add3A_568 : vector<16xf32> to vector<1x16xf32>
      tpu.vector_store %arg8[%swap3A_569, %swap3A_570], %swap3A_573 {strides = array<i32>} : memref<64x768xf32, #tpu.memory_space<vmem>>, vector<1x16xf32>,
      %get3A_574 = arith.index_cast %scan3A_70 : i32 to index
      %get3A_575 = arith.constant 576 : index
      %get3A_576 = tpu.vector_load %arg8[%get3A_574, %get3A_575] {strides = array<i32>} : memref<64x768xf32, #tpu.memory_space<vmem>>, vector<1x16xf32>,
      %get3A_577 = vector.shape_cast %get3A_576 : vector<1x16xf32> to vector<16xf32>
      %get3A_578 = arith.index_cast %scan3A_70 : i32 to index
      %get3A_579 = arith.constant 576 : index
      %get3A_580 = tpu.vector_load %arg7[%get3A_578, %get3A_579] {strides = array<i32>} : memref<64x768xf32, #tpu.memory_space<vmem>>, vector<1x16xf32>,
      %get3A_581 = vector.shape_cast %get3A_580 : vector<1x16xf32> to vector<16xf32>
      %add3A_582 = arith.addf %get3A_577, %get3A_581 : vector<16xf32>
      %swap3A_583 = arith.index_cast %scan3A_70 : i32 to index
      %swap3A_584 = arith.constant 576 : index
      %swap3A_585 = tpu.vector_load %arg8[%swap3A_583, %swap3A_584] {strides = array<i32>} : memref<64x768xf32, #tpu.memory_space<vmem>>, vector<1x16xf32>,
      %swap3A_586 = vector.shape_cast %swap3A_585 : vector<1x16xf32> to vector<16xf32>
      %swap3A_587 = vector.shape_cast %add3A_582 : vector<16xf32> to vector<1x16xf32>
      tpu.vector_store %arg8[%swap3A_583, %swap3A_584], %swap3A_587 {strides = array<i32>} : memref<64x768xf32, #tpu.memory_space<vmem>>, vector<1x16xf32>,
      %get3A_588 = arith.index_cast %scan3A_70 : i32 to index
      %get3A_589 = arith.constant 592 : index
      %get3A_590 = tpu.vector_load %arg8[%get3A_588, %get3A_589] {strides = array<i32>} : memref<64x768xf32, #tpu.memory_space<vmem>>, vector<1x16xf32>,
      %get3A_591 = vector.shape_cast %get3A_590 : vector<1x16xf32> to vector<16xf32>
      %get3A_592 = arith.index_cast %scan3A_70 : i32 to index
      %get3A_593 = arith.constant 592 : index
      %get3A_594 = tpu.vector_load %arg7[%get3A_592, %get3A_593] {strides = array<i32>} : memref<64x768xf32, #tpu.memory_space<vmem>>, vector<1x16xf32>,
      %get3A_595 = vector.shape_cast %get3A_594 : vector<1x16xf32> to vector<16xf32>
      %add3A_596 = arith.addf %get3A_591, %get3A_595 : vector<16xf32>
      %swap3A_597 = arith.index_cast %scan3A_70 : i32 to index
      %swap3A_598 = arith.constant 592 : index
      %swap3A_599 = tpu.vector_load %arg8[%swap3A_597, %swap3A_598] {strides = array<i32>} : memref<64x768xf32, #tpu.memory_space<vmem>>, vector<1x16xf32>,
      %swap3A_600 = vector.shape_cast %swap3A_599 : vector<1x16xf32> to vector<16xf32>
      %swap3A_601 = vector.shape_cast %add3A_596 : vector<16xf32> to vector<1x16xf32>
      tpu.vector_store %arg8[%swap3A_597, %swap3A_598], %swap3A_601 {strides = array<i32>} : memref<64x768xf32, #tpu.memory_space<vmem>>, vector<1x16xf32>,
      %get3A_602 = arith.index_cast %scan3A_70 : i32 to index
      %get3A_603 = arith.constant 608 : index
      %get3A_604 = tpu.vector_load %arg8[%get3A_602, %get3A_603] {strides = array<i32>} : memref<64x768xf32, #tpu.memory_space<vmem>>, vector<1x16xf32>,
      %get3A_605 = vector.shape_cast %get3A_604 : vector<1x16xf32> to vector<16xf32>
      %get3A_606 = arith.index_cast %scan3A_70 : i32 to index
      %get3A_607 = arith.constant 608 : index
      %get3A_608 = tpu.vector_load %arg7[%get3A_606, %get3A_607] {strides = array<i32>} : memref<64x768xf32, #tpu.memory_space<vmem>>, vector<1x16xf32>,
      %get3A_609 = vector.shape_cast %get3A_608 : vector<1x16xf32> to vector<16xf32>
      %add3A_610 = arith.addf %get3A_605, %get3A_609 : vector<16xf32>
      %swap3A_611 = arith.index_cast %scan3A_70 : i32 to index
      %swap3A_612 = arith.constant 608 : index
      %swap3A_613 = tpu.vector_load %arg8[%swap3A_611, %swap3A_612] {strides = array<i32>} : memref<64x768xf32, #tpu.memory_space<vmem>>, vector<1x16xf32>,
      %swap3A_614 = vector.shape_cast %swap3A_613 : vector<1x16xf32> to vector<16xf32>
      %swap3A_615 = vector.shape_cast %add3A_610 : vector<16xf32> to vector<1x16xf32>
      tpu.vector_store %arg8[%swap3A_611, %swap3A_612], %swap3A_615 {strides = array<i32>} : memref<64x768xf32, #tpu.memory_space<vmem>>, vector<1x16xf32>,
      %get3A_616 = arith.index_cast %scan3A_70 : i32 to index
      %get3A_617 = arith.constant 624 : index
      %get3A_618 = tpu.vector_load %arg8[%get3A_616, %get3A_617] {strides = array<i32>} : memref<64x768xf32, #tpu.memory_space<vmem>>, vector<1x16xf32>,
      %get3A_619 = vector.shape_cast %get3A_618 : vector<1x16xf32> to vector<16xf32>
      %get3A_620 = arith.index_cast %scan3A_70 : i32 to index
      %get3A_621 = arith.constant 624 : index
      %get3A_622 = tpu.vector_load %arg7[%get3A_620, %get3A_621] {strides = array<i32>} : memref<64x768xf32, #tpu.memory_space<vmem>>, vector<1x16xf32>,
      %get3A_623 = vector.shape_cast %get3A_622 : vector<1x16xf32> to vector<16xf32>
      %add3A_624 = arith.addf %get3A_619, %get3A_623 : vector<16xf32>
      %swap3A_625 = arith.index_cast %scan3A_70 : i32 to index
      %swap3A_626 = arith.constant 624 : index
      %swap3A_627 = tpu.vector_load %arg8[%swap3A_625, %swap3A_626] {strides = array<i32>} : memref<64x768xf32, #tpu.memory_space<vmem>>, vector<1x16xf32>,
      %swap3A_628 = vector.shape_cast %swap3A_627 : vector<1x16xf32> to vector<16xf32>
      %swap3A_629 = vector.shape_cast %add3A_624 : vector<16xf32> to vector<1x16xf32>
      tpu.vector_store %arg8[%swap3A_625, %swap3A_626], %swap3A_629 {strides = array<i32>} : memref<64x768xf32, #tpu.memory_space<vmem>>, vector<1x16xf32>,
      %get3A_630 = arith.index_cast %scan3A_70 : i32 to index
      %get3A_631 = arith.constant 640 : index
      %get3A_632 = tpu.vector_load %arg8[%get3A_630, %get3A_631] {strides = array<i32>} : memref<64x768xf32, #tpu.memory_space<vmem>>, vector<1x16xf32>,
      %get3A_633 = vector.shape_cast %get3A_632 : vector<1x16xf32> to vector<16xf32>
      %get3A_634 = arith.index_cast %scan3A_70 : i32 to index
      %get3A_635 = arith.constant 640 : index
      %get3A_636 = tpu.vector_load %arg7[%get3A_634, %get3A_635] {strides = array<i32>} : memref<64x768xf32, #tpu.memory_space<vmem>>, vector<1x16xf32>,
      %get3A_637 = vector.shape_cast %get3A_636 : vector<1x16xf32> to vector<16xf32>
      %add3A_638 = arith.addf %get3A_633, %get3A_637 : vector<16xf32>
      %swap3A_639 = arith.index_cast %scan3A_70 : i32 to index
      %swap3A_640 = arith.constant 640 : index
      %swap3A_641 = tpu.vector_load %arg8[%swap3A_639, %swap3A_640] {strides = array<i32>} : memref<64x768xf32, #tpu.memory_space<vmem>>, vector<1x16xf32>,
      %swap3A_642 = vector.shape_cast %swap3A_641 : vector<1x16xf32> to vector<16xf32>
      %swap3A_643 = vector.shape_cast %add3A_638 : vector<16xf32> to vector<1x16xf32>
      tpu.vector_store %arg8[%swap3A_639, %swap3A_640], %swap3A_643 {strides = array<i32>} : memref<64x768xf32, #tpu.memory_space<vmem>>, vector<1x16xf32>,
      %get3A_644 = arith.index_cast %scan3A_70 : i32 to index
      %get3A_645 = arith.constant 656 : index
      %get3A_646 = tpu.vector_load %arg8[%get3A_644, %get3A_645] {strides = array<i32>} : memref<64x768xf32, #tpu.memory_space<vmem>>, vector<1x16xf32>,
      %get3A_647 = vector.shape_cast %get3A_646 : vector<1x16xf32> to vector<16xf32>
      %get3A_648 = arith.index_cast %scan3A_70 : i32 to index
      %get3A_649 = arith.constant 656 : index
      %get3A_650 = tpu.vector_load %arg7[%get3A_648, %get3A_649] {strides = array<i32>} : memref<64x768xf32, #tpu.memory_space<vmem>>, vector<1x16xf32>,
      %get3A_651 = vector.shape_cast %get3A_650 : vector<1x16xf32> to vector<16xf32>
      %add3A_652 = arith.addf %get3A_647, %get3A_651 : vector<16xf32>
      %swap3A_653 = arith.index_cast %scan3A_70 : i32 to index
      %swap3A_654 = arith.constant 656 : index
      %swap3A_655 = tpu.vector_load %arg8[%swap3A_653, %swap3A_654] {strides = array<i32>} : memref<64x768xf32, #tpu.memory_space<vmem>>, vector<1x16xf32>,
      %swap3A_656 = vector.shape_cast %swap3A_655 : vector<1x16xf32> to vector<16xf32>
      %swap3A_657 = vector.shape_cast %add3A_652 : vector<16xf32> to vector<1x16xf32>
      tpu.vector_store %arg8[%swap3A_653, %swap3A_654], %swap3A_657 {strides = array<i32>} : memref<64x768xf32, #tpu.memory_space<vmem>>, vector<1x16xf32>,
      %get3A_658 = arith.index_cast %scan3A_70 : i32 to index
      %get3A_659 = arith.constant 672 : index
      %get3A_660 = tpu.vector_load %arg8[%get3A_658, %get3A_659] {strides = array<i32>} : memref<64x768xf32, #tpu.memory_space<vmem>>, vector<1x16xf32>,
      %get3A_661 = vector.shape_cast %get3A_660 : vector<1x16xf32> to vector<16xf32>
      %get3A_662 = arith.index_cast %scan3A_70 : i32 to index
      %get3A_663 = arith.constant 672 : index
      %get3A_664 = tpu.vector_load %arg7[%get3A_662, %get3A_663] {strides = array<i32>} : memref<64x768xf32, #tpu.memory_space<vmem>>, vector<1x16xf32>,
      %get3A_665 = vector.shape_cast %get3A_664 : vector<1x16xf32> to vector<16xf32>
      %add3A_666 = arith.addf %get3A_661, %get3A_665 : vector<16xf32>
      %swap3A_667 = arith.index_cast %scan3A_70 : i32 to index
      %swap3A_668 = arith.constant 672 : index
      %swap3A_669 = tpu.vector_load %arg8[%swap3A_667, %swap3A_668] {strides = array<i32>} : memref<64x768xf32, #tpu.memory_space<vmem>>, vector<1x16xf32>,
      %swap3A_670 = vector.shape_cast %swap3A_669 : vector<1x16xf32> to vector<16xf32>
      %swap3A_671 = vector.shape_cast %add3A_666 : vector<16xf32> to vector<1x16xf32>
      tpu.vector_store %arg8[%swap3A_667, %swap3A_668], %swap3A_671 {strides = array<i32>} : memref<64x768xf32, #tpu.memory_space<vmem>>, vector<1x16xf32>,
      %get3A_672 = arith.index_cast %scan3A_70 : i32 to index
      %get3A_673 = arith.constant 688 : index
      %get3A_674 = tpu.vector_load %arg8[%get3A_672, %get3A_673] {strides = array<i32>} : memref<64x768xf32, #tpu.memory_space<vmem>>, vector<1x16xf32>,
      %get3A_675 = vector.shape_cast %get3A_674 : vector<1x16xf32> to vector<16xf32>
      %get3A_676 = arith.index_cast %scan3A_70 : i32 to index
      %get3A_677 = arith.constant 688 : index
      %get3A_678 = tpu.vector_load %arg7[%get3A_676, %get3A_677] {strides = array<i32>} : memref<64x768xf32, #tpu.memory_space<vmem>>, vector<1x16xf32>,
      %get3A_679 = vector.shape_cast %get3A_678 : vector<1x16xf32> to vector<16xf32>
      %add3A_680 = arith.addf %get3A_675, %get3A_679 : vector<16xf32>
      %swap3A_681 = arith.index_cast %scan3A_70 : i32 to index
      %swap3A_682 = arith.constant 688 : index
      %swap3A_683 = tpu.vector_load %arg8[%swap3A_681, %swap3A_682] {strides = array<i32>} : memref<64x768xf32, #tpu.memory_space<vmem>>, vector<1x16xf32>,
      %swap3A_684 = vector.shape_cast %swap3A_683 : vector<1x16xf32> to vector<16xf32>
      %swap3A_685 = vector.shape_cast %add3A_680 : vector<16xf32> to vector<1x16xf32>
      tpu.vector_store %arg8[%swap3A_681, %swap3A_682], %swap3A_685 {strides = array<i32>} : memref<64x768xf32, #tpu.memory_space<vmem>>, vector<1x16xf32>,
      %get3A_686 = arith.index_cast %scan3A_70 : i32 to index
      %get3A_687 = arith.constant 704 : index
      %get3A_688 = tpu.vector_load %arg8[%get3A_686, %get3A_687] {strides = array<i32>} : memref<64x768xf32, #tpu.memory_space<vmem>>, vector<1x16xf32>,
      %get3A_689 = vector.shape_cast %get3A_688 : vector<1x16xf32> to vector<16xf32>
      %get3A_690 = arith.index_cast %scan3A_70 : i32 to index
      %get3A_691 = arith.constant 704 : index
      %get3A_692 = tpu.vector_load %arg7[%get3A_690, %get3A_691] {strides = array<i32>} : memref<64x768xf32, #tpu.memory_space<vmem>>, vector<1x16xf32>,
      %get3A_693 = vector.shape_cast %get3A_692 : vector<1x16xf32> to vector<16xf32>
      %add3A_694 = arith.addf %get3A_689, %get3A_693 : vector<16xf32>
      %swap3A_695 = arith.index_cast %scan3A_70 : i32 to index
      %swap3A_696 = arith.constant 704 : index
      %swap3A_697 = tpu.vector_load %arg8[%swap3A_695, %swap3A_696] {strides = array<i32>} : memref<64x768xf32, #tpu.memory_space<vmem>>, vector<1x16xf32>,
      %swap3A_698 = vector.shape_cast %swap3A_697 : vector<1x16xf32> to vector<16xf32>
      %swap3A_699 = vector.shape_cast %add3A_694 : vector<16xf32> to vector<1x16xf32>
      tpu.vector_store %arg8[%swap3A_695, %swap3A_696], %swap3A_699 {strides = array<i32>} : memref<64x768xf32, #tpu.memory_space<vmem>>, vector<1x16xf32>,
      %get3A_700 = arith.index_cast %scan3A_70 : i32 to index
      %get3A_701 = arith.constant 720 : index
      %get3A_702 = tpu.vector_load %arg8[%get3A_700, %get3A_701] {strides = array<i32>} : memref<64x768xf32, #tpu.memory_space<vmem>>, vector<1x16xf32>,
      %get3A_703 = vector.shape_cast %get3A_702 : vector<1x16xf32> to vector<16xf32>
      %get3A_704 = arith.index_cast %scan3A_70 : i32 to index
      %get3A_705 = arith.constant 720 : index
      %get3A_706 = tpu.vector_load %arg7[%get3A_704, %get3A_705] {strides = array<i32>} : memref<64x768xf32, #tpu.memory_space<vmem>>, vector<1x16xf32>,
      %get3A_707 = vector.shape_cast %get3A_706 : vector<1x16xf32> to vector<16xf32>
      %add3A_708 = arith.addf %get3A_703, %get3A_707 : vector<16xf32>
      %swap3A_709 = arith.index_cast %scan3A_70 : i32 to index
      %swap3A_710 = arith.constant 720 : index
      %swap3A_711 = tpu.vector_load %arg8[%swap3A_709, %swap3A_710] {strides = array<i32>} : memref<64x768xf32, #tpu.memory_space<vmem>>, vector<1x16xf32>,
      %swap3A_712 = vector.shape_cast %swap3A_711 : vector<1x16xf32> to vector<16xf32>
      %swap3A_713 = vector.shape_cast %add3A_708 : vector<16xf32> to vector<1x16xf32>
      tpu.vector_store %arg8[%swap3A_709, %swap3A_710], %swap3A_713 {strides = array<i32>} : memref<64x768xf32, #tpu.memory_space<vmem>>, vector<1x16xf32>,
      %get3A_714 = arith.index_cast %scan3A_70 : i32 to index
      %get3A_715 = arith.constant 736 : index
      %get3A_716 = tpu.vector_load %arg8[%get3A_714, %get3A_715] {strides = array<i32>} : memref<64x768xf32, #tpu.memory_space<vmem>>, vector<1x16xf32>,
      %get3A_717 = vector.shape_cast %get3A_716 : vector<1x16xf32> to vector<16xf32>
      %get3A_718 = arith.index_cast %scan3A_70 : i32 to index
      %get3A_719 = arith.constant 736 : index
      %get3A_720 = tpu.vector_load %arg7[%get3A_718, %get3A_719] {strides = array<i32>} : memref<64x768xf32, #tpu.memory_space<vmem>>, vector<1x16xf32>,
      %get3A_721 = vector.shape_cast %get3A_720 : vector<1x16xf32> to vector<16xf32>
      %add3A_722 = arith.addf %get3A_717, %get3A_721 : vector<16xf32>
      %swap3A_723 = arith.index_cast %scan3A_70 : i32 to index
      %swap3A_724 = arith.constant 736 : index
      %swap3A_725 = tpu.vector_load %arg8[%swap3A_723, %swap3A_724] {strides = array<i32>} : memref<64x768xf32, #tpu.memory_space<vmem>>, vector<1x16xf32>,
      %swap3A_726 = vector.shape_cast %swap3A_725 : vector<1x16xf32> to vector<16xf32>
      %swap3A_727 = vector.shape_cast %add3A_722 : vector<16xf32> to vector<1x16xf32>
      tpu.vector_store %arg8[%swap3A_723, %swap3A_724], %swap3A_727 {strides = array<i32>} : memref<64x768xf32, #tpu.memory_space<vmem>>, vector<1x16xf32>,
      %get3A_728 = arith.index_cast %scan3A_70 : i32 to index
      %get3A_729 = arith.constant 752 : index
      %get3A_730 = tpu.vector_load %arg8[%get3A_728, %get3A_729] {strides = array<i32>} : memref<64x768xf32, #tpu.memory_space<vmem>>, vector<1x16xf32>,
      %get3A_731 = vector.shape_cast %get3A_730 : vector<1x16xf32> to vector<16xf32>
      %get3A_732 = arith.index_cast %scan3A_70 : i32 to index
      %get3A_733 = arith.constant 752 : index
      %get3A_734 = tpu.vector_load %arg7[%get3A_732, %get3A_733] {strides = array<i32>} : memref<64x768xf32, #tpu.memory_space<vmem>>, vector<1x16xf32>,
      %get3A_735 = vector.shape_cast %get3A_734 : vector<1x16xf32> to vector<16xf32>
      %add3A_736 = arith.addf %get3A_731, %get3A_735 : vector<16xf32>
      %swap3A_737 = arith.index_cast %scan3A_70 : i32 to index
      %swap3A_738 = arith.constant 752 : index
      %swap3A_739 = tpu.vector_load %arg8[%swap3A_737, %swap3A_738] {strides = array<i32>} : memref<64x768xf32, #tpu.memory_space<vmem>>, vector<1x16xf32>,
      %swap3A_740 = vector.shape_cast %swap3A_739 : vector<1x16xf32> to vector<16xf32>
      %swap3A_741 = vector.shape_cast %add3A_736 : vector<16xf32> to vector<1x16xf32>
      tpu.vector_store %arg8[%swap3A_737, %swap3A_738], %swap3A_741 {strides = array<i32>} : memref<64x768xf32, #tpu.memory_space<vmem>>, vector<1x16xf32>,
      %scan3A_742 = arith.constant 0 : i32
      scf.yield %scan3A_742 : i32
    }
    %scan3A_69 = arith.constant 64 : i32
    "tpu.region"() ({
      %run_scoped3A_70 = tpu.sem_alloc : memref<!tpu.dma_semaphore, #tpu.memory_space<semaphore_mem>>
      %dma_start3A_71 = arith.constant 0 : i32
      %dma_start3A_72 = tpu.memref_slice %arg5[%add3A_52, %dma_start3A_71] : memref<4096x768xf32, #tpu.memory_space<hbm>> -> memref<64x768xf32, #tpu.memory_space<hbm>>
      %dma_start3A_73 = arith.constant 0 : i32
      %dma_start3A_74 = tpu.memref_slice %arg5[%add3A_52, %dma_start3A_73] : memref<4096x768xf32, #tpu.memory_space<hbm>> -> memref<64x768xf32, #tpu.memory_space<hbm>>
      tpu.enqueue_dma source(%arg8 : memref<64x768xf32, #tpu.memory_space<vmem>>) target(%dma_start3A_74 : memref<64x768xf32, #tpu.memory_space<hbm>>) target_semaphore(%run_scoped3A_70 : memref<!tpu.dma_semaphore, #tpu.memory_space<semaphore_mem>>)
      %dma_wait3A_75 = arith.constant 0 : i32
      %dma_wait3A_76 = tpu.memref_slice %arg5[%add3A_52, %dma_wait3A_75] : memref<4096x768xf32, #tpu.memory_space<hbm>> -> memref<64x768xf32, #tpu.memory_space<hbm>>
      %dma_wait3A_77 = arith.constant 0 : i32
      %dma_wait3A_78 = tpu.memref_slice %arg5[%add3A_52, %dma_wait3A_77] : memref<4096x768xf32, #tpu.memory_space<hbm>> -> memref<64x768xf32, #tpu.memory_space<hbm>>
      tpu.wait_dma2 semaphore(%run_scoped3A_70 : memref<!tpu.dma_semaphore, #tpu.memory_space<semaphore_mem>>) src(%arg8 : memref<64x768xf32, #tpu.memory_space<vmem>>) dst(%dma_wait3A_78 : memref<64x768xf32, #tpu.memory_space<hbm>>)
      tpu.yield
    }) : () -> ()
    return
  }
}

#map = affine_map<(d0, d1) -> (0, 0)>
#map1 = affine_map<(d0, d1) -> (0, 0, 0)>
module attributes {stable_mosaic.version = 14 : i64} {
  func.func @_k2(%arg0: i32, %arg1: i32, %arg2: memref<4096x768xf32, #tpu.memory_space<hbm>>, %arg3: memref<8x1x512xi32, #tpu.memory_space<hbm>>, %arg4: memref<4096x128xf32, #tpu.memory_space<hbm>>, %arg5: memref<8320x768xf32, #tpu.memory_space<hbm>>, %arg6: memref<8320x128xf32, #tpu.memory_space<hbm>>, %arg7: memref<128xi32, #tpu.memory_space<vmem>>, %arg8: memref<128x768xf32, #tpu.memory_space<vmem>>, %arg9: memref<128x128xf32, #tpu.memory_space<vmem>>, %arg10: memref<!tpu.dma_semaphore, #tpu.memory_space<semaphore_mem>>, %arg11: memref<!tpu.dma_semaphore, #tpu.memory_space<semaphore_mem>>) attributes {dimension_semantics = [#tpu.dimension_semantics<core_parallel>, #tpu.dimension_semantics<subcore_parallel>], iteration_bounds = array<i64: 2, 16>, scalar_prefetch = 0 : i64, scratch_operands = 5 : i64, tpu.core_type = #tpu.core_type<sc_vector_subcore>, window_params = [{transform_indices = #map}, {transform_indices = #map1}, {transform_indices = #map}, {transform_indices = #map}, {transform_indices = #map}]} {
    %mul3A = arith.constant 2 : i32
    %mul3A_0 = arith.muli %arg1, %mul3A : i32
    %add3A = arith.addi %mul3A_0, %arg0 : i32
    %mul3A_1 = arith.constant 128 : i32
    %mul3A_2 = arith.muli %add3A, %mul3A_1 : i32
    %jit3A = arith.constant 4 : i32
    %div3A = arith.divsi %add3A, %jit3A : i32
    %sign3A = arith.constant 0 : i32
    %sign3A_3 = arith.cmpi sgt, %add3A, %sign3A : i32
    %sign3A_4 = arith.extui %sign3A_3 : i1 to i32
    %sign3A_5 = arith.constant 0 : i32
    %sign3A_6 = arith.cmpi slt, %add3A, %sign3A_5 : i32
    %sign3A_7 = arith.extui %sign3A_6 : i1 to i32
    %sign3A_8 = arith.subi %sign3A_4, %sign3A_7 : i32
    %sign3A_9 = arith.constant 0 : i32
    %sign3A_10 = arith.cmpi sgt, %jit3A, %sign3A_9 : i32
    %sign3A_11 = arith.extui %sign3A_10 : i1 to i32
    %sign3A_12 = arith.constant 0 : i32
    %sign3A_13 = arith.cmpi slt, %jit3A, %sign3A_12 : i32
    %sign3A_14 = arith.extui %sign3A_13 : i1 to i32
    %sign3A_15 = arith.subi %sign3A_11, %sign3A_14 : i32
    %ne3A = arith.cmpi ne, %sign3A_8, %sign3A_15 : i32
    %rem3A = arith.remsi %add3A, %jit3A : i32
    %ne3A_16 = arith.constant 0 : i32
    %ne3A_17 = arith.cmpi ne, %rem3A, %ne3A_16 : i32
    %and3A = arith.andi %ne3A, %ne3A_17 : i1
    %sub3A = arith.constant 1 : i32
    %sub3A_18 = arith.subi %div3A, %sub3A : i32
    %select_n3A = arith.select %and3A, %sub3A_18, %div3A : i32
    %jit3A_19 = arith.constant 4 : i32
    %eq3A = arith.constant 0 : i32
    %eq3A_20 = arith.cmpi eq, %jit3A_19, %eq3A : i32
    %jit3A_21 = arith.constant 1 : i32
    %select_n3A_22 = arith.select %eq3A_20, %jit3A_21, %jit3A_19 : i32
    %rem3A_23 = arith.remsi %add3A, %select_n3A_22 : i32
    %ne3A_24 = arith.constant 0 : i32
    %ne3A_25 = arith.cmpi ne, %rem3A_23, %ne3A_24 : i32
    %lt3A = arith.constant 0 : i32
    %lt3A_26 = arith.cmpi slt, %rem3A_23, %lt3A : i32
    %lt3A_27 = arith.constant 0 : i32
    %lt3A_28 = arith.cmpi slt, %select_n3A_22, %lt3A_27 : i32
    %ne3A_29 = arith.xori %lt3A_26, %lt3A_28 : i1
    %and3A_30 = arith.andi %ne3A_29, %ne3A_25 : i1
    %add3A_31 = arith.addi %rem3A_23, %select_n3A_22 : i32
    %select_n3A_32 = arith.select %and3A_30, %add3A_31, %rem3A_23 : i32
    %mul3A_33 = arith.constant 128 : i32
    %mul3A_34 = arith.muli %select_n3A_32, %mul3A_33 : i32
    %run_scoped3A = arith.constant 0 : i32
    "tpu.region"() ({
      %run_scoped3A_45 = tpu.sem_alloc : memref<!tpu.dma_semaphore, #tpu.memory_space<semaphore_mem>>
      %dma_start3A_46 = tpu.memref_slice %arg3[%select_n3A, %run_scoped3A, %mul3A_34] : memref<8x1x512xi32, #tpu.memory_space<hbm>> -> memref<1x1x128xi32, #tpu.memory_space<hbm>>
      %dma_start3A_47 = tpu.memref_squeeze %dma_start3A_46 : memref<1x1x128xi32, #tpu.memory_space<hbm>> -> memref<128xi32, #tpu.memory_space<hbm>>
      %dma_start3A_48 = tpu.memref_slice %arg3[%select_n3A, %run_scoped3A, %mul3A_34] : memref<8x1x512xi32, #tpu.memory_space<hbm>> -> memref<1x1x128xi32, #tpu.memory_space<hbm>>
      %dma_start3A_49 = tpu.memref_squeeze %dma_start3A_48 : memref<1x1x128xi32, #tpu.memory_space<hbm>> -> memref<128xi32, #tpu.memory_space<hbm>>
      tpu.enqueue_dma source(%dma_start3A_49 : memref<128xi32, #tpu.memory_space<hbm>>) target(%arg7 : memref<128xi32, #tpu.memory_space<vmem>>) target_semaphore(%run_scoped3A_45 : memref<!tpu.dma_semaphore, #tpu.memory_space<semaphore_mem>>)
      %dma_wait3A_50 = tpu.memref_slice %arg3[%select_n3A, %run_scoped3A, %mul3A_34] : memref<8x1x512xi32, #tpu.memory_space<hbm>> -> memref<1x1x128xi32, #tpu.memory_space<hbm>>
      %dma_wait3A_51 = tpu.memref_squeeze %dma_wait3A_50 : memref<1x1x128xi32, #tpu.memory_space<hbm>> -> memref<128xi32, #tpu.memory_space<hbm>>
      %dma_wait3A_52 = tpu.memref_slice %arg3[%select_n3A, %run_scoped3A, %mul3A_34] : memref<8x1x512xi32, #tpu.memory_space<hbm>> -> memref<1x1x128xi32, #tpu.memory_space<hbm>>
      %dma_wait3A_53 = tpu.memref_squeeze %dma_wait3A_52 : memref<1x1x128xi32, #tpu.memory_space<hbm>> -> memref<128xi32, #tpu.memory_space<hbm>>
      tpu.wait_dma2 semaphore(%run_scoped3A_45 : memref<!tpu.dma_semaphore, #tpu.memory_space<semaphore_mem>>) src(%dma_wait3A_53 : memref<128xi32, #tpu.memory_space<hbm>>) dst(%arg7 : memref<128xi32, #tpu.memory_space<vmem>>)
      tpu.yield
    }) : () -> ()
    "tpu.region"() ({
      %run_scoped3A_45 = tpu.sem_alloc : memref<!tpu.dma_semaphore, #tpu.memory_space<semaphore_mem>>
      %dma_start3A_46 = arith.constant 0 : i32
      %dma_start3A_47 = tpu.memref_slice %arg2[%mul3A_2, %dma_start3A_46] : memref<4096x768xf32, #tpu.memory_space<hbm>> -> memref<128x768xf32, #tpu.memory_space<hbm>>
      %dma_start3A_48 = arith.constant 0 : i32
      %dma_start3A_49 = tpu.memref_slice %arg2[%mul3A_2, %dma_start3A_48] : memref<4096x768xf32, #tpu.memory_space<hbm>> -> memref<128x768xf32, #tpu.memory_space<hbm>>
      tpu.enqueue_dma source(%dma_start3A_49 : memref<128x768xf32, #tpu.memory_space<hbm>>) target(%arg8 : memref<128x768xf32, #tpu.memory_space<vmem>>) target_semaphore(%run_scoped3A_45 : memref<!tpu.dma_semaphore, #tpu.memory_space<semaphore_mem>>)
      %dma_wait3A_50 = arith.constant 0 : i32
      %dma_wait3A_51 = tpu.memref_slice %arg2[%mul3A_2, %dma_wait3A_50] : memref<4096x768xf32, #tpu.memory_space<hbm>> -> memref<128x768xf32, #tpu.memory_space<hbm>>
      %dma_wait3A_52 = arith.constant 0 : i32
      %dma_wait3A_53 = tpu.memref_slice %arg2[%mul3A_2, %dma_wait3A_52] : memref<4096x768xf32, #tpu.memory_space<hbm>> -> memref<128x768xf32, #tpu.memory_space<hbm>>
      tpu.wait_dma2 semaphore(%run_scoped3A_45 : memref<!tpu.dma_semaphore, #tpu.memory_space<semaphore_mem>>) src(%dma_wait3A_53 : memref<128x768xf32, #tpu.memory_space<hbm>>) dst(%arg8 : memref<128x768xf32, #tpu.memory_space<vmem>>)
      tpu.yield
    }) : () -> ()
    "tpu.region"() ({
      %run_scoped3A_45 = tpu.sem_alloc : memref<!tpu.dma_semaphore, #tpu.memory_space<semaphore_mem>>
      %dma_start3A_46 = arith.constant 0 : i32
      %dma_start3A_47 = tpu.memref_slice %arg4[%mul3A_2, %dma_start3A_46] : memref<4096x128xf32, #tpu.memory_space<hbm>> -> memref<128x128xf32, #tpu.memory_space<hbm>>
      %dma_start3A_48 = arith.constant 0 : i32
      %dma_start3A_49 = tpu.memref_slice %arg4[%mul3A_2, %dma_start3A_48] : memref<4096x128xf32, #tpu.memory_space<hbm>> -> memref<128x128xf32, #tpu.memory_space<hbm>>
      tpu.enqueue_dma source(%dma_start3A_49 : memref<128x128xf32, #tpu.memory_space<hbm>>) target(%arg9 : memref<128x128xf32, #tpu.memory_space<vmem>>) target_semaphore(%run_scoped3A_45 : memref<!tpu.dma_semaphore, #tpu.memory_space<semaphore_mem>>)
      %dma_wait3A_50 = arith.constant 0 : i32
      %dma_wait3A_51 = tpu.memref_slice %arg4[%mul3A_2, %dma_wait3A_50] : memref<4096x128xf32, #tpu.memory_space<hbm>> -> memref<128x128xf32, #tpu.memory_space<hbm>>
      %dma_wait3A_52 = arith.constant 0 : i32
      %dma_wait3A_53 = tpu.memref_slice %arg4[%mul3A_2, %dma_wait3A_52] : memref<4096x128xf32, #tpu.memory_space<hbm>> -> memref<128x128xf32, #tpu.memory_space<hbm>>
      tpu.wait_dma2 semaphore(%run_scoped3A_45 : memref<!tpu.dma_semaphore, #tpu.memory_space<semaphore_mem>>) src(%dma_wait3A_53 : memref<128x128xf32, #tpu.memory_space<hbm>>) dst(%arg9 : memref<128x128xf32, #tpu.memory_space<vmem>>)
      tpu.yield
    }) : () -> ()
    %dma_start3A = arith.constant 0 : i32
    %dma_start3A_35 = arith.constant 0 : i32
    %dma_start3A_36 = tpu.memref_slice %arg5[%dma_start3A, %dma_start3A_35] : memref<8320x768xf32, #tpu.memory_space<hbm>> -> memref<8320x768xf32, #tpu.memory_space<hbm>>
    tpu.enqueue_indirect_dma source(%arg8 : memref<128x768xf32, #tpu.memory_space<vmem>>) target(%dma_start3A_36 : memref<8320x768xf32, #tpu.memory_space<hbm>>) offsets(%arg7 : memref<128xi32, #tpu.memory_space<vmem>>) semaphore(%arg10 : memref<!tpu.dma_semaphore, #tpu.memory_space<semaphore_mem>>)
    %dma_start3A_37 = arith.constant 0 : i32
    %dma_start3A_38 = arith.constant 0 : i32
    %dma_start3A_39 = tpu.memref_slice %arg6[%dma_start3A_37, %dma_start3A_38] : memref<8320x128xf32, #tpu.memory_space<hbm>> -> memref<8320x128xf32, #tpu.memory_space<hbm>>
    tpu.enqueue_indirect_dma source(%arg9 : memref<128x128xf32, #tpu.memory_space<vmem>>) target(%dma_start3A_39 : memref<8320x128xf32, #tpu.memory_space<hbm>>) offsets(%arg7 : memref<128xi32, #tpu.memory_space<vmem>>) semaphore(%arg11 : memref<!tpu.dma_semaphore, #tpu.memory_space<semaphore_mem>>)
    %dma_wait3A = arith.constant 0 : i32
    %dma_wait3A_40 = arith.constant 0 : i32
    %dma_wait3A_41 = tpu.memref_slice %arg5[%dma_wait3A, %dma_wait3A_40] : memref<8320x768xf32, #tpu.memory_space<hbm>> -> memref<8320x768xf32, #tpu.memory_space<hbm>>
    tpu.wait_indirect_dma semaphore(%arg10 : memref<!tpu.dma_semaphore, #tpu.memory_space<semaphore_mem>>) src(%arg8 : memref<128x768xf32, #tpu.memory_space<vmem>>) dst(%dma_wait3A_41 : memref<8320x768xf32, #tpu.memory_space<hbm>>)
    %dma_wait3A_42 = arith.constant 0 : i32
    %dma_wait3A_43 = arith.constant 0 : i32
    %dma_wait3A_44 = tpu.memref_slice %arg6[%dma_wait3A_42, %dma_wait3A_43] : memref<8320x128xf32, #tpu.memory_space<hbm>> -> memref<8320x128xf32, #tpu.memory_space<hbm>>
    tpu.wait_indirect_dma semaphore(%arg11 : memref<!tpu.dma_semaphore, #tpu.memory_space<semaphore_mem>>) src(%arg9 : memref<128x128xf32, #tpu.memory_space<vmem>>) dst(%dma_wait3A_44 : memref<8320x128xf32, #tpu.memory_space<hbm>>)
    return
  }
}

module attributes {stable_mosaic.version = 14 : i64} {
  func.func @_k1_body(%arg0: i32, %arg1: memref<1x1xf32, #tpu.memory_space<smem>>, %arg2: memref<512x768xf32, #tpu.memory_space<vmem>>, %arg3: memref<768x64xf32, #tpu.memory_space<vmem>>, %arg4: memref<512x128xf32, #tpu.memory_space<vmem>>, %arg5: memref<1x1x512xi32, #tpu.memory_space<vmem>>, %arg6: memref<1x1x512xi32, #tpu.memory_space<vmem>>, %arg7: memref<1x64xi32, #tpu.memory_space<vmem>>, %arg8: memref<1x1xf32, #tpu.memory_space<smem>>, %arg9: memref<1x64xf32, #tpu.memory_space<vmem>>, %arg10: memref<1x64xf32, #tpu.memory_space<vmem>>) attributes {dimension_semantics = [#tpu.dimension_semantics<arbitrary>], iteration_bounds = array<i64: 8>, scalar_prefetch = 0 : i64, scratch_operands = 2 : i64, tpu.core_type = #tpu.core_type<tc>, window_params = [{transform_indices = @transform_0, window_bounds = array<i64: 1, 1>}, {transform_indices = @transform_1, window_bounds = array<i64: 512, 768>}, {pipeline_mode = #tpu.pipeline_mode<synchronous>, transform_indices = @transform_2, window_bounds = array<i64: 768, 64>}, {transform_indices = @transform_3, window_bounds = array<i64: 512, 128>}, {transform_indices = @transform_4, window_bounds = array<i64: 1, 1, 512>}, {transform_indices = @transform_5, window_bounds = array<i64: 1, 1, 512>}, {pipeline_mode = #tpu.pipeline_mode<synchronous>, transform_indices = @transform_6, window_bounds = array<i64: 1, 64>}, {transform_indices = @transform_7, window_bounds = array<i64: 1, 1>}]} {
    %eq3A = arith.constant 0 : i32
    %eq3A_0 = arith.cmpi eq, %arg0, %eq3A : i32
    %convert_element_type3A = arith.extui %eq3A_0 : i1 to i32
    %cond3A = arith.constant 0 : i32
    %cond3A_1 = arith.cmpi ne, %convert_element_type3A, %cond3A : i32
    scf.if %cond3A_1 {
      %broadcast_in_dim3A_104 = arith.constant 0.000000e+00 : f32
      %broadcast_in_dim3A_105 = vector.broadcast %broadcast_in_dim3A_104 : f32 to vector<1x64xf32>
      %swap3A_106 = arith.constant 0 : index
      %swap3A_107 = arith.constant 0 : index
      %swap3A_108 = vector.load %arg9[%swap3A_106, %swap3A_107] : memref<1x64xf32, #tpu.memory_space<vmem>>, vector<1x64xf32>
      tpu.vector_store %arg9[%swap3A_106, %swap3A_107], %broadcast_in_dim3A_105 {strides = array<i32>} : memref<1x64xf32, #tpu.memory_space<vmem>>, vector<1x64xf32>,
      %broadcast_in_dim3A_109 = arith.constant 0.000000e+00 : f32
      %broadcast_in_dim3A_110 = vector.broadcast %broadcast_in_dim3A_109 : f32 to vector<1x64xf32>
      %swap3A_111 = arith.constant 0 : index
      %swap3A_112 = arith.constant 0 : index
      %swap3A_113 = vector.load %arg10[%swap3A_111, %swap3A_112] : memref<1x64xf32, #tpu.memory_space<vmem>>, vector<1x64xf32>
      tpu.vector_store %arg10[%swap3A_111, %swap3A_112], %broadcast_in_dim3A_110 {strides = array<i32>} : memref<1x64xf32, #tpu.memory_space<vmem>>, vector<1x64xf32>,
    } else {
    }
    %get3A = arith.constant 0 : index
    %get3A_2 = arith.constant 0 : index
    %get3A_3 = vector.load %arg2[%get3A, %get3A_2] : memref<512x768xf32, #tpu.memory_space<vmem>>, vector<512x768xf32>
    %get3A_4 = arith.constant 0 : index
    %get3A_5 = arith.constant 0 : index
    %get3A_6 = vector.load %arg3[%get3A_4, %get3A_5] : memref<768x64xf32, #tpu.memory_space<vmem>>, vector<768x64xf32>
    %dot_general3A = arith.constant dense<0.000000e+00> : vector<512x64xf32>
    %dot_general3A_7 = tpu.matmul %get3A_3, %get3A_6, %dot_general3A {dimension_numbers = #tpu.dot_dimension_numbers<[1], [0], [0], [1], [0, 0, 1, 1], [], []>, transpose_lhs_hint = false} : vector<512x768xf32>, vector<768x64xf32>, vector<512x64xf32> -> vector<512x64xf32>
    %reduce_max3A = arith.constant dense<0xFF800000> : vector<512xf32>
    %reduce_max3A_8 = vector.multi_reduction <maximumf>, %dot_general3A_7, %reduce_max3A [1] : vector<512x64xf32> to vector<512xf32>
    %broadcast_in_dim3A = vector.shape_cast %reduce_max3A_8 : vector<512xf32> to vector<512x1xf32>
    %sub3A = vector.broadcast %broadcast_in_dim3A : vector<512x1xf32> to vector<512x64xf32>
    %sub3A_9 = arith.subf %dot_general3A_7, %sub3A : vector<512x64xf32>
    %exp3A = math.exp %sub3A_9 : vector<512x64xf32>
    %reduce_sum3A = arith.constant dense<0.000000e+00> : vector<512xf32>
    %reduce_sum3A_10 = vector.multi_reduction <add>, %exp3A, %reduce_sum3A [1] : vector<512x64xf32> to vector<512xf32>
    %broadcast_in_dim3A_11 = vector.shape_cast %reduce_sum3A_10 : vector<512xf32> to vector<512x1xf32>
    %div3A = vector.broadcast %broadcast_in_dim3A_11 : vector<512x1xf32> to vector<512x64xf32>
    %div3A_12 = arith.divf %exp3A, %div3A : vector<512x64xf32>
    %reduce_max3A_13 = arith.constant dense<0xFF800000> : vector<512xf32>
    %reduce_max3A_14 = vector.multi_reduction <maximumf>, %div3A_12, %reduce_max3A_13 [1] : vector<512x64xf32> to vector<512xf32>
    %broadcast_in_dim3A_15 = vector.shape_cast %reduce_max3A_14 : vector<512xf32> to vector<512x1xf32>
    %iota3A = tpu.iota {dimensions = array<i32: 1>} : vector<512x64xi32>
    %eq3A_16 = vector.broadcast %broadcast_in_dim3A_15 : vector<512x1xf32> to vector<512x64xf32>
    %eq3A_17 = arith.cmpf oeq, %div3A_12, %eq3A_16 : vector<512x64xf32>
    %jit3A = arith.constant 64 : i32
    %broadcast_in_dim3A_18 = vector.broadcast %jit3A : i32 to vector<512x64xi32>
    %select_n3A = arith.select %eq3A_17, %iota3A, %broadcast_in_dim3A_18 : vector<512x64xi1>, vector<512x64xi32>
    %reduce_min3A = arith.constant dense<2147483647> : vector<512xi32>
    %reduce_min3A_19 = vector.multi_reduction <minsi>, %select_n3A, %reduce_min3A [1] : vector<512x64xi32> to vector<512xi32>
    %broadcast_in_dim3A_20 = vector.shape_cast %reduce_min3A_19 : vector<512xi32> to vector<512x1xi32>
    %eq3A_21 = vector.broadcast %broadcast_in_dim3A_20 : vector<512x1xi32> to vector<512x64xi32>
    %eq3A_22 = arith.cmpi eq, %iota3A, %eq3A_21 : vector<512x64xi32>
    %convert_element_type3A_23 = arith.extui %eq3A_22 : vector<512x64xi1> to vector<512x64xi32>
    %convert_element_type3A_24 = arith.sitofp %convert_element_type3A_23 : vector<512x64xi32> to vector<512x64xf32>
    %iota3A_25 = tpu.iota {dimensions = array<i32: 0>} : vector<512x512xi32>
    %iota3A_26 = tpu.iota {dimensions = array<i32: 1>} : vector<512x512xi32>
    %ge3A = arith.cmpi sge, %iota3A_25, %iota3A_26 : vector<512x512xi32>
    %convert_element_type3A_27 = arith.extui %ge3A : vector<512x512xi1> to vector<512x512xi32>
    %convert_element_type3A_28 = arith.sitofp %convert_element_type3A_27 : vector<512x512xi32> to vector<512x512xf32>
    %convert_element_type3A_29 = arith.truncf %convert_element_type3A_28 : vector<512x512xf32> to vector<512x512xbf16>
    %convert_element_type3A_30 = arith.truncf %convert_element_type3A_24 : vector<512x64xf32> to vector<512x64xbf16>
    %dot_general3A_31 = arith.constant dense<0.000000e+00> : vector<512x64xf32>
    %dot_general3A_32 = tpu.matmul %convert_element_type3A_29, %convert_element_type3A_30, %dot_general3A_31 {dimension_numbers = #tpu.dot_dimension_numbers<[1], [0], [0], [1], [0, 0, 1, 1], [], []>, transpose_lhs_hint = false} : vector<512x512xbf16>, vector<512x64xbf16>, vector<512x64xf32> -> vector<512x64xf32>
    %get3A_33 = arith.constant 0 : index
    %get3A_34 = arith.constant 0 : index
    %get3A_35 = vector.load %arg9[%get3A_33, %get3A_34] : memref<1x64xf32, #tpu.memory_space<vmem>>, vector<1x64xf32>
    %add3A = vector.broadcast %get3A_35 : vector<1x64xf32> to vector<512x64xf32>
    %add3A_36 = arith.addf %dot_general3A_32, %add3A : vector<512x64xf32>
    %mul3A = arith.mulf %add3A_36, %convert_element_type3A_24 : vector<512x64xf32>
    %reduce_sum3A_37 = arith.constant dense<0.000000e+00> : vector<512xf32>
    %reduce_sum3A_38 = vector.multi_reduction <add>, %mul3A, %reduce_sum3A_37 [1] : vector<512x64xf32> to vector<512xf32>
    %sub3A_39 = arith.constant 1.000000e+00 : f32
    %sub3A_40 = vector.broadcast %sub3A_39 : f32 to vector<512xf32>
    %sub3A_41 = arith.subf %reduce_sum3A_38, %sub3A_40 : vector<512xf32>
    %lt3A = arith.constant 1.280000e+02 : f32
    %lt3A_42 = vector.broadcast %lt3A : f32 to vector<512xf32>
    %lt3A_43 = arith.cmpf olt, %sub3A_41, %lt3A_42 : vector<512xf32>
    %convert_element_type3A_44 = arith.fptosi %sub3A_41 : vector<512xf32> to vector<512xi32>
    %jit3A_45 = arith.constant 0 : i32
    %jit3A_46 = arith.constant 127 : i32
    %max3A = vector.broadcast %jit3A_45 : i32 to vector<512xi32>
    %max3A_47 = arith.maxsi %max3A, %convert_element_type3A_44 : vector<512xi32>
    %min3A = vector.broadcast %jit3A_46 : i32 to vector<512xi32>
    %min3A_48 = arith.minsi %min3A, %max3A_47 : vector<512xi32>
    %mul3A_49 = arith.constant 128 : i32
    %mul3A_50 = vector.broadcast %mul3A_49 : i32 to vector<512xi32>
    %mul3A_51 = arith.muli %reduce_min3A_19, %mul3A_50 : vector<512xi32>
    %add3A_52 = arith.addi %mul3A_51, %min3A_48 : vector<512xi32>
    %iota3A_53 = tpu.iota {dimensions = array<i32: 1>} : vector<1x512xi32>
    %iota3A_54 = vector.shape_cast %iota3A_53 : vector<1x512xi32> to vector<512xi32>
    %and3A = arith.constant 127 : i32
    %and3A_55 = vector.broadcast %and3A : i32 to vector<512xi32>
    %and3A_56 = arith.andi %iota3A_54, %and3A_55 : vector<512xi32>
    %add3A_57 = arith.constant 8192 : i32
    %add3A_58 = vector.broadcast %add3A_57 : i32 to vector<512xi32>
    %add3A_59 = arith.addi %add3A_58, %and3A_56 : vector<512xi32>
    %select_n3A_60 = arith.select %lt3A_43, %add3A_52, %add3A_59 : vector<512xi1>, vector<512xi32>
    %swap3A = arith.constant 0 : index
    %swap3A_61 = arith.constant 0 : index
    %swap3A_62 = arith.constant 0 : index
    %swap3A_63 = vector.load %arg6[%swap3A, %swap3A_61, %swap3A_62] : memref<1x1x512xi32, #tpu.memory_space<vmem>>, vector<1x1x512xi32>
    %swap3A_64 = vector.shape_cast %swap3A_63 : vector<1x1x512xi32> to vector<512xi32>
    %swap3A_65 = vector.shape_cast %select_n3A_60 : vector<512xi32> to vector<1x1x512xi32>
    tpu.vector_store %arg6[%swap3A, %swap3A_61, %swap3A_62], %swap3A_65 {strides = array<i32>} : memref<1x1x512xi32, #tpu.memory_space<vmem>>, vector<1x1x512xi32>,
    %select_n3A_66 = arith.select %lt3A_43, %add3A_52, %add3A_59 : vector<512xi1>, vector<512xi32>
    %swap3A_67 = arith.constant 0 : index
    %swap3A_68 = arith.constant 0 : index
    %swap3A_69 = arith.constant 0 : index
    %swap3A_70 = vector.load %arg5[%swap3A_67, %swap3A_68, %swap3A_69] : memref<1x1x512xi32, #tpu.memory_space<vmem>>, vector<1x1x512xi32>
    %swap3A_71 = vector.shape_cast %swap3A_70 : vector<1x1x512xi32> to vector<512xi32>
    %swap3A_72 = vector.shape_cast %select_n3A_66 : vector<512xi32> to vector<1x1x512xi32>
    tpu.vector_store %arg5[%swap3A_67, %swap3A_68, %swap3A_69], %swap3A_72 {strides = array<i32>} : memref<1x1x512xi32, #tpu.memory_space<vmem>>, vector<1x1x512xi32>,
    %squeeze3A = vector.shape_cast %broadcast_in_dim3A_15 : vector<512x1xf32> to vector<512xf32>
    %jit3A_73 = arith.constant 0.000000e+00 : f32
    %broadcast_in_dim3A_74 = vector.broadcast %jit3A_73 : f32 to vector<512xf32>
    %select_n3A_75 = arith.select %lt3A_43, %squeeze3A, %broadcast_in_dim3A_74 : vector<512xi1>, vector<512xf32>
    %broadcast_in_dim3A_76 = vector.shape_cast %select_n3A_75 : vector<512xf32> to vector<512x1xf32>
    %broadcast_in_dim3A_77 = vector.shape_cast %broadcast_in_dim3A_76 : vector<512x1xf32> to vector<512x1xf32>
    %broadcast_in_dim3A_78 = vector.broadcast %broadcast_in_dim3A_77 : vector<512x1xf32> to vector<512x128xf32>
    %swap3A_79 = arith.constant 0 : index
    %swap3A_80 = arith.constant 0 : index
    %swap3A_81 = vector.load %arg4[%swap3A_79, %swap3A_80] : memref<512x128xf32, #tpu.memory_space<vmem>>, vector<512x128xf32>
    tpu.vector_store %arg4[%swap3A_79, %swap3A_80], %broadcast_in_dim3A_78 {strides = array<i32>} : memref<512x128xf32, #tpu.memory_space<vmem>>, vector<512x128xf32>,
    %reduce_sum3A_82 = arith.constant dense<0.000000e+00> : vector<64xf32>
    %reduce_sum3A_83 = vector.multi_reduction <add>, %convert_element_type3A_24, %reduce_sum3A_82 [0] : vector<512x64xf32> to vector<64xf32>
    %broadcast_in_dim3A_84 = vector.shape_cast %reduce_sum3A_83 : vector<64xf32> to vector<1x64xf32>
    %add3A_85 = arith.addf %get3A_35, %broadcast_in_dim3A_84 : vector<1x64xf32>
    %swap3A_86 = arith.constant 0 : index
    %swap3A_87 = arith.constant 0 : index
    %swap3A_88 = vector.load %arg9[%swap3A_86, %swap3A_87] : memref<1x64xf32, #tpu.memory_space<vmem>>, vector<1x64xf32>
    tpu.vector_store %arg9[%swap3A_86, %swap3A_87], %add3A_85 {strides = array<i32>} : memref<1x64xf32, #tpu.memory_space<vmem>>, vector<1x64xf32>,
    %get3A_89 = arith.constant 0 : index
    %get3A_90 = arith.constant 0 : index
    %get3A_91 = vector.load %arg10[%get3A_89, %get3A_90] : memref<1x64xf32, #tpu.memory_space<vmem>>, vector<1x64xf32>
    %reduce_sum3A_92 = arith.constant dense<0.000000e+00> : vector<64xf32>
    %reduce_sum3A_93 = vector.multi_reduction <add>, %div3A_12, %reduce_sum3A_92 [0] : vector<512x64xf32> to vector<64xf32>
    %broadcast_in_dim3A_94 = vector.shape_cast %reduce_sum3A_93 : vector<64xf32> to vector<1x64xf32>
    %add3A_95 = arith.addf %get3A_91, %broadcast_in_dim3A_94 : vector<1x64xf32>
    %swap3A_96 = arith.constant 0 : index
    %swap3A_97 = arith.constant 0 : index
    %swap3A_98 = vector.load %arg10[%swap3A_96, %swap3A_97] : memref<1x64xf32, #tpu.memory_space<vmem>>, vector<1x64xf32>
    tpu.vector_store %arg10[%swap3A_96, %swap3A_97], %add3A_95 {strides = array<i32>} : memref<1x64xf32, #tpu.memory_space<vmem>>, vector<1x64xf32>,
    %eq3A_99 = arith.constant 7 : i32
    %eq3A_100 = arith.cmpi eq, %arg0, %eq3A_99 : i32
    %convert_element_type3A_101 = arith.extui %eq3A_100 : i1 to i32
    %cond3A_102 = arith.constant 0 : i32
    %cond3A_103 = arith.cmpi ne, %convert_element_type3A_101, %cond3A_102 : i32
    scf.if %cond3A_103 {
      %get3A_104 = arith.constant 0 : index
      %get3A_105 = arith.constant 0 : index
      %get3A_106 = vector.load %arg9[%get3A_104, %get3A_105] : memref<1x64xf32, #tpu.memory_space<vmem>>, vector<1x64xf32>
      %div3A_107 = arith.constant 4.096000e+03 : f32
      %div3A_108 = vector.broadcast %div3A_107 : f32 to vector<1x64xf32>
      %div3A_109 = arith.divf %get3A_106, %div3A_108 : vector<1x64xf32>
      %get3A_110 = arith.constant 0 : index
      %get3A_111 = arith.constant 0 : index
      %get3A_112 = vector.load %arg10[%get3A_110, %get3A_111] : memref<1x64xf32, #tpu.memory_space<vmem>>, vector<1x64xf32>
      %div3A_113 = arith.constant 4.096000e+03 : f32
      %div3A_114 = vector.broadcast %div3A_113 : f32 to vector<1x64xf32>
      %div3A_115 = arith.divf %get3A_112, %div3A_114 : vector<1x64xf32>
      %mul3A_116 = arith.mulf %div3A_109, %div3A_115 : vector<1x64xf32>
      %reduce_sum3A_117 = vector.shape_cast %mul3A_116 : vector<1x64xf32> to vector<1x1x64xf32>
      %reduce_sum3A_118 = arith.constant dense<0.000000e+00> : vector<1xf32>
      %reduce_sum3A_119 = vector.multi_reduction <add>, %reduce_sum3A_117, %reduce_sum3A_118 [1, 2] : vector<1x1x64xf32> to vector<1xf32>
      %reduce_sum3A_120 = vector.shape_cast %reduce_sum3A_119 : vector<1xf32> to vector<1x1x1xf32>
      %reduce_sum3A_121 = vector.extract %reduce_sum3A_120[0, 0, 0] : f32 from vector<1x1x1xf32>
      %mul3A_122 = arith.constant 6.400000e+01 : f32
      %mul3A_123 = arith.mulf %mul3A_122, %reduce_sum3A_121 : f32
      %get3A_124 = arith.constant 0 : index
      %get3A_125 = arith.constant 0 : index
      %get3A_126 = memref.load %arg1[%get3A_124, %get3A_125] : memref<1x1xf32, #tpu.memory_space<smem>>
      %add3A_127 = arith.addf %get3A_126, %mul3A_123 : f32
      %swap3A_128 = arith.constant 0 : index
      %swap3A_129 = arith.constant 0 : index
      %swap3A_130 = memref.load %arg8[%swap3A_128, %swap3A_129] : memref<1x1xf32, #tpu.memory_space<smem>>
      memref.store %add3A_127, %arg8[%swap3A_128, %swap3A_129] : memref<1x1xf32, #tpu.memory_space<smem>>
      %get3A_131 = arith.constant 0 : index
      %get3A_132 = arith.constant 0 : index
      %get3A_133 = vector.load %arg9[%get3A_131, %get3A_132] : memref<1x64xf32, #tpu.memory_space<vmem>>, vector<1x64xf32>
      %min3A_134 = arith.constant 1.280000e+02 : f32
      %min3A_135 = vector.broadcast %min3A_134 : f32 to vector<1x64xf32>
      %min3A_136 = arith.minimumf %get3A_133, %min3A_135 : vector<1x64xf32>
      %convert_element_type3A_137 = arith.fptosi %min3A_136 : vector<1x64xf32> to vector<1x64xi32>
      %swap3A_138 = arith.constant 0 : index
      %swap3A_139 = arith.constant 0 : index
      %swap3A_140 = vector.load %arg7[%swap3A_138, %swap3A_139] : memref<1x64xi32, #tpu.memory_space<vmem>>, vector<1x64xi32>
      tpu.vector_store %arg7[%swap3A_138, %swap3A_139], %convert_element_type3A_137 {strides = array<i32>} : memref<1x64xi32, #tpu.memory_space<vmem>>, vector<1x64xi32>,
    } else {
    }
    return
  }
  func.func @transform_0(%arg0: i32) -> (i32, i32) {
    %c0_i32 = arith.constant 0 : i32
    %c0_i32_0 = arith.constant 0 : i32
    %c0_i32_1 = arith.constant 0 : i32
    return %c0_i32, %c0_i32_0 : i32, i32
  }
  func.func @transform_1(%arg0: i32) -> (i32, i32) {
    %c0_i32 = arith.constant 0 : i32
    %c0_i32_0 = arith.constant 0 : i32
    return %arg0, %c0_i32 : i32, i32
  }
  func.func @transform_2(%arg0: i32) -> (i32, i32) {
    %c0_i32 = arith.constant 0 : i32
    %c0_i32_0 = arith.constant 0 : i32
    %c0_i32_1 = arith.constant 0 : i32
    return %c0_i32, %c0_i32_0 : i32, i32
  }
  func.func @transform_3(%arg0: i32) -> (i32, i32) {
    %c0_i32 = arith.constant 0 : i32
    %c0_i32_0 = arith.constant 0 : i32
    return %arg0, %c0_i32 : i32, i32
  }
  func.func @transform_4(%arg0: i32) -> (i32, i32, i32) {
    %c0_i32 = arith.constant 0 : i32
    %c0_i32_0 = arith.constant 0 : i32
    %c0_i32_1 = arith.constant 0 : i32
    return %arg0, %c0_i32, %c0_i32_0 : i32, i32, i32
  }
  func.func @transform_5(%arg0: i32) -> (i32, i32, i32) {
    %c0_i32 = arith.constant 0 : i32
    %c0_i32_0 = arith.constant 0 : i32
    %c0_i32_1 = arith.constant 0 : i32
    return %arg0, %c0_i32, %c0_i32_0 : i32, i32, i32
  }
  func.func @transform_6(%arg0: i32) -> (i32, i32) {
    %c0_i32 = arith.constant 0 : i32
    %c0_i32_0 = arith.constant 0 : i32
    %c0_i32_1 = arith.constant 0 : i32
    return %c0_i32, %c0_i32_0 : i32, i32
  }
  func.func @transform_7(%arg0: i32) -> (i32, i32) {
    %c0_i32 = arith.constant 0 : i32
    %c0_i32_0 = arith.constant 0 : i32
    %c0_i32_1 = arith.constant 0 : i32
    return %c0_i32, %c0_i32_0 : i32, i32
  }
}

module attributes {stable_mosaic.version = 14 : i64} {
  func.func @_k3_body(%arg0: i32, %arg1: memref<128x768xf32, #tpu.memory_space<vmem>>, %arg2: memref<1x768x1536xf32, #tpu.memory_space<vmem>>, %arg3: memref<1x1x1536xf32, #tpu.memory_space<vmem>>, %arg4: memref<1x1536x768xf32, #tpu.memory_space<vmem>>, %arg5: memref<1x1x768xf32, #tpu.memory_space<vmem>>, %arg6: memref<128x128xf32, #tpu.memory_space<vmem>>, %arg7: memref<1x64xi32, #tpu.memory_space<smem>>, %arg8: memref<64x768xf32, #tpu.memory_space<vmem>>, %arg9: memref<768x1536xf32, #tpu.memory_space<vmem>>, %arg10: memref<1x1536xf32, #tpu.memory_space<vmem>>, %arg11: memref<1536x768xf32, #tpu.memory_space<vmem>>, %arg12: memref<1x768xf32, #tpu.memory_space<vmem>>, %arg13: memref<128x768xf32, #tpu.memory_space<vmem>>, %arg14: memref<64x768xf32, #tpu.memory_space<vmem>>) attributes {dimension_semantics = [#tpu.dimension_semantics<arbitrary>], iteration_bounds = array<i64: 65>, scalar_prefetch = 0 : i64, scratch_operands = 0 : i64, tpu.core_type = #tpu.core_type<tc>, window_params = [{transform_indices = @transform_0, window_bounds = array<i64: 128, 768>}, {transform_indices = @transform_1, window_bounds = array<i64: 1, 768, 1536>}, {transform_indices = @transform_2, window_bounds = array<i64: 1, 1, 1536>}, {transform_indices = @transform_3, window_bounds = array<i64: 1, 1536, 768>}, {transform_indices = @transform_4, window_bounds = array<i64: 1, 1, 768>}, {transform_indices = @transform_5, window_bounds = array<i64: 128, 128>}, {transform_indices = @transform_6, window_bounds = array<i64: 1, 64>}, {transform_indices = @transform_7, window_bounds = array<i64: 64, 768>}, {pipeline_mode = #tpu.pipeline_mode<synchronous>, transform_indices = @transform_8, window_bounds = array<i64: 768, 1536>}, {pipeline_mode = #tpu.pipeline_mode<synchronous>, transform_indices = @transform_9, window_bounds = array<i64: 1, 1536>}, {pipeline_mode = #tpu.pipeline_mode<synchronous>, transform_indices = @transform_10, window_bounds = array<i64: 1536, 768>}, {pipeline_mode = #tpu.pipeline_mode<synchronous>, transform_indices = @transform_11, window_bounds = array<i64: 1, 768>}, {transform_indices = @transform_12, window_bounds = array<i64: 128, 768>}, {transform_indices = @transform_13, window_bounds = array<i64: 64, 768>}]} {
    %min3A = arith.constant 63 : i32
    %min3A_0 = arith.minsi %arg0, %min3A : i32
    %get3A = arith.constant 0 : index
    %get3A_1 = arith.index_cast %min3A_0 : i32 to index
    %get3A_2 = memref.load %arg7[%get3A, %get3A_1] : memref<1x64xi32, #tpu.memory_space<smem>>
    %iota3A = tpu.iota {dimensions = array<i32: 0>} : vector<128x1xi32>
    %lt3A = vector.broadcast %get3A_2 : i32 to vector<128x1xi32>
    %lt3A_3 = arith.cmpi slt, %iota3A, %lt3A : vector<128x1xi32>
    %get3A_4 = arith.constant 0 : index
    %get3A_5 = arith.constant 0 : index
    %get3A_6 = vector.load %arg1[%get3A_4, %get3A_5] : memref<128x768xf32, #tpu.memory_space<vmem>>, vector<128x768xf32>
    %jit3A = arith.constant 0.000000e+00 : f32
    %broadcast_in_dim3A = vector.shape_cast %lt3A_3 : vector<128x1xi1> to vector<128x1xi1>
    %broadcast_in_dim3A_7 = vector.broadcast %broadcast_in_dim3A : vector<128x1xi1> to vector<128x768xi1>
    %broadcast_in_dim3A_8 = vector.broadcast %jit3A : f32 to vector<128x768xf32>
    %select_n3A = arith.select %broadcast_in_dim3A_7, %get3A_6, %broadcast_in_dim3A_8 : vector<128x768xi1>, vector<128x768xf32>
    %squeeze3A = vector.shape_cast %iota3A : vector<128x1xi32> to vector<128xi32>
    %lt3A_9 = vector.broadcast %get3A_2 : i32 to vector<128xi32>
    %lt3A_10 = arith.cmpi slt, %squeeze3A, %lt3A_9 : vector<128xi32>
    %get3A_11 = arith.constant 0 : index
    %get3A_12 = arith.constant 0 : index
    %get3A_13 = vector.load %arg6[%get3A_11, %get3A_12] : memref<128x128xf32, #tpu.memory_space<vmem>>, vector<128x1xf32>
    %get3A_14 = vector.shape_cast %get3A_13 : vector<128x1xf32> to vector<128xf32>
    %jit3A_15 = arith.constant 0.000000e+00 : f32
    %broadcast_in_dim3A_16 = vector.broadcast %jit3A_15 : f32 to vector<128xf32>
    %select_n3A_17 = arith.select %lt3A_10, %get3A_14, %broadcast_in_dim3A_16 : vector<128xi1>, vector<128xf32>
    %get3A_18 = arith.constant 0 : index
    %get3A_19 = arith.constant 0 : index
    %get3A_20 = arith.constant 0 : index
    %get3A_21 = vector.load %arg2[%get3A_18, %get3A_19, %get3A_20] : memref<1x768x1536xf32, #tpu.memory_space<vmem>>, vector<1x768x1536xf32>
    %get3A_22 = vector.shape_cast %get3A_21 : vector<1x768x1536xf32> to vector<768x1536xf32>
    %dot_general3A = arith.constant dense<0.000000e+00> : vector<128x1536xf32>
    %dot_general3A_23 = tpu.matmul %select_n3A, %get3A_22, %dot_general3A {dimension_numbers = #tpu.dot_dimension_numbers<[1], [0], [0], [1], [0, 0, 1, 1], [], []>, transpose_lhs_hint = false} : vector<128x768xf32>, vector<768x1536xf32>, vector<128x1536xf32> -> vector<128x1536xf32>
    %get3A_24 = arith.constant 0 : index
    %get3A_25 = arith.constant 0 : index
    %get3A_26 = arith.constant 0 : index
    %get3A_27 = vector.load %arg3[%get3A_24, %get3A_25, %get3A_26] : memref<1x1x1536xf32, #tpu.memory_space<vmem>>, vector<1x1x1536xf32>
    %get3A_28 = vector.shape_cast %get3A_27 : vector<1x1x1536xf32> to vector<1x1536xf32>
    %add3A = vector.broadcast %get3A_28 : vector<1x1536xf32> to vector<128x1536xf32>
    %add3A_29 = arith.addf %dot_general3A_23, %add3A : vector<128x1536xf32>
    %integer_pow3A = arith.mulf %add3A_29, %add3A_29 : vector<128x1536xf32>
    %integer_pow3A_30 = arith.mulf %add3A_29, %integer_pow3A : vector<128x1536xf32>
    %mul3A = arith.constant 4.471500e-02 : f32
    %mul3A_31 = vector.broadcast %mul3A : f32 to vector<128x1536xf32>
    %mul3A_32 = arith.mulf %mul3A_31, %integer_pow3A_30 : vector<128x1536xf32>
    %add3A_33 = arith.addf %add3A_29, %mul3A_32 : vector<128x1536xf32>
    %mul3A_34 = arith.constant 0.797884583 : f32
    %mul3A_35 = vector.broadcast %mul3A_34 : f32 to vector<128x1536xf32>
    %mul3A_36 = arith.mulf %mul3A_35, %add3A_33 : vector<128x1536xf32>
    %tanh3A = math.tanh %mul3A_36 : vector<128x1536xf32>
    %add3A_37 = arith.constant 1.000000e+00 : f32
    %add3A_38 = vector.broadcast %add3A_37 : f32 to vector<128x1536xf32>
    %add3A_39 = arith.addf %add3A_38, %tanh3A : vector<128x1536xf32>
    %mul3A_40 = arith.constant 5.000000e-01 : f32
    %mul3A_41 = vector.broadcast %mul3A_40 : f32 to vector<128x1536xf32>
    %mul3A_42 = arith.mulf %mul3A_41, %add3A_39 : vector<128x1536xf32>
    %mul3A_43 = arith.mulf %add3A_29, %mul3A_42 : vector<128x1536xf32>
    %get3A_44 = arith.constant 0 : index
    %get3A_45 = arith.constant 0 : index
    %get3A_46 = arith.constant 0 : index
    %get3A_47 = vector.load %arg4[%get3A_44, %get3A_45, %get3A_46] : memref<1x1536x768xf32, #tpu.memory_space<vmem>>, vector<1x1536x768xf32>
    %get3A_48 = vector.shape_cast %get3A_47 : vector<1x1536x768xf32> to vector<1536x768xf32>
    %dot_general3A_49 = arith.constant dense<0.000000e+00> : vector<128x768xf32>
    %dot_general3A_50 = tpu.matmul %mul3A_43, %get3A_48, %dot_general3A_49 {dimension_numbers = #tpu.dot_dimension_numbers<[1], [0], [0], [1], [0, 0, 1, 1], [], []>, transpose_lhs_hint = false} : vector<128x1536xf32>, vector<1536x768xf32>, vector<128x768xf32> -> vector<128x768xf32>
    %get3A_51 = arith.constant 0 : index
    %get3A_52 = arith.constant 0 : index
    %get3A_53 = arith.constant 0 : index
    %get3A_54 = vector.load %arg5[%get3A_51, %get3A_52, %get3A_53] : memref<1x1x768xf32, #tpu.memory_space<vmem>>, vector<1x1x768xf32>
    %get3A_55 = vector.shape_cast %get3A_54 : vector<1x1x768xf32> to vector<1x768xf32>
    %add3A_56 = vector.broadcast %get3A_55 : vector<1x768xf32> to vector<128x768xf32>
    %add3A_57 = arith.addf %dot_general3A_50, %add3A_56 : vector<128x768xf32>
    %broadcast_in_dim3A_58 = vector.shape_cast %select_n3A_17 : vector<128xf32> to vector<128x1xf32>
    %mul3A_59 = vector.broadcast %broadcast_in_dim3A_58 : vector<128x1xf32> to vector<128x768xf32>
    %mul3A_60 = arith.mulf %add3A_57, %mul3A_59 : vector<128x768xf32>
    %ge3A = arith.constant 64 : i32
    %ge3A_61 = arith.cmpi sge, %arg0, %ge3A : i32
    %jit3A_62 = arith.constant 0.000000e+00 : f32
    %broadcast_in_dim3A_63 = vector.broadcast %jit3A_62 : f32 to vector<128x768xf32>
    %select_n3A_64 = arith.select %ge3A_61, %broadcast_in_dim3A_63, %mul3A_60 : vector<128x768xf32>
    %swap3A = arith.constant 0 : index
    %swap3A_65 = arith.constant 0 : index
    %swap3A_66 = vector.load %arg13[%swap3A, %swap3A_65] : memref<128x768xf32, #tpu.memory_space<vmem>>, vector<128x768xf32>
    tpu.vector_store %arg13[%swap3A, %swap3A_65], %select_n3A_64 {strides = array<i32>} : memref<128x768xf32, #tpu.memory_space<vmem>>, vector<128x768xf32>,
    %get3A_67 = arith.constant 0 : index
    %get3A_68 = arith.constant 0 : index
    %get3A_69 = vector.load %arg8[%get3A_67, %get3A_68] : memref<64x768xf32, #tpu.memory_space<vmem>>, vector<64x768xf32>
    %get3A_70 = arith.constant 0 : index
    %get3A_71 = arith.constant 0 : index
    %get3A_72 = vector.load %arg9[%get3A_70, %get3A_71] : memref<768x1536xf32, #tpu.memory_space<vmem>>, vector<768x1536xf32>
    %dot_general3A_73 = arith.constant dense<0.000000e+00> : vector<64x1536xf32>
    %dot_general3A_74 = tpu.matmul %get3A_69, %get3A_72, %dot_general3A_73 {dimension_numbers = #tpu.dot_dimension_numbers<[1], [0], [0], [1], [0, 0, 1, 1], [], []>, transpose_lhs_hint = false} : vector<64x768xf32>, vector<768x1536xf32>, vector<64x1536xf32> -> vector<64x1536xf32>
    %get3A_75 = arith.constant 0 : index
    %get3A_76 = arith.constant 0 : index
    %get3A_77 = vector.load %arg10[%get3A_75, %get3A_76] : memref<1x1536xf32, #tpu.memory_space<vmem>>, vector<1x1536xf32>
    %add3A_78 = vector.broadcast %get3A_77 : vector<1x1536xf32> to vector<64x1536xf32>
    %add3A_79 = arith.addf %dot_general3A_74, %add3A_78 : vector<64x1536xf32>
    %integer_pow3A_80 = arith.mulf %add3A_79, %add3A_79 : vector<64x1536xf32>
    %integer_pow3A_81 = arith.mulf %add3A_79, %integer_pow3A_80 : vector<64x1536xf32>
    %mul3A_82 = arith.constant 4.471500e-02 : f32
    %mul3A_83 = vector.broadcast %mul3A_82 : f32 to vector<64x1536xf32>
    %mul3A_84 = arith.mulf %mul3A_83, %integer_pow3A_81 : vector<64x1536xf32>
    %add3A_85 = arith.addf %add3A_79, %mul3A_84 : vector<64x1536xf32>
    %mul3A_86 = arith.constant 0.797884583 : f32
    %mul3A_87 = vector.broadcast %mul3A_86 : f32 to vector<64x1536xf32>
    %mul3A_88 = arith.mulf %mul3A_87, %add3A_85 : vector<64x1536xf32>
    %tanh3A_89 = math.tanh %mul3A_88 : vector<64x1536xf32>
    %add3A_90 = arith.constant 1.000000e+00 : f32
    %add3A_91 = vector.broadcast %add3A_90 : f32 to vector<64x1536xf32>
    %add3A_92 = arith.addf %add3A_91, %tanh3A_89 : vector<64x1536xf32>
    %mul3A_93 = arith.constant 5.000000e-01 : f32
    %mul3A_94 = vector.broadcast %mul3A_93 : f32 to vector<64x1536xf32>
    %mul3A_95 = arith.mulf %mul3A_94, %add3A_92 : vector<64x1536xf32>
    %mul3A_96 = arith.mulf %add3A_79, %mul3A_95 : vector<64x1536xf32>
    %get3A_97 = arith.constant 0 : index
    %get3A_98 = arith.constant 0 : index
    %get3A_99 = vector.load %arg11[%get3A_97, %get3A_98] : memref<1536x768xf32, #tpu.memory_space<vmem>>, vector<1536x768xf32>
    %dot_general3A_100 = arith.constant dense<0.000000e+00> : vector<64x768xf32>
    %dot_general3A_101 = tpu.matmul %mul3A_96, %get3A_99, %dot_general3A_100 {dimension_numbers = #tpu.dot_dimension_numbers<[1], [0], [0], [1], [0, 0, 1, 1], [], []>, transpose_lhs_hint = false} : vector<64x1536xf32>, vector<1536x768xf32>, vector<64x768xf32> -> vector<64x768xf32>
    %get3A_102 = arith.constant 0 : index
    %get3A_103 = arith.constant 0 : index
    %get3A_104 = vector.load %arg12[%get3A_102, %get3A_103] : memref<1x768xf32, #tpu.memory_space<vmem>>, vector<1x768xf32>
    %add3A_105 = vector.broadcast %get3A_104 : vector<1x768xf32> to vector<64x768xf32>
    %add3A_106 = arith.addf %dot_general3A_101, %add3A_105 : vector<64x768xf32>
    %swap3A_107 = arith.constant 0 : index
    %swap3A_108 = arith.constant 0 : index
    %swap3A_109 = vector.load %arg14[%swap3A_107, %swap3A_108] : memref<64x768xf32, #tpu.memory_space<vmem>>, vector<64x768xf32>
    tpu.vector_store %arg14[%swap3A_107, %swap3A_108], %add3A_106 {strides = array<i32>} : memref<64x768xf32, #tpu.memory_space<vmem>>, vector<64x768xf32>,
    return
  }
  func.func @transform_0(%arg0: i32) -> (i32, i32) {
    %c0_i32 = arith.constant 0 : i32
    %c0_i32_0 = arith.constant 0 : i32
    return %arg0, %c0_i32 : i32, i32
  }
  func.func @transform_1(%arg0: i32) -> (i32, i32, i32) {
    %min3A = arith.constant 63 : i32
    %min3A_0 = arith.minsi %arg0, %min3A : i32
    %c0_i32 = arith.constant 0 : i32
    %c0_i32_1 = arith.constant 0 : i32
    %c0_i32_2 = arith.constant 0 : i32
    return %min3A_0, %c0_i32, %c0_i32_1 : i32, i32, i32
  }
  func.func @transform_2(%arg0: i32) -> (i32, i32, i32) {
    %min3A = arith.constant 63 : i32
    %min3A_0 = arith.minsi %arg0, %min3A : i32
    %c0_i32 = arith.constant 0 : i32
    %c0_i32_1 = arith.constant 0 : i32
    %c0_i32_2 = arith.constant 0 : i32
    return %min3A_0, %c0_i32, %c0_i32_1 : i32, i32, i32
  }
  func.func @transform_3(%arg0: i32) -> (i32, i32, i32) {
    %min3A = arith.constant 63 : i32
    %min3A_0 = arith.minsi %arg0, %min3A : i32
    %c0_i32 = arith.constant 0 : i32
    %c0_i32_1 = arith.constant 0 : i32
    %c0_i32_2 = arith.constant 0 : i32
    return %min3A_0, %c0_i32, %c0_i32_1 : i32, i32, i32
  }
  func.func @transform_4(%arg0: i32) -> (i32, i32, i32) {
    %min3A = arith.constant 63 : i32
    %min3A_0 = arith.minsi %arg0, %min3A : i32
    %c0_i32 = arith.constant 0 : i32
    %c0_i32_1 = arith.constant 0 : i32
    %c0_i32_2 = arith.constant 0 : i32
    return %min3A_0, %c0_i32, %c0_i32_1 : i32, i32, i32
  }
  func.func @transform_5(%arg0: i32) -> (i32, i32) {
    %c0_i32 = arith.constant 0 : i32
    %c0_i32_0 = arith.constant 0 : i32
    return %arg0, %c0_i32 : i32, i32
  }
  func.func @transform_6(%arg0: i32) -> (i32, i32) {
    %c0_i32 = arith.constant 0 : i32
    %c0_i32_0 = arith.constant 0 : i32
    %c0_i32_1 = arith.constant 0 : i32
    return %c0_i32, %c0_i32_0 : i32, i32
  }
  func.func @transform_7(%arg0: i32) -> (i32, i32) {
    %min3A = arith.constant 63 : i32
    %min3A_0 = arith.minsi %arg0, %min3A : i32
    %c0_i32 = arith.constant 0 : i32
    %c0_i32_1 = arith.constant 0 : i32
    return %min3A_0, %c0_i32 : i32, i32
  }
  func.func @transform_8(%arg0: i32) -> (i32, i32) {
    %c0_i32 = arith.constant 0 : i32
    %c0_i32_0 = arith.constant 0 : i32
    %c0_i32_1 = arith.constant 0 : i32
    return %c0_i32, %c0_i32_0 : i32, i32
  }
  func.func @transform_9(%arg0: i32) -> (i32, i32) {
    %c0_i32 = arith.constant 0 : i32
    %c0_i32_0 = arith.constant 0 : i32
    %c0_i32_1 = arith.constant 0 : i32
    return %c0_i32, %c0_i32_0 : i32, i32
  }
  func.func @transform_10(%arg0: i32) -> (i32, i32) {
    %c0_i32 = arith.constant 0 : i32
    %c0_i32_0 = arith.constant 0 : i32
    %c0_i32_1 = arith.constant 0 : i32
    return %c0_i32, %c0_i32_0 : i32, i32
  }
  func.func @transform_11(%arg0: i32) -> (i32, i32) {
    %c0_i32 = arith.constant 0 : i32
    %c0_i32_0 = arith.constant 0 : i32
    %c0_i32_1 = arith.constant 0 : i32
    return %c0_i32, %c0_i32_0 : i32, i32
  }
  func.func @transform_12(%arg0: i32) -> (i32, i32) {
    %c0_i32 = arith.constant 0 : i32
    %c0_i32_0 = arith.constant 0 : i32
    return %arg0, %c0_i32 : i32, i32
  }
  func.func @transform_13(%arg0: i32) -> (i32, i32) {
    %min3A = arith.constant 63 : i32
    %min3A_0 = arith.minsi %arg0, %min3A : i32
    %c0_i32 = arith.constant 0 : i32
    %c0_i32_1 = arith.constant 0 : i32
    return %min3A_0, %c0_i32 : i32, i32
  }
}

</mosaic_0001>

<sc_bundles>
// kernel: kernel.6.cloned.1.call-start
scs
__scs_entry_jumppad:
0x0: {  	(pc) =	sbr.rel $0x88, $3  }
0x1: {  	(tag) =	ssettag $0x0;
	lr =	simm.s32 $0x1  }
0x2: {  	[smem:$0x3F96] =	sst lr;
	_ =	strace $0xD0000000  }
0x3: {  	_ = 	snop  }
0x4: {  	_ = 	snop  }
0x5: {  	_ = 	snop  }
0x6: {  	_ = 	snop  }
0x7: {  	_ = 	snop  }
__scs_overlays_trampoline_lowered:
0x8: {  	[smem:$0x3FA5] =	sst s0  }
0x9: {  	[smem:$0x3FA6] =	sst s1  }
0xa: {  	[smem:$0x3FA7] =	sst s2  }
0xb: {  	[smem:$0x3FA8] =	sst s3  }
0xc: {  	[smem:$0x3FA9] =	sst s4  }
0xd: {  	[smem:$0x3FAA] =	sst s5  }
0xe: {  	[smem:$0x3FAB] =	sst s6  }
0xf: {  	[smem:$0x3FAC] =	sst s7  }
0x10: {  	[smem:$0x3FAD] =	sst s8  }
0x11: {  	[smem:$0x3FAE] =	sst s9;
	s0 =	simm.s32 @!p0 $0x0  }
0x12: {  	s1 =	sld [smem:$0x3F94];
	s0 =	simm.s32 @p0 $0x1  }
0x13: {  	[smem:$0x3FAF] =	sst s0;
	s0 =	simm.s32 @!p1 $0x0  }
0x14: {  	s2 =	sld [smem:$0x3F93];
	s0 =	simm.s32 @p1 $0x1  }
0x15: {  	[smem:$0x3FB0] =	sst s0;
	s0 =	simm.s32 @!p2 $0x0  }
0x16: {  	s3 =	sld [smem:$0x3FDB];
	s0 =	simm.s32 @p2 $0x1  }
0x17: {  	s4 =	simm.s32 $0x1BF5;
	[smem:$0x3FB2] =	sst s0  }
0x18: {  	s0 =	sld [smem:$0x3F95];
	_ =	swait.ge [sflag:s4], $0x0  }
0x19: {  	s7 =	sld [smem:$0x3F96]  }
0x1a: {  	s8 =	sadd.s32 $0xFFFFE003, lr  }
0x1b: {  	s9 =	sadd.s32 $0xFFFFFEF7, lr;
	s5 =	simm.s32 $0xFFFFFFFF;
	p2 =	slt.u32 s8, $0xFFFFF086  }
0x1c: {  	p1 =	slt.u32 s9, $0xF7A;
	s5 =	simm.s32 @!p2 $0x0  }
0x1d: {  	s5 =	simm.s32 @p1 $0x1;
	p0 =	seq.s32 s7, s2  }
0x1e: {  	s7 =	smul.u32 @!p0 $0xF7A, s2;
	p2 =	seq.s32 @!p0 s5, $0x0  }
0x1f: {  	s9 =	smul.u32 $0xF7A, s1;
	s8 =	simm.s32 @!p0 $0x1BF5;
	p2 =	por !p2, p0  }
0x20: {  	[sflag:s8] =	ssyncset.s32 @!p0 $0xFFFFF086;
	s6 =	sadd.s32 @!p0 s3, s7;
	s7 =	simm.s32 @!p0 $0x108  }
0x21: {  	s3 =	sadd.s32 s3, s9;
	s6 =	sadd.s32 @!p0 $0x88, s6;
	s7 =	simm.s32 @p2 $0x1082  }
0x22: {  	[simem:s7], [sflag:s8] =	dma.local @!p0 [hbm:s6], $0xF7A  }
0x23: {  	s9 =	sor.u32 $0xD0000000, s2;
	s6 =	simm.s32 $0x108;
	_ =	swait.ge @!p0 [sflag:s8], $0x0  }
0x24: {  	s3 =	sadd.s32 $0x88, s3;
	s6 =	simm.s32 @!p1 $0x1082;
	[sflag:s4] =	ssyncset.s32 $0xFFFFF086  }
0x25: {  	[simem:s6], [sflag:s4] =	dma.local [hbm:s3], $0xF7A  }
0x26: {  	[smem:$0x3F96] =	sst s1;
	(tag) =	ssettag s2;
	_ =	strace s9  }
0x27: {  	s1 =	sld [smem:$0x3FA6]  }
0x28: {  	s2 =	sld [smem:$0x3FA7]  }
0x29: {  	s4 =	sld [smem:$0x3FA9]  }
0x2a: {  	p0 =	seq.s32 s5, $0x0;
	s5 =	sld [smem:$0x3FAA]  }
0x2b: {  	s6 =	sld [smem:$0x3FAB]  }
0x2c: {  	s7 =	sld [smem:$0x3FAC]  }
0x2d: {  	s3 =	simm.s32 $0x108;
	s8 =	sld [smem:$0x3FAD]  }
0x2e: {  	s3 =	simm.s32 @!p0 $0x1082;
	s9 =	sld [smem:$0x3FAE]  }
0x2f: {  	lr =	sadd.s32 s0, s3;
	s0 =	sld [smem:$0x3FA5]  }
0x30: {  	s3 =	sld [smem:$0x3FA8]  }
0x31: {  	[smem:$0x3FB1] =	sst s10  }
0x32: {  	s10 =	sld [smem:$0x3FAF];
	_ =	sdelay $0x3  }
0x33: {  	p0 =	seq.s32 s10, $0x1;
	s10 =	sld [smem:$0x3FB1];
	_ =	sdelay $0x3  }
0x34: {  	[smem:$0x3FB1] =	sst s10  }
0x35: {  	s10 =	sld [smem:$0x3FB0];
	_ =	sdelay $0x3  }
0x36: {  	p1 =	seq.s32 s10, $0x1;
	s10 =	sld [smem:$0x3FB1];
	_ =	sdelay $0x3  }
0x37: {  	[smem:$0x3FB1] =	sst s10  }
0x38: {  	s10 =	sld [smem:$0x3FB2]  }
0x39: {  	_ = 	snop;
	(pc) =	sbr.ind lr, $3  }
0x3a: {  	_ = 	snop  }
0x3b: {  	_ = 	snop  }
0x3c: {  	p2 =	seq.s32 s10, $0x1;
	s10 =	sld [smem:$0x3FB1]  }
0x3d: {  	_ =	shalt  }
0x3e: {  	_ =	shalt  }
0x3f: {  	_ =	shalt  }
0x40: {  	_ =	shalt  }
0x41: {  	_ =	shalt  }
0x42: {  	_ =	shalt  }
0x43: {  	_ =	shalt  }
0x44: {  	_ =	shalt  }
0x45: {  	_ =	shalt  }
0x46: {  	_ =	shalt  }
0x47: {  	_ =	shalt  }
0x48: {  	_ =	shalt  }
0x49: {  	_ =	shalt  }
0x4a: {  	_ =	shalt  }
0x4b: {  	_ =	shalt  }
0x4c: {  	_ =	shalt  }
0x4d: {  	_ =	shalt  }
0x4e: {  	_ =	shalt  }
0x4f: {  	_ =	shalt  }
0x50: {  	_ =	shalt  }
0x51: {  	_ =	shalt  }
0x52: {  	_ =	shalt  }
0x53: {  	_ =	shalt  }
0x54: {  	_ =	shalt  }
0x55: {  	_ =	shalt  }
0x56: {  	_ =	shalt  }
0x57: {  	_ =	shalt  }
0x58: {  	_ =	shalt  }
0x59: {  	_ =	shalt  }
0x5a: {  	_ =	shalt  }
0x5b: {  	_ =	shalt  }
0x5c: {  	_ =	shalt  }
0x5d: {  	_ =	shalt  }
0x5e: {  	_ =	shalt  }
0x5f: {  	_ =	shalt  }
0x60: {  	_ =	shalt  }
0x61: {  	_ =	shalt  }
0x62: {  	_ =	shalt  }
0x63: {  	_ =	shalt  }
0x64: {  	_ =	shalt  }
0x65: {  	_ =	shalt  }
0x66: {  	_ =	shalt  }
0x67: {  	_ =	shalt  }
0x68: {  	_ =	shalt  }
0x69: {  	_ =	shalt  }
0x6a: {  	_ =	shalt  }
0x6b: {  	_ =	shalt  }
0x6c: {  	_ =	shalt  }
0x6d: {  	_ =	shalt  }
0x6e: {  	_ =	shalt  }
0x6f: {  	_ =	shalt  }
0x70: {  	_ =	shalt  }
0x71: {  	_ =	shalt  }
0x72: {  	_ =	shalt  }
0x73: {  	_ =	shalt  }
0x74: {  	_ =	shalt  }
0x75: {  	_ =	shalt  }
0x76: {  	_ =	shalt  }
0x77: {  	_ =	shalt  }
0x78: {  	_ =	shalt  }
0x79: {  	_ =	shalt  }
0x7a: {  	_ =	shalt  }
0x7b: {  	_ =	shalt  }
0x7c: {  	_ =	shalt  }
0x7d: {  	_ =	shalt  }
0x7e: {  	_ =	shalt  }
0x7f: {  	_ =	shalt  }
0x80: {  	_ =	shalt  }
0x81: {  	_ =	shalt  }
0x82: {  	_ =	shalt  }
0x83: {  	_ =	shalt  }
0x84: {  	_ =	shalt  }
0x85: {  	_ =	shalt  }
0x86: {  	_ =	shalt  }
0x87: {  	_ =	shalt  }
.Lfunc_end0:
.L_simem_size_0:
called_computation_lowered:
.L_overlay_start_0:
0x88: {  	s2 =	sld [smem:$0x3FD9]  }
0x89: {  	s3 =	sld [smem:$0x3FFE];
	_ =	sdelay $0x1  }
0x8a: {  	s1 =	srdreg.scid  }
0x8b: {  	s0 =	sand.u32 $0x1, s1  }
0x8c: {  	s14 =	sshll.u32 s0, $0xA;
	s2 =	sadd.s32 s3, s2  }
0x8d: {  	s2 =	sadd.s32 s2, s14  }
0x8e: {  	[smem:$0x3FBD] =	sst s2  }
0x8f: {  	_ = 	snop  }
0x90: {  	s2 =	sld [smem:$0x3FD0];
	_ =	sdelay $0x2  }
0x91: {  	s4 =	simm.s32 $0xA;
	s5 =	simm.s32 $0x10;
	s15 =	sld [smem:$0x3FC9]  }
0x92: {  	[smem:s5], [sflag:s4] =	dma.local [hbm:s2], $0x1  }
0x93: {  	_ =	swait.eq [sflag:s4], $0x1  }
0x94: {  	[sflag:s4] =	ssyncset.done $0x0  }
0x95: {  	[sflag:s4] =	ssyncadd.s32 $0xFFFFFFFF  }
0x96: {  	s16 =	sld [smem:$0x10];
	(tm) =	ssettm $0x1  }
0x97: {  	s17 =	sld [smem:$0x3FFB];
	_ =	sdelay $0x3  }
0x98: {  	_ =	strace s17  }
0x99: {  	s4 =	sld [smem:$0x3FFC];
	_ =	sdelay $0x3  }
0x9a: {  	_ =	strace s4  }
0x9b: {  	s4 =	sld [smem:$0x3FFD];
	_ =	sdelay $0x3  }
0x9c: {  	_ =	strace s4  }
0x9d: {  	_ =	strace $0x8FFFFFFF  }
0x9e: {  	s18 =	sld [smem:$0x3FDB];
	_ =	sdelay $0x1  }
0x9f: {  	s19 =	simm.s32 $_scs_section_size  }
0xa0: {  	s6 =	simm.s32 $_size__tile_overlayer_lowered;
	s7 =	simm.s32 $_tile_overlayer_lowered  }
0xa1: {  	s22 =	simm.s32 $0x1BFF;
	s21 =	sshll.u32 s7, $0x1;
	s4 =	sadd.s32 s19, s18  }
0xa2: {  	s8 =	simm.s32 $0x0;
	s20 =	sshll.u32 s6, $0x1;
	s6 =	sadd.s32 s21, s4  }
0xa3: {  	[timem:s8], [sflag:s22] =	dma.local [hbm:s6], s20  }
0xa4: {  	_ =	swait.ge [sflag:s22], s20  }
0xa5: {  	s5 =	ssub.s32 $0x0, s20;
	[sflag:s22] =	ssyncset.done $0x0  }
0xa6: {  	[sflag:s22] =	ssyncadd.s32 s5;
	_ =	sdelay $0x1  }
0xa7: {  	s23 =	simm.s32 $0x1B8B  }
0xa8: {  	_ =	swait.ge [sflag:s23], $0x1  }
0xa9: {  	[sflag:s23] =	ssyncset.done $0x0  }
0xaa: {  	s25 =	simm.s32 $0x1B8E;
	s24 =	sld [smem:$0x3FFE];
	[sflag:s23] =	ssyncadd.s32 $0xFFFFFFFF  }
0xab: {  	s26 =	simm.s32 $execute0_lowered;
	[smem:$0x3FD2] =	sst s25  }
0xac: {  	s6 =	sshll.u32 s26, $0x1;
	_ =	strace $0x80000046;
	[dreg:$0x1] =	wrdreg $0xFFFFFFFF  }
0xad: {  	s28 =	simm.s32 $_size_execute0_lowered;
	s4 =	sadd.s32 s4, s6;
	[dreg:$0x0] =	wrdreg $0x0  }
0xae: {  	s6 =	sshll.u32 s28, $0x1;
	[dreg:$0x2] =	wrdreg s4  }
0xaf: {  	[dreg:$0x3] =	wrdreg s6  }
0xb0: {  	[dreg:$0x4] =	wrdreg $0xC0  }
0xb1: {  	_ =	task [dreg:s8], $0x5FFFF  }
0xb2: {  	[dreg:$0x1] =	wrdreg $0xFFFFFFFF  }
0xb3: {  	[dreg:$0x0] =	wrdreg $0x60  }
0xb4: {  	[dreg:$0x2] =	wrdreg s15  }
0xb5: {  	[dreg:$0x3] =	wrdreg s24  }
0xb6: {  	[dreg:$0x4] =	wrdreg s16  }
0xb7: {  	[dreg:$0x5] =	wrdreg $0x9  }
0xb8: {  	_ =	task.clear_ibuf [dreg:s8], $0x6FFFF;
	_ =	strace $0x90000046  }
0xb9: {  	s29 =	simm.s32 $0x9;
	_ =	strace $0x80000048  }
0xba: {  	_ =	swait.ge [sflag:s29], $0x1  }
0xbb: {  	[sflag:s29] =	ssyncadd.s32 $0xFFFFFFFF  }
0xbc: {  	_ =	strace $0x90000048  }
0xbd: {  	_ =	sfence  }
0xbe: {  	s30 =	sld [smem:$0x0];
	_ =	sdelay $0x2  }
0xbf: {  	s31 =	sshll.u32 s1, $0xD;
	s1 =	sshrl.u32 s1, $0x2  }
0xc0: {  	s3 =	sand.u32 $0x4000, s31;
	s1 =	sadd.s32 s1, s30  }
0xc1: {  	s0 =	sor.u32 s3, s0;
	s1 =	sshll.u32 s1, $0x11  }
0xc2: {  	s0 =	sor.u32 s1, s0  }
0xc3: {  	s0 =	sadd.s32 $0x8F2B, s0  }
0xc4: {  	[sflag:s0] =	ssyncadd.remote.s32 $0x1  }
0xc5: {  	_ =	sfence.sel $0xFFFF  }
0xc6: {  	[dreg:$0x0] =	wrdreg $0xFFFFFFFF;
	(pc) =	sbr.abs _section_cstart, $3  }
0xc7: {  	[dreg:$0x1] =	wrdreg $0xFFFFFFFF  }
0xc8: {  	_ =	task.clear_ibuf [dreg:s8], $0x2FFFF;
	_ =	strace $0x9FFFFFFF  }
0xc9: {  	(tm) =	ssettm $0x7FFFFFFF  }
tec
execute0_lowered:
.L_overlay_start_1:
0x0: {  	(tag) =	ssettag $0x1  }
0x1: {  	s3 =	rddreg [dreg:$0x0]  }
0x2: {  	s1 =	rddreg [dreg:$0x1]  }
0x3: {  	s2 =	srdreg.scid;
	s4 =	rddreg [dreg:$0x2]  }
0x4: {  	s5 =	sand.u32 $0x1, s2;
	[dreg:$0x4] =	wrdreg s4;
	s2 =	simm.s32 $0x0  }
0x5: {  	s22 =	simm.s32 $0x880;
	[smem:$0x7FF] =	sst s2  }
0x6: {  	s23 =	simm.s32 $0x1080;
	_ =	strace $0x80000047;
	[dreg:$0x8] =	wrdreg s22  }
0x7: {  	s24 =	simm.s32 $0x1880;
	[dreg:$0x9] =	wrdreg s23  }
0x8: {  	s0 =	stileid.u32;
	s25 =	simm.s32 $0x2080;
	[dreg:$0xa] =	wrdreg s24  }
0x9: {  	s26 =	simm.s32 $0x2880;
	s18 =	sshll.u32 s0, $0x1;
	[dreg:$0xb] =	wrdreg s25  }
0xa: {  	s19 =	sshll.u32 s0, $0x5;
	s0 =	simm.s32 $0x3080;
	[dreg:$0xc] =	wrdreg s26  }
0xb: {  	s8 =	simm.s32 $0x5080;
	[dreg:$0xd] =	wrdreg s0  }
0xc: {  	s9 =	simm.s32 $0x5880;
	s10 =	simm.s32 $0x6080;
	[dreg:$0x11] =	wrdreg s8  }
0xd: {  	s11 =	simm.s32 $0x6880;
	s12 =	simm.s32 $0x7080;
	[dreg:$0x12] =	wrdreg s9  }
0xe: {  	s13 =	simm.s32 $0x7880;
	s14 =	simm.s32 $0x8080;
	[dreg:$0x13] =	wrdreg s10  }
0xf: {  	s15 =	simm.s32 $0x8880;
	s16 =	simm.s32 $0x9080;
	[dreg:$0x14] =	wrdreg s11  }
0x10: {  	s17 =	simm.s32 $0x9880;
	s28 =	simm.s32 $0x16880;
	[dreg:$0x15] =	wrdreg s12  }
0x11: {  	s29 =	simm.s32 $0x17080;
	s30 =	simm.s32 $0x17880;
	[dreg:$0x16] =	wrdreg s13  }
0x12: {  	s31 =	simm.s32 $0x1;
	s6 =	sor.u32 s5, s18;
	[dreg:$0x17] =	wrdreg s14  }
0x13: {  	s4 =	sand.u32 $0x1C0, s19;
	s5 =	ssub.s32 $0x2, s5;
	[dreg:$0x18] =	wrdreg s15  }
0x14: {  	s18 =	simm.s32 $0xA080;
	s7 =	sshll.u32 s6, $0x4;
	[dreg:$0x19] =	wrdreg s16  }
0x15: {  	s4 =	sadd.s32 s4, s1;
	s20 =	smul.u32 $0x3000, s6;
	[dreg:$0x1a] =	wrdreg s17  }
0x16: {  	s6 =	sshll.u32 s6, $0xB;
	s19 =	sshrl.u32 s5, $0x1;
	[dreg:$0x1b] =	wrdreg s18  }
0x17: {  	s22 =	simm.s32 $0xB880;
	s23 =	simm.s32 $0xC080;
	s24 =	simm.s32 $0xC880  }
0x18: {  	s25 =	simm.s32 $0xD080;
	s8 =	simm.s32 $0x80;
	s26 =	simm.s32 $0xD880  }
0x19: {  	s9 =	simm.s32 $0x18080;
	s11 =	simm.s32 $0xE880;
	s12 =	simm.s32 $0xF080  }
0x1a: {  	s13 =	simm.s32 $0xF880;
	s14 =	simm.s32 $0x10080;
	[dreg:$0x1e] =	wrdreg s22  }
0x1b: {  	s15 =	simm.s32 $0x10880;
	s16 =	simm.s32 $0x11080;
	[dreg:$0x1f] =	wrdreg s23  }
0x1c: {  	s17 =	simm.s32 $0x11880;
	s18 =	simm.s32 $0x12080;
	[smem:$0x7FB] =	sst s24  }
0x1d: {  	s7 =	sand.u32 $0x30, s7;
	s6 =	sadd.s32 s6, s1;
	[smem:$0x7FC] =	sst s25  }
0x1e: {  	[smem:$0x7FD] =	sst s26;
	s22 =	simm.s32 $0x14080;
	s23 =	simm.s32 $0x14880  }
0x1f: {  	s24 =	simm.s32 $0x15080;
	s25 =	simm.s32 $0x15880;
	s3 =	sadd.s32 s3, s20  }
0x20: {  	s26 =	simm.s32 $0x16080;
	s21 =	sadd.s32 $0x3200, s6;
	[dreg:$0x6] =	wrdreg s3  }
0x21: {  	s4 =	sadd.s32 s7, s4;
	s6 =	simm.s32 $0x4080;
	[dreg:$0x7] =	wrdreg s21  }
0x22: {  	s7 =	simm.s32 $0x4880;
	s20 =	simm.s32 $0xA880;
	[dreg:$0xf] =	wrdreg s6  }
0x23: {  	s4 =	sadd.s32 $0x13400, s4;
	[dreg:$0x10] =	wrdreg s7;
	s3 =	sadd.s32 $0x13600, s1  }
0x24: {  	s6 =	ssub.s32 s5, s19;
	[dreg:$0x1c] =	wrdreg s20;
	s21 =	simm.s32 $0xB080  }
0x25: {  	s5 =	sadd.s32 $0x13800, s1;
	s7 =	simm.s32 $0x3;
	s19 =	simm.s32 $0x12880  }
0x26: {  	v2 =	vlaneseq.u32;
	s20 =	simm.s32 $0x13080;
	[dreg:$0x5] =	wrdreg s4;
	s4 =	simm.s32 $0x3880  }
0x27: {  	vm0 =	vmmov $0xffff;
	v1 =	vshrl.u32 v2, $0x3;
	[dreg:$0x1d] =	wrdreg s21;
	s6 =	smax.u32 s6, $0x1;
	s21 =	simm.s32 $0x13880  }
0x28: {  	v0 =	vand.u32 $0x7, v2;
	v2 =	vor.u32 $0x8, v2;
	v1 =	vmul.u32 $0x8, v1;
	[dreg:$0xe] =	wrdreg s4;
	s4 =	sadd.s32 $0x13700, s1;
	s1 =	simm.s32 $0x2  }
.LBB2_1:
0x29: {  	s0 =	rddreg [dreg:$0x5]  }
0x2a: {  	[tilespmem:s2], [sflag:$0x3] =	stream.linear.gather [hbm4b:s0+s2], $0x80, $0x38;
	[tilespmem:$0x1C080] =	vst v63  }
0x2b: {  	_ =	swait.ge [sflag:s7], $0x80  }
0x2c: {  	[sflag:s7] =	ssyncset.done $0x0  }
0x2d: {  	s10 =	rddreg [dreg:$0x6];
	[sflag:s7] =	ssyncadd.s32 $0xFFFFFF80  }
0x2e: {  	[tilespmem:s8], [sflag:$0x3] =	stream.linear.gather [hbm4b:s10+s2], $0x18000, $0x38;
	[tilespmem:$0x1C080] =	vst v63  }
0x2f: {  	_ =	swait.ge [sflag:s7], $0x18000  }
0x30: {  	[sflag:s7] =	ssyncset.done $0x0  }
0x31: {  	s10 =	rddreg [dreg:$0x7];
	[sflag:s7] =	ssyncadd.s32 $0xFFFE8000  }
0x32: {  	[tilespmem:s9], [sflag:$0x3] =	stream.linear.gather [hbm4b:s10+s2], $0x4000, $0x38;
	[tilespmem:$0x1C080] =	vst v63  }
0x33: {  	_ =	swait.ge [sflag:s7], $0x4000  }
0x34: {  	[sflag:s7] =	ssyncset.done $0x0  }
0x35: {  	[sflag:s7] =	ssyncadd.s32 $0xFFFFC000  }
0x36: {  	v3 =	vld [tilespmem:$0x0];
	_ =	sdelay $0x4  }
0x37: {  	v4 =	vshrl.u32 v3, $0x3  }
0x38: {  	v4 =	vmul.u32 $0x30, v4  }
0x39: {  	v3 =	vand.u32 $0x7, v3  }
0x3a: {  	v3 =	vor.u32 v3, v4  }
0x3b: {  	v4 =	vperm.xlane v3, v0;
	_ =	sdelay $0x1  }
0x3c: {  	v4 =	vadd.s32 v1, v4;
	_ =	sdelay $0x3  }
0x3d: {  	v3 =	vperm.xlane v3, v2  }
0x3e: {  	[hbm4b:s3+s2] =	stream.indirect_vreg.scatter [tilespmem:s8], [sflag:$0x1], $0x80, v4, vm0, $0xb8;
	[tilespmem:$0x1C080] =	vst v63  }
0x3f: {  	s0 =	rddreg [dreg:$0x8];
	v3 =	vadd.s32 v1, v3  }
0x40: {  	[hbm4b:s4+s2] =	stream.indirect_vreg.scatter [tilespmem:s0], [sflag:$0x1], $0x80, v4, vm0, $0xb8;
	[tilespmem:$0x1C080] =	vst v63  }
0x41: {  	s10 =	rddreg [dreg:$0x9]  }
0x42: {  	[hbm4b:s5+s2] =	stream.indirect_vreg.scatter [tilespmem:s10], [sflag:$0x1], $0x80, v4, vm0, $0xb8;
	[tilespmem:$0x1C080] =	vst v63  }
0x43: {  	s0 =	rddreg [dreg:$0xa]  }
0x44: {  	[hbm4b:s3+s2] =	stream.indirect_vreg.scatter [tilespmem:s0], [sflag:$0x1], $0x80, v3, vm0, $0xb8;
	[tilespmem:$0x1C080] =	vst v63  }
0x45: {  	s10 =	rddreg [dreg:$0xb]  }
0x46: {  	[hbm4b:s4+s2] =	stream.indirect_vreg.scatter [tilespmem:s10], [sflag:$0x1], $0x80, v3, vm0, $0xb8;
	[tilespmem:$0x1C080] =	vst v63  }
0x47: {  	s0 =	rddreg [dreg:$0xc]  }
0x48: {  	[hbm4b:s5+s2] =	stream.indirect_vreg.scatter [tilespmem:s0], [sflag:$0x1], $0x80, v3, vm0, $0xb8;
	[tilespmem:$0x1C080] =	vst v63  }
0x49: {  	v3 =	vld [tilespmem:$0x10];
	_ =	sdelay $0x4  }
0x4a: {  	v57 =	vshrl.u32 v3, $0x3  }
0x4b: {  	v4 =	vmul.u32 $0x30, v57  }
0x4c: {  	v3 =	vand.u32 $0x7, v3  }
0x4d: {  	v3 =	vor.u32 v3, v4  }
0x4e: {  	v4 =	vperm.xlane v3, v0;
	_ =	sdelay $0x1  }
0x4f: {  	v4 =	vadd.s32 v1, v4;
	_ =	sdelay $0x3  }
0x50: {  	s0 =	rddreg [dreg:$0xd];
	v3 =	vperm.xlane v3, v2  }
0x51: {  	[hbm4b:s3+s2] =	stream.indirect_vreg.scatter [tilespmem:s0], [sflag:$0x1], $0x80, v4, vm0, $0xb8;
	[tilespmem:$0x1C080] =	vst v63  }
0x52: {  	s10 =	rddreg [dreg:$0xe];
	v3 =	vadd.s32 v1, v3  }
0x53: {  	[hbm4b:s4+s2] =	stream.indirect_vreg.scatter [tilespmem:s10], [sflag:$0x1], $0x80, v4, vm0, $0xb8;
	[tilespmem:$0x1C080] =	vst v63  }
0x54: {  	s0 =	rddreg [dreg:$0xf]  }
0x55: {  	[hbm4b:s5+s2] =	stream.indirect_vreg.scatter [tilespmem:s0], [sflag:$0x1], $0x80, v4, vm0, $0xb8;
	[tilespmem:$0x1C080] =	vst v63  }
0x56: {  	s10 =	rddreg [dreg:$0x10]  }
0x57: {  	[hbm4b:s3+s2] =	stream.indirect_vreg.scatter [tilespmem:s10], [sflag:$0x1], $0x80, v3, vm0, $0xb8;
	[tilespmem:$0x1C080] =	vst v63  }
0x58: {  	s0 =	rddreg [dreg:$0x11]  }
0x59: {  	[hbm4b:s4+s2] =	stream.indirect_vreg.scatter [tilespmem:s0], [sflag:$0x1], $0x80, v3, vm0, $0xb8;
	[tilespmem:$0x1C080] =	vst v63  }
0x5a: {  	s10 =	rddreg [dreg:$0x12]  }
0x5b: {  	[hbm4b:s5+s2] =	stream.indirect_vreg.scatter [tilespmem:s10], [sflag:$0x1], $0x80, v3, vm0, $0xb8;
	[tilespmem:$0x1C080] =	vst v63  }
0x5c: {  	v3 =	vld [tilespmem:$0x20];
	_ =	sdelay $0x4  }
0x5d: {  	v58 =	vshrl.u32 v3, $0x3  }
0x5e: {  	v4 =	vmul.u32 $0x30, v58  }
0x5f: {  	v3 =	vand.u32 $0x7, v3  }
0x60: {  	v3 =	vor.u32 v3, v4  }
0x61: {  	v4 =	vperm.xlane v3, v0;
	_ =	sdelay $0x1  }
0x62: {  	v4 =	vadd.s32 v1, v4;
	_ =	sdelay $0x3  }
0x63: {  	s0 =	rddreg [dreg:$0x13];
	v3 =	vperm.xlane v3, v2  }
0x64: {  	[hbm4b:s3+s2] =	stream.indirect_vreg.scatter [tilespmem:s0], [sflag:$0x1], $0x80, v4, vm0, $0xb8;
	[tilespmem:$0x1C080] =	vst v63  }
0x65: {  	s10 =	rddreg [dreg:$0x14];
	v3 =	vadd.s32 v1, v3  }
0x66: {  	[hbm4b:s4+s2] =	stream.indirect_vreg.scatter [tilespmem:s10], [sflag:$0x1], $0x80, v4, vm0, $0xb8;
	[tilespmem:$0x1C080] =	vst v63  }
0x67: {  	s0 =	rddreg [dreg:$0x15]  }
0x68: {  	[hbm4b:s5+s2] =	stream.indirect_vreg.scatter [tilespmem:s0], [sflag:$0x1], $0x80, v4, vm0, $0xb8;
	[tilespmem:$0x1C080] =	vst v63  }
0x69: {  	s10 =	rddreg [dreg:$0x16]  }
0x6a: {  	[hbm4b:s3+s2] =	stream.indirect_vreg.scatter [tilespmem:s10], [sflag:$0x1], $0x80, v3, vm0, $0xb8;
	[tilespmem:$0x1C080] =	vst v63  }
0x6b: {  	s0 =	rddreg [dreg:$0x17]  }
0x6c: {  	[hbm4b:s4+s2] =	stream.indirect_vreg.scatter [tilespmem:s0], [sflag:$0x1], $0x80, v3, vm0, $0xb8;
	[tilespmem:$0x1C080] =	vst v63  }
0x6d: {  	s10 =	rddreg [dreg:$0x18]  }
0x6e: {  	[hbm4b:s5+s2] =	stream.indirect_vreg.scatter [tilespmem:s10], [sflag:$0x1], $0x80, v3, vm0, $0xb8;
	[tilespmem:$0x1C080] =	vst v63  }
0x6f: {  	v3 =	vld [tilespmem:$0x30];
	_ =	sdelay $0x4  }
0x70: {  	v59 =	vshrl.u32 v3, $0x3  }
0x71: {  	v4 =	vmul.u32 $0x30, v59  }
0x72: {  	v3 =	vand.u32 $0x7, v3  }
0x73: {  	v3 =	vor.u32 v3, v4  }
0x74: {  	v4 =	vperm.xlane v3, v0;
	_ =	sdelay $0x1  }
0x75: {  	v4 =	vadd.s32 v1, v4;
	_ =	sdelay $0x3  }
0x76: {  	s0 =	rddreg [dreg:$0x19];
	v3 =	vperm.xlane v3, v2  }
0x77: {  	[hbm4b:s3+s2] =	stream.indirect_vreg.scatter [tilespmem:s0], [sflag:$0x1], $0x80, v4, vm0, $0xb8;
	[tilespmem:$0x1C080] =	vst v63  }
0x78: {  	s10 =	rddreg [dreg:$0x1a];
	v3 =	vadd.s32 v1, v3  }
0x79: {  	[hbm4b:s4+s2] =	stream.indirect_vreg.scatter [tilespmem:s10], [sflag:$0x1], $0x80, v4, vm0, $0xb8;
	[tilespmem:$0x1C080] =	vst v63  }
0x7a: {  	s0 =	rddreg [dreg:$0x1b]  }
0x7b: {  	[hbm4b:s5+s2] =	stream.indirect_vreg.scatter [tilespmem:s0], [sflag:$0x1], $0x80, v4, vm0, $0xb8;
	[tilespmem:$0x1C080] =	vst v63  }
0x7c: {  	s10 =	rddreg [dreg:$0x1c]  }
0x7d: {  	[hbm4b:s3+s2] =	stream.indirect_vreg.scatter [tilespmem:s10], [sflag:$0x1], $0x80, v3, vm0, $0xb8;
	[tilespmem:$0x1C080] =	vst v63  }
0x7e: {  	s0 =	rddreg [dreg:$0x1d]  }
0x7f: {  	[hbm4b:s4+s2] =	stream.indirect_vreg.scatter [tilespmem:s0], [sflag:$0x1], $0x80, v3, vm0, $0xb8;
	[tilespmem:$0x1C080] =	vst v63  }
0x80: {  	s10 =	rddreg [dreg:$0x1e]  }
0x81: {  	[hbm4b:s5+s2] =	stream.indirect_vreg.scatter [tilespmem:s10], [sflag:$0x1], $0x80, v3, vm0, $0xb8;
	[tilespmem:$0x1C080] =	vst v63  }
0x82: {  	v3 =	vld [tilespmem:$0x40];
	_ =	sdelay $0x4  }
0x83: {  	v60 =	vshrl.u32 v3, $0x3  }
0x84: {  	v4 =	vmul.u32 $0x30, v60  }
0x85: {  	v3 =	vand.u32 $0x7, v3  }
0x86: {  	v3 =	vor.u32 v3, v4  }
0x87: {  	v4 =	vperm.xlane v3, v0;
	_ =	sdelay $0x1  }
0x88: {  	v4 =	vadd.s32 v1, v4;
	_ =	sdelay $0x2  }
0x89: {  	s0 =	rddreg [dreg:$0x1f]  }
0x8a: {  	s10 =	sld [smem:$0x7FB];
	v3 =	vperm.xlane v3, v2  }
0x8b: {  	[hbm4b:s3+s2] =	stream.indirect_vreg.scatter [tilespmem:s0], [sflag:$0x1], $0x80, v4, vm0, $0xb8;
	[tilespmem:$0x1C080] =	vst v63  }
0x8c: {  	v3 =	vadd.s32 v1, v3;
	s0 =	sld [smem:$0x7FC]  }
0x8d: {  	[hbm4b:s4+s2] =	stream.indirect_vreg.scatter [tilespmem:s10], [sflag:$0x1], $0x80, v4, vm0, $0xb8;
	[tilespmem:$0x1C080] =	vst v63  }
0x8e: {  	s10 =	sld [smem:$0x7FD]  }
0x8f: {  	[hbm4b:s5+s2] =	stream.indirect_vreg.scatter [tilespmem:s0], [sflag:$0x1], $0x80, v4, vm0, $0xb8;
	[tilespmem:$0x1C080] =	vst v63  }
0x90: {  	_ = 	snop  }
0x91: {  	[hbm4b:s3+s2] =	stream.indirect_vreg.scatter [tilespmem:s10], [sflag:$0x1], $0x80, v3, vm0, $0xb8;
	[tilespmem:$0x1C080] =	vst v63  }
0x92: {  	s10 =	simm.s32 $0xE080  }
0x93: {  	[hbm4b:s4+s2] =	stream.indirect_vreg.scatter [tilespmem:s10], [sflag:$0x1], $0x80, v3, vm0, $0xb8;
	[tilespmem:$0x1C080] =	vst v63  }
0x94: {  	_ = 	snop  }
0x95: {  	[hbm4b:s5+s2] =	stream.indirect_vreg.scatter [tilespmem:s11], [sflag:$0x1], $0x80, v3, vm0, $0xb8;
	[tilespmem:$0x1C080] =	vst v63  }
0x96: {  	v3 =	vld [tilespmem:$0x50];
	_ =	sdelay $0x4  }
0x97: {  	v61 =	vshrl.u32 v3, $0x3  }
0x98: {  	v4 =	vmul.u32 $0x30, v61  }
0x99: {  	v3 =	vand.u32 $0x7, v3  }
0x9a: {  	v3 =	vor.u32 v3, v4  }
0x9b: {  	v4 =	vperm.xlane v3, v0;
	_ =	sdelay $0x1  }
0x9c: {  	v4 =	vadd.s32 v1, v4;
	_ =	sdelay $0x3  }
0x9d: {  	v3 =	vperm.xlane v3, v2  }
0x9e: {  	[hbm4b:s3+s2] =	stream.indirect_vreg.scatter [tilespmem:s12], [sflag:$0x1], $0x80, v4, vm0, $0xb8;
	[tilespmem:$0x1C080] =	vst v63  }
0x9f: {  	v3 =	vadd.s32 v1, v3  }
0xa0: {  	[hbm4b:s4+s2] =	stream.indirect_vreg.scatter [tilespmem:s13], [sflag:$0x1], $0x80, v4, vm0, $0xb8;
	[tilespmem:$0x1C080] =	vst v63  }
0xa1: {  	_ = 	snop  }
0xa2: {  	[hbm4b:s5+s2] =	stream.indirect_vreg.scatter [tilespmem:s14], [sflag:$0x1], $0x80, v4, vm0, $0xb8;
	[tilespmem:$0x1C080] =	vst v63  }
0xa3: {  	_ = 	snop  }
0xa4: {  	[hbm4b:s3+s2] =	stream.indirect_vreg.scatter [tilespmem:s15], [sflag:$0x1], $0x80, v3, vm0, $0xb8;
	[tilespmem:$0x1C080] =	vst v63  }
0xa5: {  	_ = 	snop  }
0xa6: {  	[hbm4b:s4+s2] =	stream.indirect_vreg.scatter [tilespmem:s16], [sflag:$0x1], $0x80, v3, vm0, $0xb8;
	[tilespmem:$0x1C080] =	vst v63  }
0xa7: {  	_ = 	snop  }
0xa8: {  	[hbm4b:s5+s2] =	stream.indirect_vreg.scatter [tilespmem:s17], [sflag:$0x1], $0x80, v3, vm0, $0xb8;
	[tilespmem:$0x1C080] =	vst v63  }
0xa9: {  	v3 =	vld [tilespmem:$0x60];
	_ =	sdelay $0x4  }
0xaa: {  	v62 =	vshrl.u32 v3, $0x3  }
0xab: {  	v4 =	vmul.u32 $0x30, v62  }
0xac: {  	v3 =	vand.u32 $0x7, v3  }
0xad: {  	v3 =	vor.u32 v3, v4  }
0xae: {  	v4 =	vperm.xlane v3, v0;
	_ =	sdelay $0x1  }
0xaf: {  	v4 =	vadd.s32 v1, v4;
	_ =	sdelay $0x3  }
0xb0: {  	v3 =	vperm.xlane v3, v2  }
0xb1: {  	[hbm4b:s3+s2] =	stream.indirect_vreg.scatter [tilespmem:s18], [sflag:$0x1], $0x80, v4, vm0, $0xb8;
	[tilespmem:$0x1C080] =	vst v63  }
0xb2: {  	v3 =	vadd.s32 v1, v3  }
0xb3: {  	[hbm4b:s4+s2] =	stream.indirect_vreg.scatter [tilespmem:s19], [sflag:$0x1], $0x80, v4, vm0, $0xb8;
	[tilespmem:$0x1C080] =	vst v63  }
0xb4: {  	_ = 	snop  }
0xb5: {  	[hbm4b:s5+s2] =	stream.indirect_vreg.scatter [tilespmem:s20], [sflag:$0x1], $0x80, v4, vm0, $0xb8;
	[tilespmem:$0x1C080] =	vst v63  }
0xb6: {  	_ = 	snop  }
0xb7: {  	[hbm4b:s3+s2] =	stream.indirect_vreg.scatter [tilespmem:s21], [sflag:$0x1], $0x80, v3, vm0, $0xb8;
	[tilespmem:$0x1C080] =	vst v63  }
0xb8: {  	_ = 	snop  }
0xb9: {  	[hbm4b:s4+s2] =	stream.indirect_vreg.scatter [tilespmem:s22], [sflag:$0x1], $0x80, v3, vm0, $0xb8;
	[tilespmem:$0x1C080] =	vst v63  }
0xba: {  	_ = 	snop  }
0xbb: {  	[hbm4b:s5+s2] =	stream.indirect_vreg.scatter [tilespmem:s23], [sflag:$0x1], $0x80, v3, vm0, $0xb8;
	[tilespmem:$0x1C080] =	vst v63  }
0xbc: {  	v3 =	vld [tilespmem:$0x70];
	_ =	sdelay $0x4  }
0xbd: {  	v63 =	vshrl.u32 v3, $0x3  }
0xbe: {  	v4 =	vmul.u32 $0x30, v63  }
0xbf: {  	v3 =	vand.u32 $0x7, v3  }
0xc0: {  	v3 =	vor.u32 v3, v4  }
0xc1: {  	v4 =	vperm.xlane v3, v0;
	_ =	sdelay $0x1  }
0xc2: {  	v4 =	vadd.s32 v1, v4;
	_ =	sdelay $0x3  }
0xc3: {  	v3 =	vperm.xlane v3, v2  }
0xc4: {  	[hbm4b:s3+s2] =	stream.indirect_vreg.scatter [tilespmem:s24], [sflag:$0x1], $0x80, v4, vm0, $0xb8;
	[tilespmem:$0x1C080] =	vst v63  }
0xc5: {  	v3 =	vadd.s32 v1, v3  }
0xc6: {  	[hbm4b:s4+s2] =	stream.indirect_vreg.scatter [tilespmem:s25], [sflag:$0x1], $0x80, v4, vm0, $0xb8;
	[tilespmem:$0x1C080] =	vst v63  }
0xc7: {  	_ = 	snop  }
0xc8: {  	[hbm4b:s5+s2] =	stream.indirect_vreg.scatter [tilespmem:s26], [sflag:$0x1], $0x80, v4, vm0, $0xb8;
	[tilespmem:$0x1C080] =	vst v63  }
0xc9: {  	_ = 	snop  }
0xca: {  	[hbm4b:s3+s2] =	stream.indirect_vreg.scatter [tilespmem:s28], [sflag:$0x1], $0x80, v3, vm0, $0xb8;
	[tilespmem:$0x1C080] =	vst v63  }
0xcb: {  	_ = 	snop  }
0xcc: {  	[hbm4b:s4+s2] =	stream.indirect_vreg.scatter [tilespmem:s29], [sflag:$0x1], $0x80, v3, vm0, $0xb8;
	[tilespmem:$0x1C080] =	vst v63  }
0xcd: {  	_ = 	snop  }
0xce: {  	[hbm4b:s5+s2] =	stream.indirect_vreg.scatter [tilespmem:s30], [sflag:$0x1], $0x80, v3, vm0, $0xb8;
	[tilespmem:$0x1C080] =	vst v63  }
0xcf: {  	s10 =	rddreg [dreg:$0x4]  }
0xd0: {  	[hbm4b:s10+s8] =	stream.indirect.scatter [tilespmem:s9], [sflag:$0x2], $0x80, s2, s8, $0xb8;
	[tilespmem:$0x1C080] =	vst v63  }
0xd1: {  	p0 =	sne.s32 s6, $0x1;
	_ =	swait.ge [sflag:s31], $0x18000  }
.Ltmp0:
0xd2: {  	[sflag:s31] =	ssyncset.done $0x0;
	(pc) =	sbr.rel @p0 .LBB2_1-.Ltmp0, $4  }
0xd3: {  	[sflag:s31] =	ssyncadd.s32 $0xFFFE8000  }
0xd4: {  	_ =	swait.ge [sflag:s1], $0x4000  }
0xd5: {  	[sflag:s1] =	ssyncset.done $0x0  }
0xd6: {  	s6 =	sadd.s32 $0xFFFFFFFF, s6;
	[sflag:s1] =	ssyncadd.s32 $0xFFFFC000  }
0xd7: {  	_ =	sfence.sel $0x180000  }
0xd8: {  	[bflag:$0x0] =	sbarrier.arrive $0xFFFF  }
0xd9: {  	_ =	strace $0x90000047  }
0xda: {  	s0 =	stileid.u32;
	[bflag:$0x2] =	sbarrier.arrive $0xFFFF  }
0xdb: {  	p0 =	sne.s32 s0, $0x0;
	s0 =	rddreg [dreg:$0x3]  }
0xdc: {  	s0 =	sadd.s32 @!p0 $0x100000, s0  }
0xdd: {  	[sflag:s0] =	ssyncadd.tile.s32 @!p0 $0x1;
	_ =	shalt  }
.Lfunc_end2:
_tile_overlayer_lowered:
.L_overlay_start_2:
0xde: {  	(tag) =	ssettag $0x2  }
0xdf: {  	s0 =	rddreg [dreg:$0x0];
	s2 =	stileid.u32  }
0xe0: {  	s1 =	rddreg [dreg:$0x1];
	p0 =	sne.s32 s2, $0x0  }
0xe1: {  	s3 =	rddreg [dreg:$0x2];
	[bflag:$0x3] =	sbarrier.arrive $0xFFFF;
	s2 =	simm.s32 @!p0 $0x1C03  }
0xe2: {  	[timem:s3], [sflag:s2] =	dma.local @!p0 [hbm:s0], s1  }
0xe3: {  	s0 =	simm.s32 @!p0 $0x3  }
0xe4: {  	_ =	swait.ge @!p0 [sflag:s0], s1  }
0xe5: {  	s1 =	ssub.s32 @!p0 $0x0, s1;
	[sflag:s0] =	ssyncset.done @!p0 $0x0  }
0xe6: {  	[sflag:s0] =	ssyncadd.s32 @!p0 s1  }
0xe7: {  	[bflag:$0x3] =	sbarrier.arrive $0xFFFF  }
0xe8: {  	_ =	shalt  }

// kernel: kernel.9.cloned.1.call-start
scs
__scs_entry_jumppad:
0x0: {  	(pc) =	sbr.rel $0x88, $3  }
0x1: {  	(tag) =	ssettag $0x0;
	lr =	simm.s32 $0x1  }
0x2: {  	[smem:$0x3F96] =	sst lr;
	_ =	strace $0xD0000000  }
0x3: {  	_ = 	snop  }
0x4: {  	_ = 	snop  }
0x5: {  	_ = 	snop  }
0x6: {  	_ = 	snop  }
0x7: {  	_ = 	snop  }
__scs_overlays_trampoline_lowered:
0x8: {  	[smem:$0x3FA5] =	sst s0  }
0x9: {  	[smem:$0x3FA6] =	sst s1  }
0xa: {  	[smem:$0x3FA7] =	sst s2  }
0xb: {  	[smem:$0x3FA8] =	sst s3  }
0xc: {  	[smem:$0x3FA9] =	sst s4  }
0xd: {  	[smem:$0x3FAA] =	sst s5  }
0xe: {  	[smem:$0x3FAB] =	sst s6  }
0xf: {  	[smem:$0x3FAC] =	sst s7  }
0x10: {  	[smem:$0x3FAD] =	sst s8  }
0x11: {  	[smem:$0x3FAE] =	sst s9;
	s0 =	simm.s32 @!p0 $0x0  }
0x12: {  	s1 =	sld [smem:$0x3F94];
	s0 =	simm.s32 @p0 $0x1  }
0x13: {  	[smem:$0x3FAF] =	sst s0;
	s0 =	simm.s32 @!p1 $0x0  }
0x14: {  	s2 =	sld [smem:$0x3F93];
	s0 =	simm.s32 @p1 $0x1  }
0x15: {  	[smem:$0x3FB0] =	sst s0;
	s0 =	simm.s32 @!p2 $0x0  }
0x16: {  	s3 =	sld [smem:$0x3FDB];
	s0 =	simm.s32 @p2 $0x1  }
0x17: {  	s4 =	simm.s32 $0x1BF5;
	[smem:$0x3FB2] =	sst s0  }
0x18: {  	s0 =	sld [smem:$0x3F95];
	_ =	swait.ge [sflag:s4], $0x0  }
0x19: {  	s7 =	sld [smem:$0x3F96]  }
0x1a: {  	s8 =	sadd.s32 $0xFFFFE003, lr  }
0x1b: {  	s9 =	sadd.s32 $0xFFFFFEF7, lr;
	s5 =	simm.s32 $0xFFFFFFFF;
	p2 =	slt.u32 s8, $0xFFFFF086  }
0x1c: {  	p1 =	slt.u32 s9, $0xF7A;
	s5 =	simm.s32 @!p2 $0x0  }
0x1d: {  	s5 =	simm.s32 @p1 $0x1;
	p0 =	seq.s32 s7, s2  }
0x1e: {  	s7 =	smul.u32 @!p0 $0xF7A, s2;
	p2 =	seq.s32 @!p0 s5, $0x0  }
0x1f: {  	s9 =	smul.u32 $0xF7A, s1;
	s8 =	simm.s32 @!p0 $0x1BF5;
	p2 =	por !p2, p0  }
0x20: {  	[sflag:s8] =	ssyncset.s32 @!p0 $0xFFFFF086;
	s6 =	sadd.s32 @!p0 s3, s7;
	s7 =	simm.s32 @!p0 $0x108  }
0x21: {  	s3 =	sadd.s32 s3, s9;
	s6 =	sadd.s32 @!p0 $0x88, s6;
	s7 =	simm.s32 @p2 $0x1082  }
0x22: {  	[simem:s7], [sflag:s8] =	dma.local @!p0 [hbm:s6], $0xF7A  }
0x23: {  	s9 =	sor.u32 $0xD0000000, s2;
	s6 =	simm.s32 $0x108;
	_ =	swait.ge @!p0 [sflag:s8], $0x0  }
0x24: {  	s3 =	sadd.s32 $0x88, s3;
	s6 =	simm.s32 @!p1 $0x1082;
	[sflag:s4] =	ssyncset.s32 $0xFFFFF086  }
0x25: {  	[simem:s6], [sflag:s4] =	dma.local [hbm:s3], $0xF7A  }
0x26: {  	[smem:$0x3F96] =	sst s1;
	(tag) =	ssettag s2;
	_ =	strace s9  }
0x27: {  	s1 =	sld [smem:$0x3FA6]  }
0x28: {  	s2 =	sld [smem:$0x3FA7]  }
0x29: {  	s4 =	sld [smem:$0x3FA9]  }
0x2a: {  	p0 =	seq.s32 s5, $0x0;
	s5 =	sld [smem:$0x3FAA]  }
0x2b: {  	s6 =	sld [smem:$0x3FAB]  }
0x2c: {  	s7 =	sld [smem:$0x3FAC]  }
0x2d: {  	s3 =	simm.s32 $0x108;
	s8 =	sld [smem:$0x3FAD]  }
0x2e: {  	s3 =	simm.s32 @!p0 $0x1082;
	s9 =	sld [smem:$0x3FAE]  }
0x2f: {  	lr =	sadd.s32 s0, s3;
	s0 =	sld [smem:$0x3FA5]  }
0x30: {  	s3 =	sld [smem:$0x3FA8]  }
0x31: {  	[smem:$0x3FB1] =	sst s10  }
0x32: {  	s10 =	sld [smem:$0x3FAF];
	_ =	sdelay $0x3  }
0x33: {  	p0 =	seq.s32 s10, $0x1;
	s10 =	sld [smem:$0x3FB1];
	_ =	sdelay $0x3  }
0x34: {  	[smem:$0x3FB1] =	sst s10  }
0x35: {  	s10 =	sld [smem:$0x3FB0];
	_ =	sdelay $0x3  }
0x36: {  	p1 =	seq.s32 s10, $0x1;
	s10 =	sld [smem:$0x3FB1];
	_ =	sdelay $0x3  }
0x37: {  	[smem:$0x3FB1] =	sst s10  }
0x38: {  	s10 =	sld [smem:$0x3FB2]  }
0x39: {  	_ = 	snop;
	(pc) =	sbr.ind lr, $3  }
0x3a: {  	_ = 	snop  }
0x3b: {  	_ = 	snop  }
0x3c: {  	p2 =	seq.s32 s10, $0x1;
	s10 =	sld [smem:$0x3FB1]  }
0x3d: {  	_ =	shalt  }
0x3e: {  	_ =	shalt  }
0x3f: {  	_ =	shalt  }
0x40: {  	_ =	shalt  }
0x41: {  	_ =	shalt  }
0x42: {  	_ =	shalt  }
0x43: {  	_ =	shalt  }
0x44: {  	_ =	shalt  }
0x45: {  	_ =	shalt  }
0x46: {  	_ =	shalt  }
0x47: {  	_ =	shalt  }
0x48: {  	_ =	shalt  }
0x49: {  	_ =	shalt  }
0x4a: {  	_ =	shalt  }
0x4b: {  	_ =	shalt  }
0x4c: {  	_ =	shalt  }
0x4d: {  	_ =	shalt  }
0x4e: {  	_ =	shalt  }
0x4f: {  	_ =	shalt  }
0x50: {  	_ =	shalt  }
0x51: {  	_ =	shalt  }
0x52: {  	_ =	shalt  }
0x53: {  	_ =	shalt  }
0x54: {  	_ =	shalt  }
0x55: {  	_ =	shalt  }
0x56: {  	_ =	shalt  }
0x57: {  	_ =	shalt  }
0x58: {  	_ =	shalt  }
0x59: {  	_ =	shalt  }
0x5a: {  	_ =	shalt  }
0x5b: {  	_ =	shalt  }
0x5c: {  	_ =	shalt  }
0x5d: {  	_ =	shalt  }
0x5e: {  	_ =	shalt  }
0x5f: {  	_ =	shalt  }
0x60: {  	_ =	shalt  }
0x61: {  	_ =	shalt  }
0x62: {  	_ =	shalt  }
0x63: {  	_ =	shalt  }
0x64: {  	_ =	shalt  }
0x65: {  	_ =	shalt  }
0x66: {  	_ =	shalt  }
0x67: {  	_ =	shalt  }
0x68: {  	_ =	shalt  }
0x69: {  	_ =	shalt  }
0x6a: {  	_ =	shalt  }
0x6b: {  	_ =	shalt  }
0x6c: {  	_ =	shalt  }
0x6d: {  	_ =	shalt  }
0x6e: {  	_ =	shalt  }
0x6f: {  	_ =	shalt  }
0x70: {  	_ =	shalt  }
0x71: {  	_ =	shalt  }
0x72: {  	_ =	shalt  }
0x73: {  	_ =	shalt  }
0x74: {  	_ =	shalt  }
0x75: {  	_ =	shalt  }
0x76: {  	_ =	shalt  }
0x77: {  	_ =	shalt  }
0x78: {  	_ =	shalt  }
0x79: {  	_ =	shalt  }
0x7a: {  	_ =	shalt  }
0x7b: {  	_ =	shalt  }
0x7c: {  	_ =	shalt  }
0x7d: {  	_ =	shalt  }
0x7e: {  	_ =	shalt  }
0x7f: {  	_ =	shalt  }
0x80: {  	_ =	shalt  }
0x81: {  	_ =	shalt  }
0x82: {  	_ =	shalt  }
0x83: {  	_ =	shalt  }
0x84: {  	_ =	shalt  }
0x85: {  	_ =	shalt  }
0x86: {  	_ =	shalt  }
0x87: {  	_ =	shalt  }
.Lfunc_end0:
.L_simem_size_0:
called_computation.1_lowered:
.L_overlay_start_0:
0x88: {  	s2 =	sld [smem:$0x3FD9]  }
0x89: {  	s3 =	sld [smem:$0x3FFE];
	_ =	sdelay $0x1  }
0x8a: {  	s1 =	srdreg.scid  }
0x8b: {  	s0 =	sand.u32 $0x1, s1  }
0x8c: {  	s14 =	sshll.u32 s0, $0xA;
	s2 =	sadd.s32 s3, s2  }
0x8d: {  	s2 =	sadd.s32 s2, s14  }
0x8e: {  	[smem:$0x3FBD] =	sst s2  }
0x8f: {  	_ = 	snop  }
0x90: {  	s2 =	sld [smem:$0x3FD0];
	_ =	sdelay $0x2  }
0x91: {  	s15 =	simm.s32 $0xA;
	s4 =	simm.s32 $0x10  }
0x92: {  	[smem:s4], [sflag:s15] =	dma.local [hbm:s2], $0x1  }
0x93: {  	_ =	swait.eq [sflag:s15], $0x1  }
0x94: {  	[sflag:s15] =	ssyncset.done $0x0  }
0x95: {  	[sflag:s15] =	ssyncadd.s32 $0xFFFFFFFF  }
0x96: {  	s16 =	sld [smem:$0x10];
	(tm) =	ssettm $0x1  }
0x97: {  	s17 =	sld [smem:$0x3FFB];
	_ =	sdelay $0x3  }
0x98: {  	_ =	strace s17  }
0x99: {  	s3 =	sld [smem:$0x3FFC];
	_ =	sdelay $0x3  }
0x9a: {  	_ =	strace s3  }
0x9b: {  	s3 =	sld [smem:$0x3FFD];
	_ =	sdelay $0x3  }
0x9c: {  	_ =	strace s3  }
0x9d: {  	_ =	strace $0x8FFFFFFF  }
0x9e: {  	s18 =	sld [smem:$0x3FDB];
	_ =	sdelay $0x1  }
0x9f: {  	s19 =	simm.s32 $_scs_section_size  }
0xa0: {  	s5 =	simm.s32 $_size__tile_overlayer_lowered;
	s6 =	simm.s32 $_tile_overlayer_lowered  }
0xa1: {  	s22 =	simm.s32 $0x1BFF;
	s21 =	sshll.u32 s6, $0x1;
	s3 =	sadd.s32 s19, s18  }
0xa2: {  	s7 =	simm.s32 $0x0;
	s20 =	sshll.u32 s5, $0x1;
	s5 =	sadd.s32 s21, s3  }
0xa3: {  	[timem:s7], [sflag:s22] =	dma.local [hbm:s5], s20  }
0xa4: {  	_ =	swait.ge [sflag:s22], s20  }
0xa5: {  	s4 =	ssub.s32 $0x0, s20;
	[sflag:s22] =	ssyncset.done $0x0  }
0xa6: {  	[sflag:s22] =	ssyncadd.s32 s4;
	_ =	sdelay $0x1  }
0xa7: {  	s23 =	simm.s32 $0x1B8B  }
0xa8: {  	_ =	swait.ge [sflag:s23], $0x1  }
0xa9: {  	[sflag:s23] =	ssyncset.done $0x0  }
0xaa: {  	s25 =	simm.s32 $0x1B8E;
	s24 =	sld [smem:$0x3FFE];
	[sflag:s23] =	ssyncadd.s32 $0xFFFFFFFF  }
0xab: {  	s26 =	simm.s32 $execute0_lowered;
	[smem:$0x3FD2] =	sst s25  }
0xac: {  	s5 =	sshll.u32 s26, $0x1;
	_ =	strace $0x80000049;
	[dreg:$0x1] =	wrdreg $0xFFFFFFFF  }
0xad: {  	s28 =	simm.s32 $_size_execute0_lowered;
	s3 =	sadd.s32 s3, s5;
	[dreg:$0x0] =	wrdreg $0x0  }
0xae: {  	s5 =	sshll.u32 s28, $0x1;
	[dreg:$0x2] =	wrdreg s3  }
0xaf: {  	[dreg:$0x3] =	wrdreg s5  }
0xb0: {  	[dreg:$0x4] =	wrdreg $0xC0  }
0xb1: {  	_ =	task [dreg:s7], $0x5FFFF  }
0xb2: {  	[dreg:$0x1] =	wrdreg $0xFFFFFFFF  }
0xb3: {  	[dreg:$0x0] =	wrdreg $0x60  }
0xb4: {  	[dreg:$0x2] =	wrdreg s24  }
0xb5: {  	[dreg:$0x3] =	wrdreg s16  }
0xb6: {  	[dreg:$0x4] =	wrdreg $0x9  }
0xb7: {  	_ =	task.clear_ibuf [dreg:s7], $0x5FFFF;
	_ =	strace $0x90000049  }
0xb8: {  	s29 =	simm.s32 $0x9;
	_ =	strace $0x8000004B  }
0xb9: {  	_ =	swait.ge [sflag:s29], $0x1  }
0xba: {  	[sflag:s29] =	ssyncadd.s32 $0xFFFFFFFF  }
0xbb: {  	_ =	strace $0x9000004B  }
0xbc: {  	_ =	sfence  }
0xbd: {  	s30 =	sld [smem:$0x0];
	_ =	sdelay $0x2  }
0xbe: {  	s31 =	sshll.u32 s1, $0xD;
	s1 =	sshrl.u32 s1, $0x2  }
0xbf: {  	s3 =	sand.u32 $0x4000, s31;
	s1 =	sadd.s32 s1, s30  }
0xc0: {  	s0 =	sor.u32 s3, s0;
	s1 =	sshll.u32 s1, $0x11  }
0xc1: {  	s0 =	sor.u32 s1, s0  }
0xc2: {  	s0 =	sadd.s32 $0x8F2B, s0  }
0xc3: {  	[sflag:s0] =	ssyncadd.remote.s32 $0x1  }
0xc4: {  	_ =	sfence.sel $0xFFFF  }
0xc5: {  	[dreg:$0x0] =	wrdreg $0xFFFFFFFF;
	(pc) =	sbr.abs _section_cstart, $3  }
0xc6: {  	[dreg:$0x1] =	wrdreg $0xFFFFFFFF  }
0xc7: {  	_ =	task.clear_ibuf [dreg:s7], $0x2FFFF;
	_ =	strace $0x9FFFFFFF  }
0xc8: {  	(tm) =	ssettm $0x7FFFFFFF  }
0xc9: {  	_ =	shalt  }
tec
execute0_lowered:
.L_overlay_start_1:
0x0: {  	(tag) =	ssettag $0x1  }
0x1: {  	s0 =	rddreg [dreg:$0x0]  }
0x2: {  	s1 =	rddreg [dreg:$0x1]  }
0x3: {  	s2 =	simm.s32 $0x0;
	s6 =	stileid.u32;
	s3 =	srdreg.scid  }
0x4: {  	s13 =	simm.s32 $0xC080;
	s24 =	simm.s32 $0x5080;
	s28 =	simm.s32 $0x6880  }
0x5: {  	s29 =	simm.s32 $0x7080;
	s30 =	simm.s32 $0x7880;
	s31 =	simm.s32 $0x8080  }
0x6: {  	s14 =	simm.s32 $0x9880;
	s15 =	simm.s32 $0xA080;
	s16 =	simm.s32 $0xA880  }
0x7: {  	s17 =	simm.s32 $0xB080;
	s18 =	simm.s32 $0xB880;
	s19 =	simm.s32 $0x1  }
0x8: {  	s20 =	simm.s32 $0x0;
	[smem:$0x7FF] =	sst s2;
	s4 =	sshll.u32 s6, $0x5  }
0x9: {  	s5 =	sand.u32 $0x1, s3;
	s6 =	sshll.u32 s6, $0x1;
	s9 =	sadd.s32 $0x199600, s0  }
0xa: {  	s3 =	sadd.s32 $0xD6600, s0;
	_ =	strace $0x8000004A;
	s4 =	sand.u32 $0x1C0, s4  }
0xb: {  	s6 =	sor.u32 s5, s6;
	s5 =	ssub.s32 $0x2, s5;
	s4 =	sadd.s32 s4, s0  }
0xc: {  	s7 =	sshll.u32 s6, $0x4;
	s8 =	smul.u32 $0x18000, s6;
	s10 =	sshrl.u32 s5, $0x1  }
0xd: {  	s11 =	smul.u32 $0x3000, s6;
	s6 =	sadd.s32 $0xD6700, s0;
	s7 =	sand.u32 $0x30, s7  }
0xe: {  	s12 =	ssub.s32 s5, s10;
	s4 =	sadd.s32 s7, s4;
	s25 =	sshrl.u32 s8, $0x3  }
0xf: {  	s26 =	sadd.s32 s9, s11;
	s7 =	sadd.s32 $0xD6800, s0;
	s8 =	sadd.s32 s1, s11  }
0x10: {  	s11 =	smax.u32 s12, $0x1;
	s12 =	simm.s32 $0x2;
	s0 =	simm.s32 $0x8880  }
0x11: {  	v2 =	vlaneseq.u32;
	s4 =	sadd.s32 $0x13200, s4;
	[dreg:$0x4] =	wrdreg s26;
	s26 =	simm.s32 $0x6080  }
0x12: {  	vm0 =	vmmov $0xffff;
	v1 =	vshrl.u32 v2, $0x3;
	[dreg:$0x3] =	wrdreg s4;
	s4 =	sadd.s32 $0x1800, s25;
	s25 =	simm.s32 $0x5880  }
0x13: {  	v0 =	vand.u32 $0x7, v2;
	v2 =	vor.u32 $0x8, v2;
	v1 =	vmul.u32 $0x8, v1;
	s9 =	sadd.s32 s9, s4;
	s10 =	sadd.s32 s1, s4;
	s1 =	simm.s32 $0x9080  }
.LBB2_1:
0x14: {  	s4 =	rddreg [dreg:$0x3]  }
0x15: {  	[tilespmem:s2], [sflag:$0x2] =	stream.linear.gather [hbm4b:s4+s2], $0x80, $0x38;
	[tilespmem:$0x18080] =	vst v63  }
0x16: {  	_ =	swait.ge [sflag:s12], $0x80  }
0x17: {  	[sflag:s12] =	ssyncset.done $0x0  }
0x18: {  	s5 =	rddreg [dreg:$0x4];
	[sflag:s12] =	ssyncadd.s32 $0xFFFFFF80  }
0x19: {  	[tilespmem:s13], [sflag:$0x2] =	stream.linear.gather [hbm4b:s5+s2], $0xC000, $0x38;
	[tilespmem:$0x18080] =	vst v63  }
0x1a: {  	_ =	swait.ge [sflag:s12], $0xC000  }
0x1b: {  	[sflag:s12] =	ssyncset.done $0x0  }
0x1c: {  	[sflag:s12] =	ssyncadd.s32 $0xFFFF4000  }
0x1d: {  	v3 =	vld [tilespmem:$0x0];
	_ =	sdelay $0x4  }
0x1e: {  	v4 =	vshrl.u32 v3, $0x3  }
0x1f: {  	v4 =	vmul.u32 $0x30, v4  }
0x20: {  	v3 =	vand.u32 $0x7, v3  }
0x21: {  	v3 =	vor.u32 v3, v4  }
0x22: {  	v4 =	vperm.xlane v3, v0;
	_ =	sdelay $0x1  }
0x23: {  	v4 =	vadd.s32 v1, v4;
	_ =	sdelay $0x3  }
0x24: {  	s21 =	simm.s32 $0x80;
	v3 =	vperm.xlane v3, v2  }
0x25: {  	[tilespmem:s21], [sflag:$0x1] =	stream.indirect_vreg.gather [hbm4b:s3+s2], $0x80, v4, vm0, $0xb8;
	[tilespmem:$0x18080] =	vst v63  }
0x26: {  	s22 =	simm.s32 $0x880;
	v3 =	vadd.s32 v1, v3  }
0x27: {  	[tilespmem:s22], [sflag:$0x1] =	stream.indirect_vreg.gather [hbm4b:s6+s2], $0x80, v4, vm0, $0xb8;
	[tilespmem:$0x18080] =	vst v63  }
0x28: {  	s23 =	simm.s32 $0x1080  }
0x29: {  	[tilespmem:s23], [sflag:$0x1] =	stream.indirect_vreg.gather [hbm4b:s7+s2], $0x80, v4, vm0, $0xb8;
	[tilespmem:$0x18080] =	vst v63  }
0x2a: {  	s5 =	simm.s32 $0x1880  }
0x2b: {  	[tilespmem:s5], [sflag:$0x1] =	stream.indirect_vreg.gather [hbm4b:s3+s2], $0x80, v3, vm0, $0xb8;
	[tilespmem:$0x18080] =	vst v63  }
0x2c: {  	s21 =	simm.s32 $0x2080  }
0x2d: {  	[tilespmem:s21], [sflag:$0x1] =	stream.indirect_vreg.gather [hbm4b:s6+s2], $0x80, v3, vm0, $0xb8;
	[tilespmem:$0x18080] =	vst v63  }
0x2e: {  	s22 =	simm.s32 $0x2880  }
0x2f: {  	[tilespmem:s22], [sflag:$0x1] =	stream.indirect_vreg.gather [hbm4b:s7+s2], $0x80, v3, vm0, $0xb8;
	[tilespmem:$0x18080] =	vst v63  }
0x30: {  	v3 =	vld [tilespmem:$0x10];
	_ =	sdelay $0x4  }
0x31: {  	v4 =	vshrl.u32 v3, $0x3  }
0x32: {  	v4 =	vmul.u32 $0x30, v4  }
0x33: {  	v3 =	vand.u32 $0x7, v3  }
0x34: {  	v3 =	vor.u32 v3, v4  }
0x35: {  	v4 =	vperm.xlane v3, v0;
	_ =	sdelay $0x1  }
0x36: {  	v4 =	vadd.s32 v1, v4;
	_ =	sdelay $0x3  }
0x37: {  	s23 =	simm.s32 $0x3080;
	v3 =	vperm.xlane v3, v2  }
0x38: {  	[tilespmem:s23], [sflag:$0x1] =	stream.indirect_vreg.gather [hbm4b:s3+s2], $0x80, v4, vm0, $0xb8;
	[tilespmem:$0x18080] =	vst v63  }
0x39: {  	s5 =	simm.s32 $0x3880;
	v3 =	vadd.s32 v1, v3  }
0x3a: {  	[tilespmem:s5], [sflag:$0x1] =	stream.indirect_vreg.gather [hbm4b:s6+s2], $0x80, v4, vm0, $0xb8;
	[tilespmem:$0x18080] =	vst v63  }
0x3b: {  	s21 =	simm.s32 $0x4080  }
0x3c: {  	[tilespmem:s21], [sflag:$0x1] =	stream.indirect_vreg.gather [hbm4b:s7+s2], $0x80, v4, vm0, $0xb8;
	[tilespmem:$0x18080] =	vst v63  }
0x3d: {  	s22 =	simm.s32 $0x4880  }
0x3e: {  	[tilespmem:s22], [sflag:$0x1] =	stream.indirect_vreg.gather [hbm4b:s3+s2], $0x80, v3, vm0, $0xb8;
	[tilespmem:$0x18080] =	vst v63  }
0x3f: {  	_ = 	snop  }
0x40: {  	[tilespmem:s24], [sflag:$0x1] =	stream.indirect_vreg.gather [hbm4b:s6+s2], $0x80, v3, vm0, $0xb8;
	[tilespmem:$0x18080] =	vst v63  }
0x41: {  	_ = 	snop  }
0x42: {  	[tilespmem:s25], [sflag:$0x1] =	stream.indirect_vreg.gather [hbm4b:s7+s2], $0x80, v3, vm0, $0xb8;
	[tilespmem:$0x18080] =	vst v63  }
0x43: {  	v3 =	vld [tilespmem:$0x20];
	_ =	sdelay $0x4  }
0x44: {  	v4 =	vshrl.u32 v3, $0x3  }
0x45: {  	v4 =	vmul.u32 $0x30, v4  }
0x46: {  	v3 =	vand.u32 $0x7, v3  }
0x47: {  	v3 =	vor.u32 v3, v4  }
0x48: {  	v4 =	vperm.xlane v3, v0;
	_ =	sdelay $0x1  }
0x49: {  	v4 =	vadd.s32 v1, v4;
	_ =	sdelay $0x3  }
0x4a: {  	v3 =	vperm.xlane v3, v2  }
0x4b: {  	[tilespmem:s26], [sflag:$0x1] =	stream.indirect_vreg.gather [hbm4b:s3+s2], $0x80, v4, vm0, $0xb8;
	[tilespmem:$0x18080] =	vst v63  }
0x4c: {  	v3 =	vadd.s32 v1, v3  }
0x4d: {  	[tilespmem:s28], [sflag:$0x1] =	stream.indirect_vreg.gather [hbm4b:s6+s2], $0x80, v4, vm0, $0xb8;
	[tilespmem:$0x18080] =	vst v63  }
0x4e: {  	_ = 	snop  }
0x4f: {  	[tilespmem:s29], [sflag:$0x1] =	stream.indirect_vreg.gather [hbm4b:s7+s2], $0x80, v4, vm0, $0xb8;
	[tilespmem:$0x18080] =	vst v63  }
0x50: {  	_ = 	snop  }
0x51: {  	[tilespmem:s30], [sflag:$0x1] =	stream.indirect_vreg.gather [hbm4b:s3+s2], $0x80, v3, vm0, $0xb8;
	[tilespmem:$0x18080] =	vst v63  }
0x52: {  	_ = 	snop  }
0x53: {  	[tilespmem:s31], [sflag:$0x1] =	stream.indirect_vreg.gather [hbm4b:s6+s2], $0x80, v3, vm0, $0xb8;
	[tilespmem:$0x18080] =	vst v63  }
0x54: {  	_ = 	snop  }
0x55: {  	[tilespmem:s0], [sflag:$0x1] =	stream.indirect_vreg.gather [hbm4b:s7+s2], $0x80, v3, vm0, $0xb8;
	[tilespmem:$0x18080] =	vst v63  }
0x56: {  	v3 =	vld [tilespmem:$0x30];
	_ =	sdelay $0x4  }
0x57: {  	v4 =	vshrl.u32 v3, $0x3  }
0x58: {  	v4 =	vmul.u32 $0x30, v4  }
0x59: {  	v3 =	vand.u32 $0x7, v3  }
0x5a: {  	v3 =	vor.u32 v3, v4  }
0x5b: {  	v4 =	vperm.xlane v3, v0;
	_ =	sdelay $0x1  }
0x5c: {  	v4 =	vadd.s32 v1, v4;
	_ =	sdelay $0x3  }
0x5d: {  	v3 =	vperm.xlane v3, v2  }
0x5e: {  	[tilespmem:s1], [sflag:$0x1] =	stream.indirect_vreg.gather [hbm4b:s3+s2], $0x80, v4, vm0, $0xb8;
	[tilespmem:$0x18080] =	vst v63  }
0x5f: {  	v3 =	vadd.s32 v1, v3  }
0x60: {  	[tilespmem:s14], [sflag:$0x1] =	stream.indirect_vreg.gather [hbm4b:s6+s2], $0x80, v4, vm0, $0xb8;
	[tilespmem:$0x18080] =	vst v63  }
0x61: {  	_ = 	snop  }
0x62: {  	[tilespmem:s15], [sflag:$0x1] =	stream.indirect_vreg.gather [hbm4b:s7+s2], $0x80, v4, vm0, $0xb8;
	[tilespmem:$0x18080] =	vst v63  }
0x63: {  	_ = 	snop  }
0x64: {  	[tilespmem:s16], [sflag:$0x1] =	stream.indirect_vreg.gather [hbm4b:s3+s2], $0x80, v3, vm0, $0xb8;
	[tilespmem:$0x18080] =	vst v63  }
0x65: {  	_ = 	snop  }
0x66: {  	[tilespmem:s17], [sflag:$0x1] =	stream.indirect_vreg.gather [hbm4b:s6+s2], $0x80, v3, vm0, $0xb8;
	[tilespmem:$0x18080] =	vst v63  }
0x67: {  	s23 =	simm.s32 $0x0  }
0x68: {  	[tilespmem:s18], [sflag:$0x1] =	stream.indirect_vreg.gather [hbm4b:s7+s2], $0x80, v3, vm0, $0xb8;
	[tilespmem:$0x18080] =	vst v63  }
0x69: {  	s4 =	smul.u32 $0x1800, s23;
	_ =	swait.ge [sflag:s19], $0xC000  }
0x6a: {  	s21 =	sand.u32 $0x380, s2;
	[sflag:s19] =	ssyncset.done $0x0  }
0x6b: {  	s4 =	sor.u32 s21, s4;
	[sflag:s19] =	ssyncadd.s32 $0xFFFF4000  }
0x6c: {  	v12 =	vld [tilespmem:s4+$0x80]  }
0x6d: {  	v13 =	vld [tilespmem:s4+$0x90]  }
0x6e: {  	v14 =	vld [tilespmem:s4+$0xA0]  }
0x6f: {  	v15 =	vld [tilespmem:s4+$0xB0]  }
0x70: {  	v16 =	vld [tilespmem:s4+$0xC0]  }
0x71: {  	v17 =	vld [tilespmem:s4+$0xD0]  }
0x72: {  	v18 =	vld [tilespmem:s4+$0xE0]  }
0x73: {  	v19 =	vld [tilespmem:s4+$0xF0]  }
0x74: {  	v20 =	vld [tilespmem:s4+$0x480]  }
0x75: {  	v21 =	vld [tilespmem:s4+$0x490]  }
0x76: {  	v22 =	vld [tilespmem:s4+$0x4A0]  }
0x77: {  	v23 =	vld [tilespmem:s4+$0x4B0]  }
0x78: {  	v24 =	vld [tilespmem:s4+$0x4C0]  }
0x79: {  	v25 =	vld [tilespmem:s4+$0x4D0]  }
0x7a: {  	v26 =	vld [tilespmem:s4+$0x4E0]  }
0x7b: {  	v27 =	vld [tilespmem:s4+$0x4F0]  }
0x7c: {  	v28 =	vld [tilespmem:s4+$0x880]  }
0x7d: {  	v29 =	vld [tilespmem:s4+$0x890]  }
0x7e: {  	v30 =	vld [tilespmem:s4+$0x8A0]  }
0x7f: {  	v31 =	vld [tilespmem:s4+$0x8B0]  }
0x80: {  	v32 =	vld [tilespmem:s4+$0x8C0]  }
0x81: {  	v33 =	vld [tilespmem:s4+$0x8D0]  }
0x82: {  	v34 =	vld [tilespmem:s4+$0x8E0]  }
0x83: {  	v35 =	vld [tilespmem:s4+$0x8F0]  }
0x84: {  	v36 =	vld [tilespmem:s4+$0xC80]  }
0x85: {  	v37 =	vld [tilespmem:s4+$0xC90]  }
0x86: {  	v38 =	vld [tilespmem:s4+$0xCA0]  }
0x87: {  	v39 =	vld [tilespmem:s4+$0xCB0]  }
0x88: {  	v40 =	vld [tilespmem:s4+$0xCC0]  }
0x89: {  	v41 =	vld [tilespmem:s4+$0xCD0]  }
0x8a: {  	v42 =	vld [tilespmem:s4+$0xCE0]  }
0x8b: {  	v43 =	vld [tilespmem:s4+$0xCF0]  }
0x8c: {  	v44 =	vld [tilespmem:s4+$0x1080]  }
0x8d: {  	v45 =	vld [tilespmem:s4+$0x1090]  }
0x8e: {  	v46 =	vld [tilespmem:s4+$0x10A0]  }
0x8f: {  	v47 =	vld [tilespmem:s4+$0x10B0]  }
0x90: {  	v48 =	vld [tilespmem:s4+$0x10C0]  }
0x91: {  	v49 =	vld [tilespmem:s4+$0x10D0]  }
0x92: {  	v50 =	vld [tilespmem:s4+$0x10E0]  }
0x93: {  	v11 =	vld [tilespmem:s4+$0x10F0]  }
0x94: {  	v10 =	vld [tilespmem:s4+$0x1480]  }
0x95: {  	v9 =	vld [tilespmem:s4+$0x1490]  }
0x96: {  	v8 =	vld [tilespmem:s4+$0x14A0]  }
0x97: {  	v7 =	vld [tilespmem:s4+$0x14B0]  }
0x98: {  	v6 =	vld [tilespmem:s4+$0x14C0]  }
0x99: {  	v51 =	vld [tilespmem:s4+$0xC080]  }
0x9a: {  	v52 =	vld [tilespmem:s4+$0xC090]  }
0x9b: {  	v53 =	vld [tilespmem:s4+$0xC0A0]  }
0x9c: {  	v54 =	vld [tilespmem:s4+$0xC0B0]  }
0x9d: {  	v55 =	vld [tilespmem:s4+$0xC0C0]  }
0x9e: {  	v62 =	vld [tilespmem:s4+$0xC0D0];
	v12 =	vadd.f32 v12, v51  }
0x9f: {  	v63 =	vld [tilespmem:s4+$0xC0E0];
	v13 =	vadd.f32 v13, v52  }
0xa0: {  	[tilespmem:s4+$0xC080] =	vst v12;
	v12 =	vadd.f32 v14, v53;
	v14 =	vld [tilespmem:s4+$0xC0F0]  }
0xa1: {  	[tilespmem:s4+$0xC090] =	vst v13;
	v13 =	vadd.f32 v15, v54;
	v15 =	vld [tilespmem:s4+$0xC480]  }
0xa2: {  	[tilespmem:s4+$0xC0A0] =	vst v12;
	v12 =	vadd.f32 v16, v55;
	v16 =	vld [tilespmem:s4+$0xC490]  }
0xa3: {  	[tilespmem:s4+$0xC0B0] =	vst v13;
	v13 =	vadd.f32 v17, v62;
	v17 =	vld [tilespmem:s4+$0xC4A0]  }
0xa4: {  	v5 =	vld [tilespmem:s4+$0x14D0]  }
0xa5: {  	[tilespmem:s4+$0xC0C0] =	vst v12;
	v12 =	vadd.f32 v18, v63;
	v18 =	vld [tilespmem:s4+$0xC4F0]  }
0xa6: {  	[tilespmem:s4+$0xC0D0] =	vst v13;
	v13 =	vadd.f32 v19, v14;
	v14 =	vld [tilespmem:s4+$0xC4B0]  }
0xa7: {  	[tilespmem:s4+$0xC0E0] =	vst v12;
	v12 =	vadd.f32 v20, v15;
	v15 =	vld [tilespmem:s4+$0xC4C0]  }
0xa8: {  	[tilespmem:s4+$0xC0F0] =	vst v13;
	v13 =	vadd.f32 v21, v16;
	v16 =	vadd.f32 v22, v17;
	v17 =	vld [tilespmem:s4+$0xC4E0]  }
0xa9: {  	[tilespmem:s4+$0xC480] =	vst v12;
	v12 =	vld [tilespmem:s4+$0xC4D0]  }
0xaa: {  	[tilespmem:s4+$0xC490] =	vst v13;
	v13 =	vld [tilespmem:s4+$0xC880];
	v18 =	vadd.f32 v27, v18  }
0xab: {  	[tilespmem:s4+$0xC4A0] =	vst v16;
	v16 =	vld [tilespmem:s4+$0xC890];
	v14 =	vadd.f32 v23, v14  }
0xac: {  	v4 =	vld [tilespmem:s4+$0x14E0];
	v15 =	vadd.f32 v24, v15;
	[tilespmem:s4+$0xC4F0] =	vst v18  }
0xad: {  	[tilespmem:s4+$0xC4B0] =	vst v14;
	v14 =	vld [tilespmem:s4+$0xC8A0];
	v17 =	vadd.f32 v26, v17  }
0xae: {  	v12 =	vadd.f32 v25, v12;
	[tilespmem:s4+$0xC4C0] =	vst v15;
	v15 =	vld [tilespmem:s4+$0xC8B0]  }
0xaf: {  	v18 =	vld [tilespmem:s4+$0xC8F0];
	[tilespmem:s4+$0xC4E0] =	vst v17;
	v13 =	vadd.f32 v28, v13  }
0xb0: {  	v16 =	vadd.f32 v29, v16;
	[tilespmem:s4+$0xC4D0] =	vst v12;
	v12 =	vld [tilespmem:s4+$0xC8C0]  }
0xb1: {  	v17 =	vld [tilespmem:s4+$0xC8D0];
	[tilespmem:s4+$0xC880] =	vst v13  }
0xb2: {  	[tilespmem:s4+$0xC890] =	vst v16;
	v16 =	vld [tilespmem:s4+$0xC8E0];
	v13 =	vadd.f32 v30, v14  }
0xb3: {  	v14 =	vld [tilespmem:s4+$0xCC80];
	v15 =	vadd.f32 v31, v15  }
0xb4: {  	[tilespmem:s4+$0xC8A0] =	vst v13;
	v13 =	vld [tilespmem:s4+$0xCC90]  }
0xb5: {  	v12 =	vadd.f32 v32, v12;
	[tilespmem:s4+$0xC8B0] =	vst v15;
	v15 =	vld [tilespmem:s4+$0xCCA0]  }
0xb6: {  	v3 =	vld [tilespmem:s4+$0x14F0];
	v17 =	vadd.f32 v33, v17  }
0xb7: {  	v16 =	vadd.f32 v34, v16;
	[tilespmem:s4+$0xC8C0] =	vst v12;
	v12 =	vld [tilespmem:s4+$0xCCB0]  }
0xb8: {  	[tilespmem:s4+$0xC8D0] =	vst v17;
	v17 =	vld [tilespmem:s4+$0xCCC0];
	v14 =	vadd.f32 v36, v14  }
0xb9: {  	v18 =	vadd.f32 v35, v18;
	[tilespmem:s4+$0xC8E0] =	vst v16;
	v16 =	vld [tilespmem:s4+$0xCCD0]  }
0xba: {  	v13 =	vadd.f32 v37, v13;
	[tilespmem:s4+$0xCC80] =	vst v14;
	v14 =	vadd.f32 v38, v15;
	v15 =	vld [tilespmem:s4+$0xCCE0]  }
0xbb: {  	[tilespmem:s4+$0xC8F0] =	vst v18;
	v18 =	vld [tilespmem:s4+$0xCCF0]  }
0xbc: {  	[tilespmem:s4+$0xCC90] =	vst v13;
	v13 =	vld [tilespmem:s4+$0xD080];
	v12 =	vadd.f32 v39, v12  }
0xbd: {  	v17 =	vadd.f32 v40, v17;
	[tilespmem:s4+$0xCCA0] =	vst v14;
	v14 =	vld [tilespmem:s4+$0xD090]  }
0xbe: {  	v16 =	vadd.f32 v41, v16;
	[tilespmem:s4+$0xCCB0] =	vst v12;
	v12 =	vld [tilespmem:s4+$0xD0A0]  }
0xbf: {  	[tilespmem:s4+$0xCCC0] =	vst v17;
	v17 =	vld [tilespmem:s4+$0xD0B0];
	v15 =	vadd.f32 v42, v15  }
0xc0: {  	v19 =	vld [tilespmem:s4+$0xD0C0];
	[tilespmem:s4+$0xCCD0] =	vst v16;
	v16 =	vadd.f32 v43, v18  }
0xc1: {  	v18 =	vld [tilespmem:s4+$0xD0D0];
	v13 =	vadd.f32 v44, v13;
	[tilespmem:s4+$0xCCE0] =	vst v15  }
0xc2: {  	v20 =	vld [tilespmem:s4+$0xD0E0];
	[tilespmem:s4+$0xCCF0] =	vst v16;
	v14 =	vadd.f32 v45, v14  }
0xc3: {  	v16 =	vld [tilespmem:s4+$0xD0F0];
	[tilespmem:s4+$0xD080] =	vst v13;
	v12 =	vadd.f32 v46, v12  }
0xc4: {  	v15 =	vld [tilespmem:s4+$0xD480];
	v13 =	vadd.f32 v47, v17;
	[tilespmem:s4+$0xD090] =	vst v14  }
0xc5: {  	v14 =	vld [tilespmem:s4+$0xD490];
	[tilespmem:s4+$0xD0A0] =	vst v12;
	v12 =	vadd.f32 v48, v19  }
0xc6: {  	[tilespmem:s4+$0xD0B0] =	vst v13;
	v13 =	vld [tilespmem:s4+$0xD4A0];
	v18 =	vadd.f32 v49, v18  }
0xc7: {  	s21 =	simm.s32 $0x1;
	s22 =	simm.s32 $0x0;
	v17 =	vadd.f32 v50, v20;
	[tilespmem:s4+$0xD0C0] =	vst v12;
	v12 =	vld [tilespmem:s4+$0xD4B0]  }
.LBB2_2:
0xc8: {  	s5 =	sshrl.u32 s21, $0x3;
	p0 =	sne.s32 s21, $0x3F;
	[tilespmem:s4+$0xD0D0] =	vst v18;
	v11 =	vadd.f32 v11, v16;
	v16 =	vld [tilespmem:s4+$0xD4C0]  }
0xc9: {  	s22 =	sadd.s32 $0x80, s22;
	s5 =	smul.u32 $0x1800, s5;
	[tilespmem:s4+$0xD0E0] =	vst v17;
	v10 =	vadd.f32 v10, v15;
	v15 =	vld [tilespmem:s4+$0xD4D0]  }
0xca: {  	s23 =	sand.u32 $0x380, s22;
	[tilespmem:s4+$0xD0F0] =	vst v11;
	v9 =	vadd.f32 v9, v14;
	v11 =	vld [tilespmem:s4+$0xD4E0]  }
0xcb: {  	s5 =	sor.u32 s23, s5;
	[tilespmem:s4+$0xD480] =	vst v10;
	v8 =	vadd.f32 v8, v13;
	v10 =	vld [tilespmem:s4+$0xD4F0]  }
0xcc: {  	v39 =	vld [tilespmem:s5+$0x80];
	[tilespmem:s4+$0xD490] =	vst v9;
	v7 =	vadd.f32 v7, v12  }
0xcd: {  	v40 =	vld [tilespmem:s5+$0x90];
	[tilespmem:s4+$0xD4A0] =	vst v8;
	v6 =	vadd.f32 v6, v16  }
0xce: {  	v41 =	vld [tilespmem:s5+$0xA0];
	[tilespmem:s4+$0xD4B0] =	vst v7;
	v5 =	vadd.f32 v5, v15  }
0xcf: {  	v42 =	vld [tilespmem:s5+$0xB0];
	[tilespmem:s4+$0xD4C0] =	vst v6;
	v4 =	vadd.f32 v4, v11  }
0xd0: {  	v43 =	vld [tilespmem:s5+$0xC0];
	[tilespmem:s4+$0xD4D0] =	vst v5;
	v3 =	vadd.f32 v3, v10  }
0xd1: {  	v44 =	vld [tilespmem:s5+$0xD0];
	[tilespmem:s4+$0xD4E0] =	vst v4  }
0xd2: {  	v45 =	vld [tilespmem:s5+$0xE0];
	[tilespmem:s4+$0xD4F0] =	vst v3;
	s4 =	smov.u32 s5  }
0xd3: {  	v46 =	vld [tilespmem:s4+$0xF0]  }
0xd4: {  	v47 =	vld [tilespmem:s4+$0x480]  }
0xd5: {  	v48 =	vld [tilespmem:s4+$0x490]  }
0xd6: {  	v49 =	vld [tilespmem:s4+$0x4A0]  }
0xd7: {  	v50 =	vld [tilespmem:s4+$0x4B0]  }
0xd8: {  	v38 =	vld [tilespmem:s4+$0x4C0]  }
0xd9: {  	v37 =	vld [tilespmem:s4+$0x4D0]  }
0xda: {  	v36 =	vld [tilespmem:s4+$0x4E0]  }
0xdb: {  	v35 =	vld [tilespmem:s4+$0x4F0]  }
0xdc: {  	v34 =	vld [tilespmem:s4+$0x880]  }
0xdd: {  	v33 =	vld [tilespmem:s4+$0x890]  }
0xde: {  	v32 =	vld [tilespmem:s4+$0x8A0]  }
0xdf: {  	v31 =	vld [tilespmem:s4+$0x8B0]  }
0xe0: {  	v30 =	vld [tilespmem:s4+$0x8C0]  }
0xe1: {  	v29 =	vld [tilespmem:s4+$0x8D0]  }
0xe2: {  	v28 =	vld [tilespmem:s4+$0x8E0]  }
0xe3: {  	v27 =	vld [tilespmem:s4+$0x8F0]  }
0xe4: {  	v26 =	vld [tilespmem:s4+$0xC80]  }
0xe5: {  	v25 =	vld [tilespmem:s4+$0xC90]  }
0xe6: {  	v24 =	vld [tilespmem:s4+$0xCA0]  }
0xe7: {  	v23 =	vld [tilespmem:s4+$0xCB0]  }
0xe8: {  	v22 =	vld [tilespmem:s4+$0xCC0]  }
0xe9: {  	v21 =	vld [tilespmem:s4+$0xCD0]  }
0xea: {  	v20 =	vld [tilespmem:s4+$0xCE0]  }
0xeb: {  	v19 =	vld [tilespmem:s4+$0xCF0]  }
0xec: {  	v18 =	vld [tilespmem:s4+$0x1080]  }
0xed: {  	v17 =	vld [tilespmem:s4+$0x1090]  }
0xee: {  	v16 =	vld [tilespmem:s4+$0x10A0]  }
0xef: {  	v15 =	vld [tilespmem:s4+$0x10B0]  }
0xf0: {  	v14 =	vld [tilespmem:s4+$0x10C0]  }
0xf1: {  	v13 =	vld [tilespmem:s4+$0x10D0]  }
0xf2: {  	v12 =	vld [tilespmem:s4+$0x10E0]  }
0xf3: {  	v11 =	vld [tilespmem:s4+$0x10F0]  }
0xf4: {  	v10 =	vld [tilespmem:s4+$0x1480]  }
0xf5: {  	v9 =	vld [tilespmem:s4+$0x1490]  }
0xf6: {  	v8 =	vld [tilespmem:s4+$0x14A0]  }
0xf7: {  	v7 =	vld [tilespmem:s4+$0x14B0]  }
0xf8: {  	v6 =	vld [tilespmem:s4+$0x14C0]  }
0xf9: {  	v5 =	vld [tilespmem:s4+$0x14D0]  }
0xfa: {  	v4 =	vld [tilespmem:s4+$0x14E0]  }
0xfb: {  	v3 =	vld [tilespmem:s4+$0x14F0]  }
0xfc: {  	v51 =	vld [tilespmem:s4+$0xC080]  }
0xfd: {  	v52 =	vld [tilespmem:s4+$0xC090]  }
0xfe: {  	v53 =	vld [tilespmem:s4+$0xC0A0]  }
0xff: {  	v54 =	vld [tilespmem:s4+$0xC0B0]  }
0x100: {  	v55 =	vld [tilespmem:s4+$0xC0C0]  }
0x101: {  	v39 =	vadd.f32 v39, v51;
	v51 =	vld [tilespmem:s4+$0xC0D0]  }
0x102: {  	v40 =	vadd.f32 v40, v52;
	v52 =	vld [tilespmem:s4+$0xC0E0]  }
0x103: {  	[tilespmem:s4+$0xC080] =	vst v39;
	v39 =	vadd.f32 v41, v53;
	v41 =	vld [tilespmem:s4+$0xC0F0]  }
0x104: {  	[tilespmem:s4+$0xC090] =	vst v40;
	v40 =	vadd.f32 v42, v54;
	v42 =	vld [tilespmem:s4+$0xC480]  }
0x105: {  	[tilespmem:s4+$0xC0A0] =	vst v39;
	v39 =	vadd.f32 v43, v55;
	v43 =	vld [tilespmem:s4+$0xC490]  }
0x106: {  	[tilespmem:s4+$0xC0B0] =	vst v40;
	v40 =	vadd.f32 v44, v51;
	v44 =	vld [tilespmem:s4+$0xC4A0]  }
0x107: {  	[tilespmem:s4+$0xC0C0] =	vst v39;
	v39 =	vadd.f32 v45, v52;
	v45 =	vld [tilespmem:s4+$0xC4B0]  }
0x108: {  	[tilespmem:s4+$0xC0D0] =	vst v40;
	v40 =	vadd.f32 v46, v41;
	v41 =	vld [tilespmem:s4+$0xC4C0]  }
0x109: {  	[tilespmem:s4+$0xC0E0] =	vst v39;
	v39 =	vadd.f32 v47, v42;
	v42 =	vld [tilespmem:s4+$0xC4D0]  }
0x10a: {  	[tilespmem:s4+$0xC0F0] =	vst v40;
	v40 =	vadd.f32 v48, v43;
	v43 =	vld [tilespmem:s4+$0xC4E0]  }
0x10b: {  	[tilespmem:s4+$0xC480] =	vst v39;
	v39 =	vadd.f32 v49, v44;
	v44 =	vld [tilespmem:s4+$0xC4F0]  }
0x10c: {  	[tilespmem:s4+$0xC490] =	vst v40;
	v40 =	vadd.f32 v50, v45;
	v45 =	vld [tilespmem:s4+$0xC880]  }
0x10d: {  	[tilespmem:s4+$0xC4A0] =	vst v39;
	v38 =	vadd.f32 v38, v41;
	v39 =	vld [tilespmem:s4+$0xC890]  }
0x10e: {  	[tilespmem:s4+$0xC4B0] =	vst v40;
	v37 =	vadd.f32 v37, v42;
	v40 =	vld [tilespmem:s4+$0xC8A0]  }
0x10f: {  	[tilespmem:s4+$0xC4C0] =	vst v38;
	v36 =	vadd.f32 v36, v43;
	v38 =	vld [tilespmem:s4+$0xC8B0]  }
0x110: {  	[tilespmem:s4+$0xC4D0] =	vst v37;
	v35 =	vadd.f32 v35, v44;
	v37 =	vld [tilespmem:s4+$0xC8C0]  }
0x111: {  	[tilespmem:s4+$0xC4E0] =	vst v36;
	v34 =	vadd.f32 v34, v45;
	v36 =	vld [tilespmem:s4+$0xC8D0]  }
0x112: {  	[tilespmem:s4+$0xC4F0] =	vst v35;
	v33 =	vadd.f32 v33, v39;
	v35 =	vld [tilespmem:s4+$0xC8E0]  }
0x113: {  	[tilespmem:s4+$0xC880] =	vst v34;
	v32 =	vadd.f32 v32, v40;
	v34 =	vld [tilespmem:s4+$0xC8F0]  }
0x114: {  	[tilespmem:s4+$0xC890] =	vst v33;
	v31 =	vadd.f32 v31, v38;
	v33 =	vld [tilespmem:s4+$0xCC80]  }
0x115: {  	[tilespmem:s4+$0xC8A0] =	vst v32;
	v30 =	vadd.f32 v30, v37;
	v32 =	vld [tilespmem:s4+$0xCC90]  }
0x116: {  	[tilespmem:s4+$0xC8B0] =	vst v31;
	v29 =	vadd.f32 v29, v36;
	v31 =	vld [tilespmem:s4+$0xCCA0]  }
0x117: {  	[tilespmem:s4+$0xC8C0] =	vst v30;
	v28 =	vadd.f32 v28, v35;
	v30 =	vld [tilespmem:s4+$0xCCB0]  }
0x118: {  	[tilespmem:s4+$0xC8D0] =	vst v29;
	v27 =	vadd.f32 v27, v34;
	v29 =	vld [tilespmem:s4+$0xCCC0]  }
0x119: {  	[tilespmem:s4+$0xC8E0] =	vst v28;
	v26 =	vadd.f32 v26, v33;
	v28 =	vld [tilespmem:s4+$0xCCD0]  }
0x11a: {  	[tilespmem:s4+$0xC8F0] =	vst v27;
	v25 =	vadd.f32 v25, v32;
	v27 =	vld [tilespmem:s4+$0xCCE0]  }
0x11b: {  	[tilespmem:s4+$0xCC80] =	vst v26;
	v24 =	vadd.f32 v24, v31;
	v26 =	vld [tilespmem:s4+$0xCCF0]  }
0x11c: {  	[tilespmem:s4+$0xCC90] =	vst v25;
	v23 =	vadd.f32 v23, v30;
	v25 =	vld [tilespmem:s4+$0xD080]  }
0x11d: {  	[tilespmem:s4+$0xCCA0] =	vst v24;
	v22 =	vadd.f32 v22, v29;
	v24 =	vld [tilespmem:s4+$0xD090]  }
0x11e: {  	[tilespmem:s4+$0xCCB0] =	vst v23;
	v21 =	vadd.f32 v21, v28;
	v23 =	vld [tilespmem:s4+$0xD0A0]  }
0x11f: {  	[tilespmem:s4+$0xCCC0] =	vst v22;
	v20 =	vadd.f32 v20, v27;
	v22 =	vld [tilespmem:s4+$0xD0B0]  }
0x120: {  	[tilespmem:s4+$0xCCD0] =	vst v21;
	v19 =	vadd.f32 v19, v26;
	v21 =	vld [tilespmem:s4+$0xD0C0]  }
0x121: {  	[tilespmem:s4+$0xCCE0] =	vst v20;
	v18 =	vadd.f32 v18, v25;
	v20 =	vld [tilespmem:s4+$0xD0D0]  }
0x122: {  	[tilespmem:s4+$0xCCF0] =	vst v19;
	v17 =	vadd.f32 v17, v24;
	v19 =	vld [tilespmem:s4+$0xD0E0]  }
.Ltmp0:
0x123: {  	[tilespmem:s4+$0xD080] =	vst v18;
	v18 =	vadd.f32 v16, v23;
	v16 =	vld [tilespmem:s4+$0xD0F0];
	(pc) =	sbr.rel @p0 .LBB2_2-.Ltmp0, $4  }
0x124: {  	[tilespmem:s4+$0xD090] =	vst v17;
	v17 =	vadd.f32 v15, v22;
	v15 =	vld [tilespmem:s4+$0xD480]  }
0x125: {  	[tilespmem:s4+$0xD0A0] =	vst v18;
	v21 =	vadd.f32 v14, v21;
	v14 =	vld [tilespmem:s4+$0xD490]  }
0x126: {  	[tilespmem:s4+$0xD0B0] =	vst v17;
	v18 =	vadd.f32 v13, v20;
	v13 =	vld [tilespmem:s4+$0xD4A0]  }
0x127: {  	s21 =	sadd.s32 $0x1, s21;
	[tilespmem:s4+$0xD0C0] =	vst v21;
	v17 =	vadd.f32 v12, v19;
	v12 =	vld [tilespmem:s4+$0xD4B0]  }
0x128: {  	[tilespmem:s4+$0xD0D0] =	vst v18;
	v18 =	vld [tilespmem:s4+$0xD4C0];
	v11 =	vadd.f32 v11, v16  }
0x129: {  	v16 =	vld [tilespmem:s4+$0xD4D0];
	[tilespmem:s4+$0xD0E0] =	vst v17;
	v10 =	vadd.f32 v10, v15  }
0x12a: {  	[tilespmem:s4+$0xD0F0] =	vst v11;
	v9 =	vadd.f32 v9, v14;
	v11 =	vld [tilespmem:s4+$0xD4E0]  }
0x12b: {  	[tilespmem:s4+$0xD480] =	vst v10;
	v8 =	vadd.f32 v8, v13;
	v10 =	vld [tilespmem:s4+$0xD4F0]  }
0x12c: {  	[tilespmem:s4+$0xD490] =	vst v9;
	v7 =	vadd.f32 v7, v12  }
0x12d: {  	[tilespmem:s4+$0xD4A0] =	vst v8;
	v6 =	vadd.f32 v6, v18  }
0x12e: {  	v5 =	vadd.f32 v5, v16;
	[tilespmem:s4+$0xD4B0] =	vst v7  }
0x12f: {  	[tilespmem:s4+$0xD4C0] =	vst v6;
	v4 =	vadd.f32 v4, v11  }
0x130: {  	[tilespmem:s4+$0xD4D0] =	vst v5;
	v3 =	vadd.f32 v3, v10  }
0x131: {  	[tilespmem:s4+$0xD4E0] =	vst v4  }
0x132: {  	[tilespmem:s4+$0xD4F0] =	vst v3;
	s4 =	simm.s32 $0x0  }
0x133: {  	[hbm4b:s8+s4] =	stream.linear.scatter [tilespmem:s13], [sflag:$0x2], $0xC000, $0x38;
	[tilespmem:$0x18080] =	vst v63  }
0x134: {  	_ =	swait.ge [sflag:s12], $0xC000  }
0x135: {  	[sflag:s12] =	ssyncset.done $0x0  }
0x136: {  	[sflag:s12] =	ssyncadd.s32 $0xFFFF4000  }
0x137: {  	[tilespmem:s13], [sflag:$0x2] =	stream.linear.gather [hbm4b:s9+s4], $0xC000, $0x38;
	[tilespmem:$0x18080] =	vst v63  }
0x138: {  	_ =	swait.ge [sflag:s12], $0xC000  }
0x139: {  	[sflag:s12] =	ssyncset.done $0x0  }
0x13a: {  	[sflag:s12] =	ssyncadd.s32 $0xFFFF4000  }
0x13b: {  	v3 =	vld [tilespmem:$0x40];
	_ =	sdelay $0x4  }
0x13c: {  	v4 =	vshrl.u32 v3, $0x3  }
0x13d: {  	v4 =	vmul.u32 $0x30, v4  }
0x13e: {  	v3 =	vand.u32 $0x7, v3  }
0x13f: {  	v3 =	vor.u32 v3, v4  }
0x140: {  	v4 =	vperm.xlane v3, v0;
	_ =	sdelay $0x1  }
0x141: {  	v4 =	vadd.s32 v1, v4;
	_ =	sdelay $0x3  }
0x142: {  	s5 =	simm.s32 $0x80;
	v3 =	vperm.xlane v3, v2  }
0x143: {  	[tilespmem:s5], [sflag:$0x1] =	stream.indirect_vreg.gather [hbm4b:s3+s4], $0x80, v4, vm0, $0xb8;
	[tilespmem:$0x18080] =	vst v63  }
0x144: {  	s23 =	simm.s32 $0x880;
	v3 =	vadd.s32 v1, v3  }
0x145: {  	[tilespmem:s23], [sflag:$0x1] =	stream.indirect_vreg.gather [hbm4b:s6+s4], $0x80, v4, vm0, $0xb8;
	[tilespmem:$0x18080] =	vst v63  }
0x146: {  	s21 =	simm.s32 $0x1080  }
0x147: {  	[tilespmem:s21], [sflag:$0x1] =	stream.indirect_vreg.gather [hbm4b:s7+s4], $0x80, v4, vm0, $0xb8;
	[tilespmem:$0x18080] =	vst v63  }
0x148: {  	s22 =	simm.s32 $0x1880  }
0x149: {  	[tilespmem:s22], [sflag:$0x1] =	stream.indirect_vreg.gather [hbm4b:s3+s4], $0x80, v3, vm0, $0xb8;
	[tilespmem:$0x18080] =	vst v63  }
0x14a: {  	s23 =	simm.s32 $0x2080  }
0x14b: {  	[tilespmem:s23], [sflag:$0x1] =	stream.indirect_vreg.gather [hbm4b:s6+s4], $0x80, v3, vm0, $0xb8;
	[tilespmem:$0x18080] =	vst v63  }
0x14c: {  	s21 =	simm.s32 $0x2880  }
0x14d: {  	[tilespmem:s21], [sflag:$0x1] =	stream.indirect_vreg.gather [hbm4b:s7+s4], $0x80, v3, vm0, $0xb8;
	[tilespmem:$0x18080] =	vst v63  }
0x14e: {  	v3 =	vld [tilespmem:$0x50];
	_ =	sdelay $0x4  }
0x14f: {  	v4 =	vshrl.u32 v3, $0x3  }
0x150: {  	v4 =	vmul.u32 $0x30, v4  }
0x151: {  	v3 =	vand.u32 $0x7, v3  }
0x152: {  	v3 =	vor.u32 v3, v4  }
0x153: {  	v4 =	vperm.xlane v3, v0;
	_ =	sdelay $0x1  }
0x154: {  	v4 =	vadd.s32 v1, v4;
	_ =	sdelay $0x3  }
0x155: {  	s22 =	simm.s32 $0x3080;
	v3 =	vperm.xlane v3, v2  }
0x156: {  	[tilespmem:s22], [sflag:$0x1] =	stream.indirect_vreg.gather [hbm4b:s3+s4], $0x80, v4, vm0, $0xb8;
	[tilespmem:$0x18080] =	vst v63  }
0x157: {  	s23 =	simm.s32 $0x3880;
	v3 =	vadd.s32 v1, v3  }
0x158: {  	[tilespmem:s23], [sflag:$0x1] =	stream.indirect_vreg.gather [hbm4b:s6+s4], $0x80, v4, vm0, $0xb8;
	[tilespmem:$0x18080] =	vst v63  }
0x159: {  	s21 =	simm.s32 $0x4080  }
0x15a: {  	[tilespmem:s21], [sflag:$0x1] =	stream.indirect_vreg.gather [hbm4b:s7+s4], $0x80, v4, vm0, $0xb8;
	[tilespmem:$0x18080] =	vst v63  }
0x15b: {  	s22 =	simm.s32 $0x4880  }
0x15c: {  	[tilespmem:s22], [sflag:$0x1] =	stream.indirect_vreg.gather [hbm4b:s3+s4], $0x80, v3, vm0, $0xb8;
	[tilespmem:$0x18080] =	vst v63  }
0x15d: {  	_ = 	snop  }
0x15e: {  	[tilespmem:s24], [sflag:$0x1] =	stream.indirect_vreg.gather [hbm4b:s6+s4], $0x80, v3, vm0, $0xb8;
	[tilespmem:$0x18080] =	vst v63  }
0x15f: {  	_ = 	snop  }
0x160: {  	[tilespmem:s25], [sflag:$0x1] =	stream.indirect_vreg.gather [hbm4b:s7+s4], $0x80, v3, vm0, $0xb8;
	[tilespmem:$0x18080] =	vst v63  }
0x161: {  	v3 =	vld [tilespmem:$0x60];
	_ =	sdelay $0x4  }
0x162: {  	v4 =	vshrl.u32 v3, $0x3  }
0x163: {  	v4 =	vmul.u32 $0x30, v4  }
0x164: {  	v3 =	vand.u32 $0x7, v3  }
0x165: {  	v3 =	vor.u32 v3, v4  }
0x166: {  	v4 =	vperm.xlane v3, v0;
	_ =	sdelay $0x1  }
0x167: {  	v4 =	vadd.s32 v1, v4;
	_ =	sdelay $0x3  }
0x168: {  	v3 =	vperm.xlane v3, v2  }
0x169: {  	[tilespmem:s26], [sflag:$0x1] =	stream.indirect_vreg.gather [hbm4b:s3+s4], $0x80, v4, vm0, $0xb8;
	[tilespmem:$0x18080] =	vst v63  }
0x16a: {  	v3 =	vadd.s32 v1, v3  }
0x16b: {  	[tilespmem:s28], [sflag:$0x1] =	stream.indirect_vreg.gather [hbm4b:s6+s4], $0x80, v4, vm0, $0xb8;
	[tilespmem:$0x18080] =	vst v63  }
0x16c: {  	_ = 	snop  }
0x16d: {  	[tilespmem:s29], [sflag:$0x1] =	stream.indirect_vreg.gather [hbm4b:s7+s4], $0x80, v4, vm0, $0xb8;
	[tilespmem:$0x18080] =	vst v63  }
0x16e: {  	_ = 	snop  }
0x16f: {  	[tilespmem:s30], [sflag:$0x1] =	stream.indirect_vreg.gather [hbm4b:s3+s4], $0x80, v3, vm0, $0xb8;
	[tilespmem:$0x18080] =	vst v63  }
0x170: {  	_ = 	snop  }
0x171: {  	[tilespmem:s31], [sflag:$0x1] =	stream.indirect_vreg.gather [hbm4b:s6+s4], $0x80, v3, vm0, $0xb8;
	[tilespmem:$0x18080] =	vst v63  }
0x172: {  	_ = 	snop  }
0x173: {  	[tilespmem:s0], [sflag:$0x1] =	stream.indirect_vreg.gather [hbm4b:s7+s4], $0x80, v3, vm0, $0xb8;
	[tilespmem:$0x18080] =	vst v63  }
0x174: {  	v3 =	vld [tilespmem:$0x70];
	_ =	sdelay $0x4  }
0x175: {  	v4 =	vshrl.u32 v3, $0x3  }
0x176: {  	v4 =	vmul.u32 $0x30, v4  }
0x177: {  	v3 =	vand.u32 $0x7, v3  }
0x178: {  	v3 =	vor.u32 v3, v4  }
0x179: {  	v4 =	vperm.xlane v3, v0;
	_ =	sdelay $0x1  }
0x17a: {  	v4 =	vadd.s32 v1, v4;
	_ =	sdelay $0x3  }
0x17b: {  	v3 =	vperm.xlane v3, v2  }
0x17c: {  	[tilespmem:s1], [sflag:$0x1] =	stream.indirect_vreg.gather [hbm4b:s3+s4], $0x80, v4, vm0, $0xb8;
	[tilespmem:$0x18080] =	vst v63  }
0x17d: {  	v3 =	vadd.s32 v1, v3  }
0x17e: {  	[tilespmem:s14], [sflag:$0x1] =	stream.indirect_vreg.gather [hbm4b:s6+s4], $0x80, v4, vm0, $0xb8;
	[tilespmem:$0x18080] =	vst v63  }
0x17f: {  	_ = 	snop  }
0x180: {  	[tilespmem:s15], [sflag:$0x1] =	stream.indirect_vreg.gather [hbm4b:s7+s4], $0x80, v4, vm0, $0xb8;
	[tilespmem:$0x18080] =	vst v63  }
0x181: {  	_ = 	snop  }
0x182: {  	[tilespmem:s16], [sflag:$0x1] =	stream.indirect_vreg.gather [hbm4b:s3+s4], $0x80, v3, vm0, $0xb8;
	[tilespmem:$0x18080] =	vst v63  }
0x183: {  	_ = 	snop  }
0x184: {  	[tilespmem:s17], [sflag:$0x1] =	stream.indirect_vreg.gather [hbm4b:s6+s4], $0x80, v3, vm0, $0xb8;
	[tilespmem:$0x18080] =	vst v63  }
0x185: {  	s23 =	simm.s32 $0x0  }
0x186: {  	[tilespmem:s18], [sflag:$0x1] =	stream.indirect_vreg.gather [hbm4b:s7+s4], $0x80, v3, vm0, $0xb8;
	[tilespmem:$0x18080] =	vst v63  }
0x187: {  	s5 =	smul.u32 $0x1800, s23;
	_ =	swait.ge [sflag:s19], $0xC000  }
0x188: {  	s21 =	sand.u32 $0x380, s4;
	[sflag:s19] =	ssyncset.done $0x0  }
0x189: {  	s21 =	sor.u32 s21, s5;
	[sflag:s19] =	ssyncadd.s32 $0xFFFF4000  }
0x18a: {  	v12 =	vld [tilespmem:s21+$0x80]  }
0x18b: {  	v13 =	vld [tilespmem:s21+$0x90]  }
0x18c: {  	v14 =	vld [tilespmem:s21+$0xA0]  }
0x18d: {  	v15 =	vld [tilespmem:s21+$0xB0]  }
0x18e: {  	v16 =	vld [tilespmem:s21+$0xC0]  }
0x18f: {  	v17 =	vld [tilespmem:s21+$0xD0]  }
0x190: {  	v18 =	vld [tilespmem:s21+$0xE0]  }
0x191: {  	v19 =	vld [tilespmem:s21+$0xF0]  }
0x192: {  	v20 =	vld [tilespmem:s21+$0x480]  }
0x193: {  	v21 =	vld [tilespmem:s21+$0x490]  }
0x194: {  	v22 =	vld [tilespmem:s21+$0x4A0]  }
0x195: {  	v23 =	vld [tilespmem:s21+$0x4B0]  }
0x196: {  	v24 =	vld [tilespmem:s21+$0x4C0]  }
0x197: {  	v25 =	vld [tilespmem:s21+$0x4D0]  }
0x198: {  	v26 =	vld [tilespmem:s21+$0x4E0]  }
0x199: {  	v27 =	vld [tilespmem:s21+$0x4F0]  }
0x19a: {  	v28 =	vld [tilespmem:s21+$0x880]  }
0x19b: {  	v29 =	vld [tilespmem:s21+$0x890]  }
0x19c: {  	v30 =	vld [tilespmem:s21+$0x8A0]  }
0x19d: {  	v31 =	vld [tilespmem:s21+$0x8B0]  }
0x19e: {  	v32 =	vld [tilespmem:s21+$0x8C0]  }
0x19f: {  	v33 =	vld [tilespmem:s21+$0x8D0]  }
0x1a0: {  	v34 =	vld [tilespmem:s21+$0x8E0]  }
0x1a1: {  	v35 =	vld [tilespmem:s21+$0x8F0]  }
0x1a2: {  	v36 =	vld [tilespmem:s21+$0xC80]  }
0x1a3: {  	v37 =	vld [tilespmem:s21+$0xC90]  }
0x1a4: {  	v38 =	vld [tilespmem:s21+$0xCA0]  }
0x1a5: {  	v39 =	vld [tilespmem:s21+$0xCB0]  }
0x1a6: {  	v40 =	vld [tilespmem:s21+$0xCC0]  }
0x1a7: {  	v41 =	vld [tilespmem:s21+$0xCD0]  }
0x1a8: {  	v42 =	vld [tilespmem:s21+$0xCE0]  }
0x1a9: {  	v43 =	vld [tilespmem:s21+$0xCF0]  }
0x1aa: {  	v44 =	vld [tilespmem:s21+$0x1080]  }
0x1ab: {  	v45 =	vld [tilespmem:s21+$0x1090]  }
0x1ac: {  	v46 =	vld [tilespmem:s21+$0x10A0]  }
0x1ad: {  	v47 =	vld [tilespmem:s21+$0x10B0]  }
0x1ae: {  	v48 =	vld [tilespmem:s21+$0x10C0]  }
0x1af: {  	v49 =	vld [tilespmem:s21+$0x10D0]  }
0x1b0: {  	v50 =	vld [tilespmem:s21+$0x10E0]  }
0x1b1: {  	v11 =	vld [tilespmem:s21+$0x10F0]  }
0x1b2: {  	v10 =	vld [tilespmem:s21+$0x1480]  }
0x1b3: {  	v9 =	vld [tilespmem:s21+$0x1490]  }
0x1b4: {  	v8 =	vld [tilespmem:s21+$0x14A0]  }
0x1b5: {  	v7 =	vld [tilespmem:s21+$0x14B0]  }
0x1b6: {  	v6 =	vld [tilespmem:s21+$0x14C0]  }
0x1b7: {  	v51 =	vld [tilespmem:s21+$0xC080]  }
0x1b8: {  	v52 =	vld [tilespmem:s21+$0xC090]  }
0x1b9: {  	v53 =	vld [tilespmem:s21+$0xC0A0]  }
0x1ba: {  	v54 =	vld [tilespmem:s21+$0xC0B0]  }
0x1bb: {  	v55 =	vld [tilespmem:s21+$0xC0C0]  }
0x1bc: {  	v62 =	vld [tilespmem:s21+$0xC0D0];
	v12 =	vadd.f32 v12, v51  }
0x1bd: {  	v63 =	vld [tilespmem:s21+$0xC0E0];
	v13 =	vadd.f32 v13, v52  }
0x1be: {  	[tilespmem:s21+$0xC080] =	vst v12;
	v12 =	vadd.f32 v14, v53;
	v14 =	vld [tilespmem:s21+$0xC0F0]  }
0x1bf: {  	[tilespmem:s21+$0xC090] =	vst v13;
	v13 =	vadd.f32 v15, v54;
	v15 =	vld [tilespmem:s21+$0xC480]  }
0x1c0: {  	[tilespmem:s21+$0xC0A0] =	vst v12;
	v12 =	vadd.f32 v16, v55;
	v16 =	vld [tilespmem:s21+$0xC490]  }
0x1c1: {  	[tilespmem:s21+$0xC0B0] =	vst v13;
	v13 =	vadd.f32 v17, v62;
	v17 =	vld [tilespmem:s21+$0xC4A0]  }
0x1c2: {  	v5 =	vld [tilespmem:s21+$0x14D0]  }
0x1c3: {  	[tilespmem:s21+$0xC0C0] =	vst v12;
	v12 =	vadd.f32 v18, v63;
	v18 =	vld [tilespmem:s21+$0xC4F0]  }
0x1c4: {  	[tilespmem:s21+$0xC0D0] =	vst v13;
	v13 =	vadd.f32 v19, v14;
	v14 =	vld [tilespmem:s21+$0xC4B0]  }
0x1c5: {  	[tilespmem:s21+$0xC0E0] =	vst v12;
	v12 =	vadd.f32 v20, v15;
	v15 =	vld [tilespmem:s21+$0xC4C0]  }
0x1c6: {  	[tilespmem:s21+$0xC0F0] =	vst v13;
	v13 =	vadd.f32 v21, v16;
	v16 =	vadd.f32 v22, v17;
	v17 =	vld [tilespmem:s21+$0xC4E0]  }
0x1c7: {  	[tilespmem:s21+$0xC480] =	vst v12;
	v12 =	vld [tilespmem:s21+$0xC4D0]  }
0x1c8: {  	[tilespmem:s21+$0xC490] =	vst v13;
	v13 =	vld [tilespmem:s21+$0xC880];
	v18 =	vadd.f32 v27, v18  }
0x1c9: {  	[tilespmem:s21+$0xC4A0] =	vst v16;
	v16 =	vld [tilespmem:s21+$0xC890];
	v14 =	vadd.f32 v23, v14  }
0x1ca: {  	v4 =	vld [tilespmem:s21+$0x14E0];
	v15 =	vadd.f32 v24, v15;
	[tilespmem:s21+$0xC4F0] =	vst v18  }
0x1cb: {  	[tilespmem:s21+$0xC4B0] =	vst v14;
	v14 =	vld [tilespmem:s21+$0xC8A0];
	v17 =	vadd.f32 v26, v17  }
0x1cc: {  	v12 =	vadd.f32 v25, v12;
	[tilespmem:s21+$0xC4C0] =	vst v15;
	v15 =	vld [tilespmem:s21+$0xC8B0]  }
0x1cd: {  	v18 =	vld [tilespmem:s21+$0xC8F0];
	[tilespmem:s21+$0xC4E0] =	vst v17;
	v13 =	vadd.f32 v28, v13  }
0x1ce: {  	v16 =	vadd.f32 v29, v16;
	[tilespmem:s21+$0xC4D0] =	vst v12;
	v12 =	vld [tilespmem:s21+$0xC8C0]  }
0x1cf: {  	v17 =	vld [tilespmem:s21+$0xC8D0];
	[tilespmem:s21+$0xC880] =	vst v13  }
0x1d0: {  	[tilespmem:s21+$0xC890] =	vst v16;
	v16 =	vld [tilespmem:s21+$0xC8E0];
	v13 =	vadd.f32 v30, v14  }
0x1d1: {  	v14 =	vld [tilespmem:s21+$0xCC80];
	v15 =	vadd.f32 v31, v15  }
0x1d2: {  	[tilespmem:s21+$0xC8A0] =	vst v13;
	v13 =	vld [tilespmem:s21+$0xCC90]  }
0x1d3: {  	v12 =	vadd.f32 v32, v12;
	[tilespmem:s21+$0xC8B0] =	vst v15;
	v15 =	vld [tilespmem:s21+$0xCCA0]  }
0x1d4: {  	v3 =	vld [tilespmem:s21+$0x14F0];
	v17 =	vadd.f32 v33, v17  }
0x1d5: {  	v16 =	vadd.f32 v34, v16;
	[tilespmem:s21+$0xC8C0] =	vst v12;
	v12 =	vld [tilespmem:s21+$0xCCB0]  }
0x1d6: {  	[tilespmem:s21+$0xC8D0] =	vst v17;
	v17 =	vld [tilespmem:s21+$0xCCC0];
	v14 =	vadd.f32 v36, v14  }
0x1d7: {  	v18 =	vadd.f32 v35, v18;
	[tilespmem:s21+$0xC8E0] =	vst v16;
	v16 =	vld [tilespmem:s21+$0xCCD0]  }
0x1d8: {  	v13 =	vadd.f32 v37, v13;
	[tilespmem:s21+$0xCC80] =	vst v14;
	v14 =	vadd.f32 v38, v15;
	v15 =	vld [tilespmem:s21+$0xCCE0]  }
0x1d9: {  	[tilespmem:s21+$0xC8F0] =	vst v18;
	v18 =	vld [tilespmem:s21+$0xCCF0]  }
0x1da: {  	[tilespmem:s21+$0xCC90] =	vst v13;
	v13 =	vld [tilespmem:s21+$0xD080];
	v12 =	vadd.f32 v39, v12  }
0x1db: {  	v17 =	vadd.f32 v40, v17;
	[tilespmem:s21+$0xCCA0] =	vst v14;
	v14 =	vld [tilespmem:s21+$0xD090]  }
0x1dc: {  	v16 =	vadd.f32 v41, v16;
	[tilespmem:s21+$0xCCB0] =	vst v12;
	v12 =	vld [tilespmem:s21+$0xD0A0]  }
0x1dd: {  	[tilespmem:s21+$0xCCC0] =	vst v17;
	v17 =	vld [tilespmem:s21+$0xD0B0];
	v15 =	vadd.f32 v42, v15  }
0x1de: {  	v19 =	vld [tilespmem:s21+$0xD0C0];
	[tilespmem:s21+$0xCCD0] =	vst v16;
	v16 =	vadd.f32 v43, v18  }
0x1df: {  	v18 =	vld [tilespmem:s21+$0xD0D0];
	v13 =	vadd.f32 v44, v13;
	[tilespmem:s21+$0xCCE0] =	vst v15  }
0x1e0: {  	v20 =	vld [tilespmem:s21+$0xD0E0];
	[tilespmem:s21+$0xCCF0] =	vst v16;
	v14 =	vadd.f32 v45, v14  }
0x1e1: {  	v16 =	vld [tilespmem:s21+$0xD0F0];
	[tilespmem:s21+$0xD080] =	vst v13;
	v12 =	vadd.f32 v46, v12  }
0x1e2: {  	v15 =	vld [tilespmem:s21+$0xD480];
	v13 =	vadd.f32 v47, v17;
	[tilespmem:s21+$0xD090] =	vst v14  }
0x1e3: {  	v14 =	vld [tilespmem:s21+$0xD490];
	[tilespmem:s21+$0xD0A0] =	vst v12;
	v12 =	vadd.f32 v48, v19  }
0x1e4: {  	[tilespmem:s21+$0xD0B0] =	vst v13;
	v13 =	vld [tilespmem:s21+$0xD4A0];
	v18 =	vadd.f32 v49, v18  }
0x1e5: {  	s22 =	simm.s32 $0x1;
	v17 =	vadd.f32 v50, v20;
	[tilespmem:s21+$0xD0C0] =	vst v12;
	v12 =	vld [tilespmem:s21+$0xD4B0]  }
.LBB2_4:
0x1e6: {  	s5 =	sshrl.u32 s22, $0x3;
	p0 =	sne.s32 s22, $0x3F;
	[tilespmem:s21+$0xD0D0] =	vst v18;
	v11 =	vadd.f32 v11, v16;
	v16 =	vld [tilespmem:s21+$0xD4C0]  }
0x1e7: {  	s4 =	sadd.s32 $0x80, s4;
	s5 =	smul.u32 $0x1800, s5;
	[tilespmem:s21+$0xD0E0] =	vst v17;
	v10 =	vadd.f32 v10, v15;
	v15 =	vld [tilespmem:s21+$0xD4D0]  }
0x1e8: {  	s23 =	sand.u32 $0x380, s4;
	[tilespmem:s21+$0xD0F0] =	vst v11;
	v9 =	vadd.f32 v9, v14;
	v11 =	vld [tilespmem:s21+$0xD4E0]  }
0x1e9: {  	s5 =	sor.u32 s23, s5;
	[tilespmem:s21+$0xD480] =	vst v10;
	v8 =	vadd.f32 v8, v13;
	v10 =	vld [tilespmem:s21+$0xD4F0]  }
0x1ea: {  	v39 =	vld [tilespmem:s5+$0x80];
	[tilespmem:s21+$0xD490] =	vst v9;
	v7 =	vadd.f32 v7, v12  }
0x1eb: {  	v40 =	vld [tilespmem:s5+$0x90];
	[tilespmem:s21+$0xD4A0] =	vst v8;
	v6 =	vadd.f32 v6, v16  }
0x1ec: {  	v41 =	vld [tilespmem:s5+$0xA0];
	[tilespmem:s21+$0xD4B0] =	vst v7;
	v5 =	vadd.f32 v5, v15  }
0x1ed: {  	v42 =	vld [tilespmem:s5+$0xB0];
	[tilespmem:s21+$0xD4C0] =	vst v6;
	v4 =	vadd.f32 v4, v11  }
0x1ee: {  	v43 =	vld [tilespmem:s5+$0xC0];
	[tilespmem:s21+$0xD4D0] =	vst v5;
	v3 =	vadd.f32 v3, v10  }
0x1ef: {  	v44 =	vld [tilespmem:s5+$0xD0];
	[tilespmem:s21+$0xD4E0] =	vst v4  }
0x1f0: {  	v45 =	vld [tilespmem:s5+$0xE0];
	[tilespmem:s21+$0xD4F0] =	vst v3;
	s21 =	smov.u32 s5  }
0x1f1: {  	v46 =	vld [tilespmem:s21+$0xF0]  }
0x1f2: {  	v47 =	vld [tilespmem:s21+$0x480]  }
0x1f3: {  	v48 =	vld [tilespmem:s21+$0x490]  }
0x1f4: {  	v49 =	vld [tilespmem:s21+$0x4A0]  }
0x1f5: {  	v50 =	vld [tilespmem:s21+$0x4B0]  }
0x1f6: {  	v38 =	vld [tilespmem:s21+$0x4C0]  }
0x1f7: {  	v37 =	vld [tilespmem:s21+$0x4D0]  }
0x1f8: {  	v36 =	vld [tilespmem:s21+$0x4E0]  }
0x1f9: {  	v35 =	vld [tilespmem:s21+$0x4F0]  }
0x1fa: {  	v34 =	vld [tilespmem:s21+$0x880]  }
0x1fb: {  	v33 =	vld [tilespmem:s21+$0x890]  }
0x1fc: {  	v32 =	vld [tilespmem:s21+$0x8A0]  }
0x1fd: {  	v31 =	vld [tilespmem:s21+$0x8B0]  }
0x1fe: {  	v30 =	vld [tilespmem:s21+$0x8C0]  }
0x1ff: {  	v29 =	vld [tilespmem:s21+$0x8D0]  }
0x200: {  	v28 =	vld [tilespmem:s21+$0x8E0]  }
0x201: {  	v27 =	vld [tilespmem:s21+$0x8F0]  }
0x202: {  	v26 =	vld [tilespmem:s21+$0xC80]  }
0x203: {  	v25 =	vld [tilespmem:s21+$0xC90]  }
0x204: {  	v24 =	vld [tilespmem:s21+$0xCA0]  }
0x205: {  	v23 =	vld [tilespmem:s21+$0xCB0]  }
0x206: {  	v22 =	vld [tilespmem:s21+$0xCC0]  }
0x207: {  	v21 =	vld [tilespmem:s21+$0xCD0]  }
0x208: {  	v20 =	vld [tilespmem:s21+$0xCE0]  }
0x209: {  	v19 =	vld [tilespmem:s21+$0xCF0]  }
0x20a: {  	v18 =	vld [tilespmem:s21+$0x1080]  }
0x20b: {  	v17 =	vld [tilespmem:s21+$0x1090]  }
0x20c: {  	v16 =	vld [tilespmem:s21+$0x10A0]  }
0x20d: {  	v15 =	vld [tilespmem:s21+$0x10B0]  }
0x20e: {  	v14 =	vld [tilespmem:s21+$0x10C0]  }
0x20f: {  	v13 =	vld [tilespmem:s21+$0x10D0]  }
0x210: {  	v12 =	vld [tilespmem:s21+$0x10E0]  }
0x211: {  	v11 =	vld [tilespmem:s21+$0x10F0]  }
0x212: {  	v10 =	vld [tilespmem:s21+$0x1480]  }
0x213: {  	v9 =	vld [tilespmem:s21+$0x1490]  }
0x214: {  	v8 =	vld [tilespmem:s21+$0x14A0]  }
0x215: {  	v7 =	vld [tilespmem:s21+$0x14B0]  }
0x216: {  	v6 =	vld [tilespmem:s21+$0x14C0]  }
0x217: {  	v5 =	vld [tilespmem:s21+$0x14D0]  }
0x218: {  	v4 =	vld [tilespmem:s21+$0x14E0]  }
0x219: {  	v3 =	vld [tilespmem:s21+$0x14F0]  }
0x21a: {  	v51 =	vld [tilespmem:s21+$0xC080]  }
0x21b: {  	v52 =	vld [tilespmem:s21+$0xC090]  }
0x21c: {  	v53 =	vld [tilespmem:s21+$0xC0A0]  }
0x21d: {  	v54 =	vld [tilespmem:s21+$0xC0B0]  }
0x21e: {  	v55 =	vld [tilespmem:s21+$0xC0C0]  }
0x21f: {  	v39 =	vadd.f32 v39, v51;
	v51 =	vld [tilespmem:s21+$0xC0D0]  }
0x220: {  	v40 =	vadd.f32 v40, v52;
	v52 =	vld [tilespmem:s21+$0xC0E0]  }
0x221: {  	[tilespmem:s21+$0xC080] =	vst v39;
	v39 =	vadd.f32 v41, v53;
	v41 =	vld [tilespmem:s21+$0xC0F0]  }
0x222: {  	[tilespmem:s21+$0xC090] =	vst v40;
	v40 =	vadd.f32 v42, v54;
	v42 =	vld [tilespmem:s21+$0xC480]  }
0x223: {  	[tilespmem:s21+$0xC0A0] =	vst v39;
	v39 =	vadd.f32 v43, v55;
	v43 =	vld [tilespmem:s21+$0xC490]  }
0x224: {  	[tilespmem:s21+$0xC0B0] =	vst v40;
	v40 =	vadd.f32 v44, v51;
	v44 =	vld [tilespmem:s21+$0xC4A0]  }
0x225: {  	[tilespmem:s21+$0xC0C0] =	vst v39;
	v39 =	vadd.f32 v45, v52;
	v45 =	vld [tilespmem:s21+$0xC4B0]  }
0x226: {  	[tilespmem:s21+$0xC0D0] =	vst v40;
	v40 =	vadd.f32 v46, v41;
	v41 =	vld [tilespmem:s21+$0xC4C0]  }
0x227: {  	[tilespmem:s21+$0xC0E0] =	vst v39;
	v39 =	vadd.f32 v47, v42;
	v42 =	vld [tilespmem:s21+$0xC4D0]  }
0x228: {  	[tilespmem:s21+$0xC0F0] =	vst v40;
	v40 =	vadd.f32 v48, v43;
	v43 =	vld [tilespmem:s21+$0xC4E0]  }
0x229: {  	[tilespmem:s21+$0xC480] =	vst v39;
	v39 =	vadd.f32 v49, v44;
	v44 =	vld [tilespmem:s21+$0xC4F0]  }
0x22a: {  	[tilespmem:s21+$0xC490] =	vst v40;
	v40 =	vadd.f32 v50, v45;
	v45 =	vld [tilespmem:s21+$0xC880]  }
0x22b: {  	[tilespmem:s21+$0xC4A0] =	vst v39;
	v38 =	vadd.f32 v38, v41;
	v39 =	vld [tilespmem:s21+$0xC890]  }
0x22c: {  	[tilespmem:s21+$0xC4B0] =	vst v40;
	v37 =	vadd.f32 v37, v42;
	v40 =	vld [tilespmem:s21+$0xC8A0]  }
0x22d: {  	[tilespmem:s21+$0xC4C0] =	vst v38;
	v36 =	vadd.f32 v36, v43;
	v38 =	vld [tilespmem:s21+$0xC8B0]  }
0x22e: {  	[tilespmem:s21+$0xC4D0] =	vst v37;
	v35 =	vadd.f32 v35, v44;
	v37 =	vld [tilespmem:s21+$0xC8C0]  }
0x22f: {  	[tilespmem:s21+$0xC4E0] =	vst v36;
	v34 =	vadd.f32 v34, v45;
	v36 =	vld [tilespmem:s21+$0xC8D0]  }
0x230: {  	[tilespmem:s21+$0xC4F0] =	vst v35;
	v33 =	vadd.f32 v33, v39;
	v35 =	vld [tilespmem:s21+$0xC8E0]  }
0x231: {  	[tilespmem:s21+$0xC880] =	vst v34;
	v32 =	vadd.f32 v32, v40;
	v34 =	vld [tilespmem:s21+$0xC8F0]  }
0x232: {  	[tilespmem:s21+$0xC890] =	vst v33;
	v31 =	vadd.f32 v31, v38;
	v33 =	vld [tilespmem:s21+$0xCC80]  }
0x233: {  	[tilespmem:s21+$0xC8A0] =	vst v32;
	v30 =	vadd.f32 v30, v37;
	v32 =	vld [tilespmem:s21+$0xCC90]  }
0x234: {  	[tilespmem:s21+$0xC8B0] =	vst v31;
	v29 =	vadd.f32 v29, v36;
	v31 =	vld [tilespmem:s21+$0xCCA0]  }
0x235: {  	[tilespmem:s21+$0xC8C0] =	vst v30;
	v28 =	vadd.f32 v28, v35;
	v30 =	vld [tilespmem:s21+$0xCCB0]  }
0x236: {  	[tilespmem:s21+$0xC8D0] =	vst v29;
	v27 =	vadd.f32 v27, v34;
	v29 =	vld [tilespmem:s21+$0xCCC0]  }
0x237: {  	[tilespmem:s21+$0xC8E0] =	vst v28;
	v26 =	vadd.f32 v26, v33;
	v28 =	vld [tilespmem:s21+$0xCCD0]  }
0x238: {  	[tilespmem:s21+$0xC8F0] =	vst v27;
	v25 =	vadd.f32 v25, v32;
	v27 =	vld [tilespmem:s21+$0xCCE0]  }
0x239: {  	[tilespmem:s21+$0xCC80] =	vst v26;
	v24 =	vadd.f32 v24, v31;
	v26 =	vld [tilespmem:s21+$0xCCF0]  }
0x23a: {  	[tilespmem:s21+$0xCC90] =	vst v25;
	v23 =	vadd.f32 v23, v30;
	v25 =	vld [tilespmem:s21+$0xD080]  }
0x23b: {  	[tilespmem:s21+$0xCCA0] =	vst v24;
	v22 =	vadd.f32 v22, v29;
	v24 =	vld [tilespmem:s21+$0xD090]  }
0x23c: {  	[tilespmem:s21+$0xCCB0] =	vst v23;
	v21 =	vadd.f32 v21, v28;
	v23 =	vld [tilespmem:s21+$0xD0A0]  }
0x23d: {  	[tilespmem:s21+$0xCCC0] =	vst v22;
	v20 =	vadd.f32 v20, v27;
	v22 =	vld [tilespmem:s21+$0xD0B0]  }
0x23e: {  	[tilespmem:s21+$0xCCD0] =	vst v21;
	v19 =	vadd.f32 v19, v26;
	v21 =	vld [tilespmem:s21+$0xD0C0]  }
0x23f: {  	[tilespmem:s21+$0xCCE0] =	vst v20;
	v18 =	vadd.f32 v18, v25;
	v20 =	vld [tilespmem:s21+$0xD0D0]  }
0x240: {  	[tilespmem:s21+$0xCCF0] =	vst v19;
	v17 =	vadd.f32 v17, v24;
	v19 =	vld [tilespmem:s21+$0xD0E0]  }
.Ltmp1:
0x241: {  	[tilespmem:s21+$0xD080] =	vst v18;
	v18 =	vadd.f32 v16, v23;
	v16 =	vld [tilespmem:s21+$0xD0F0];
	(pc) =	sbr.rel @p0 .LBB2_4-.Ltmp1, $4  }
0x242: {  	[tilespmem:s21+$0xD090] =	vst v17;
	v17 =	vadd.f32 v15, v22;
	v15 =	vld [tilespmem:s21+$0xD480]  }
0x243: {  	[tilespmem:s21+$0xD0A0] =	vst v18;
	v21 =	vadd.f32 v14, v21;
	v14 =	vld [tilespmem:s21+$0xD490]  }
0x244: {  	[tilespmem:s21+$0xD0B0] =	vst v17;
	v18 =	vadd.f32 v13, v20;
	v13 =	vld [tilespmem:s21+$0xD4A0]  }
0x245: {  	s22 =	sadd.s32 $0x1, s22;
	[tilespmem:s21+$0xD0C0] =	vst v21;
	v17 =	vadd.f32 v12, v19;
	v12 =	vld [tilespmem:s21+$0xD4B0]  }
0x246: {  	[tilespmem:s21+$0xD0D0] =	vst v18;
	v60 =	vld [tilespmem:s21+$0xD4C0];
	v11 =	vadd.f32 v11, v16  }
0x247: {  	v61 =	vld [tilespmem:s21+$0xD4D0];
	[tilespmem:s21+$0xD0E0] =	vst v17;
	v10 =	vadd.f32 v10, v15  }
0x248: {  	v62 =	vld [tilespmem:s21+$0xD4E0];
	[tilespmem:s21+$0xD0F0] =	vst v11;
	v9 =	vadd.f32 v9, v14  }
0x249: {  	v63 =	vld [tilespmem:s21+$0xD4F0];
	[tilespmem:s21+$0xD480] =	vst v10;
	v8 =	vadd.f32 v8, v13  }
0x24a: {  	[tilespmem:s21+$0xD490] =	vst v9;
	v7 =	vadd.f32 v7, v12  }
0x24b: {  	[tilespmem:s21+$0xD4A0] =	vst v8;
	v6 =	vadd.f32 v6, v60  }
0x24c: {  	v5 =	vadd.f32 v5, v61;
	[tilespmem:s21+$0xD4B0] =	vst v7  }
0x24d: {  	v4 =	vadd.f32 v4, v62;
	[tilespmem:s21+$0xD4C0] =	vst v6  }
0x24e: {  	s20 =	sadd.s32 $0x1, s20;
	v3 =	vadd.f32 v3, v63;
	[tilespmem:s21+$0xD4D0] =	vst v5  }
0x24f: {  	p0 =	sne.s32 s20, s11;
	[tilespmem:s21+$0xD4E0] =	vst v4  }
.Ltmp2:
0x250: {  	[tilespmem:s21+$0xD4F0] =	vst v3;
	(pc) =	sbr.rel @p0 .LBB2_1-.Ltmp2, $4  }
0x251: {  	[hbm4b:s10+s2] =	stream.linear.scatter [tilespmem:s13], [sflag:$0x2], $0xC000, $0x38;
	[tilespmem:$0x18080] =	vst v63  }
0x252: {  	_ =	swait.ge [sflag:s12], $0xC000  }
0x253: {  	[sflag:s12] =	ssyncset.done $0x0  }
0x254: {  	[sflag:s12] =	ssyncadd.s32 $0xFFFF4000  }
0x255: {  	_ =	sfence.sel $0x180000  }
0x256: {  	[bflag:$0x0] =	sbarrier.arrive $0xFFFF  }
0x257: {  	_ =	strace $0x9000004A  }
0x258: {  	s0 =	stileid.u32;
	[bflag:$0x2] =	sbarrier.arrive $0xFFFF  }
0x259: {  	p0 =	sne.s32 s0, $0x0;
	s0 =	rddreg [dreg:$0x2]  }
0x25a: {  	s0 =	sadd.s32 @!p0 $0x100000, s0  }
0x25b: {  	[sflag:s0] =	ssyncadd.tile.s32 @!p0 $0x1;
	_ =	shalt  }
.Lfunc_end2:
_tile_overlayer_lowered:
.L_overlay_start_2:
0x25c: {  	(tag) =	ssettag $0x2  }
0x25d: {  	s0 =	rddreg [dreg:$0x0];
	s2 =	stileid.u32  }
0x25e: {  	s1 =	rddreg [dreg:$0x1];
	p0 =	sne.s32 s2, $0x0  }
0x25f: {  	s3 =	rddreg [dreg:$0x2];
	[bflag:$0x3] =	sbarrier.arrive $0xFFFF;
	s2 =	simm.s32 @!p0 $0x1C02  }
0x260: {  	[timem:s3], [sflag:s2] =	dma.local @!p0 [hbm:s0], s1  }
0x261: {  	s0 =	simm.s32 @!p0 $0x2  }
0x262: {  	_ =	swait.ge @!p0 [sflag:s0], s1  }
0x263: {  	s1 =	ssub.s32 @!p0 $0x0, s1;
	[sflag:s0] =	ssyncset.done @!p0 $0x0  }
0x264: {  	[sflag:s0] =	ssyncadd.s32 @!p0 s1  }
0x265: {  	[bflag:$0x3] =	sbarrier.arrive $0xFFFF  }
0x266: {  	_ =	shalt  }

</sc_bundles>
